<compile_context>
chip_gen: v7x
topology: tpu7x:2x2x1
jax: 0.10.2.dev20260603
libtpu: 0.0.44.dev20260713+nightly
codegen_flags: <defaults>
</compile_context>

<pallas_src>
import functools
import jax
import jax.numpy as jnp
from jax import lax
from jax.experimental import pallas as pl
from jax.experimental.pallas import tpu as pltpu
from jax.experimental.pallas import tpu_sc as plsc

N = 10000
E = 320000
D_IN = 128
WIDTH = 256

NC, NS, L = 2, 16, 16
NW = NC * NS
N_PAD = 10240
RPS = N_PAD // NS
C = 128
NCHUNK = 80
EPW = NCHUNK * C
E_PAD = NW * EPW

_mesh = lambda: plsc.VectorSubcoreMesh(core_axis_name="c", subcore_axis_name="s")


def _zero_vmem_2d(ref, rows, cols):
    def body(i, _):
        r = i // (cols // L)
        k = i % (cols // L)
        ref[r, pl.ds(k * L, L)] = jnp.zeros((L,), jnp.float32)
        return 0
    lax.fori_loop(0, rows * (cols // L), body, 0)



@functools.partial(
    pl.kernel,
    out_type=jax.ShapeDtypeStruct((NC, N_PAD), jnp.float32),
    mesh=_mesh(),
    scratch_types=[
        pltpu.VMEM((NCHUNK, 2, C), jnp.int32),
        pltpu.VMEM((C,), jnp.float32),
        pltpu.VMEM((16, D_IN), jnp.float32),
        pltpu.SemaphoreType.DMA,
        pltpu.VMEM_SHARED((N_PAD,), jnp.float32),
    ],
)
def _deg_kernel(eidx_hbm, out_hbm, ei_all, ones_v, slab_v, sem, deg_sh):
    cid = lax.axis_index("c")
    sid = lax.axis_index("s")
    wid = cid * NS + sid
    _zero_vmem_2d(slab_v, 16, D_IN)
    def zc(k, _):
        pltpu.sync_copy(slab_v.at[0], deg_sh.at[pl.ds(sid * RPS + k * D_IN, D_IN)])
        return 0
    lax.fori_loop(0, RPS // D_IN, zc, 0)
    def fill(i, _):
        ones_v[pl.ds(i * L, L)] = jnp.ones((L,), jnp.float32)
        return 0
    lax.fori_loop(0, C // L, fill, 0)
    pltpu.sync_copy(eidx_hbm.at[wid], ei_all)
    plsc.subcore_barrier()

    GB = 16
    def group(g, _):
        descs = [pltpu.async_copy(ones_v, deg_sh.at[ei_all.at[g * GB + j, 1]],
                                  sem, add=True) for j in range(GB)]
        for d in descs:
            d.wait()
        return 0
    lax.fori_loop(0, NCHUNK // GB, group, 0)
    plsc.subcore_barrier()
    pltpu.sync_copy(deg_sh.at[pl.ds(sid * RPS, RPS)],
                    out_hbm.at[cid, pl.ds(sid * RPS, RPS)])



@functools.partial(
    pl.kernel,
    out_type=(
        jax.ShapeDtypeStruct((NC, N_PAD, D_IN), jnp.float32),
        jax.ShapeDtypeStruct((NC, N_PAD), jnp.float32),
    ),
    mesh=_mesh(),
    scratch_types=[
        pltpu.VMEM((4, 2, C), jnp.int32),
        pltpu.VMEM((C, D_IN), jnp.float32),
        pltpu.VMEM((C, D_IN), jnp.float32),
        pltpu.VMEM((C,), jnp.float32),
        pltpu.VMEM((C,), jnp.float32),
        pltpu.VMEM((16, D_IN), jnp.float32),
        pltpu.SemaphoreType.DMA,
        pltpu.SemaphoreType.DMA,
        pltpu.SemaphoreType.DMA,
        pltpu.SemaphoreType.DMA,
        pltpu.SemaphoreType.DMA,
        pltpu.SemaphoreType.DMA,
        pltpu.SemaphoreType.DMA,
        pltpu.SemaphoreType.DMA,
        pltpu.SemaphoreType.DMA,
        pltpu.SemaphoreType.DMA,
        pltpu.SemaphoreType.DMA,
        pltpu.SemaphoreType.DMA,
        pltpu.VMEM_SHARED((N_PAD, D_IN), jnp.float32),
        pltpu.VMEM_SHARED((N_PAD,), jnp.float32),
        pltpu.VMEM_SHARED((N_PAD,), jnp.float32),
    ],
)
def _edge_kernel(eidx_hbm, m_hbm, norm_hbm, agg_out, c_out,
                 ei_ring, rows0, rows1, vals0, vals1, slab_v,
                 si0, si1, si2, si3, sg0, sg1, vg0, vg1,
                 sr0, sr1, vs0, vs1,
                 agg_sh, c_sh, norm_sh):
    cid = lax.axis_index("c")
    sid = lax.axis_index("s")
    wid = cid * NS + sid
    rows = (rows0, rows1)
    vals = (vals0, vals1)
    semi = (si0, si1, si2, si3)
    semg = (sg0, sg1)
    semv = (vg0, vg1)
    semsr = (sr0, sr1)
    semsc = (vs0, vs1)

    _zero_vmem_2d(slab_v, 16, D_IN)
    def zbody(k, _):
        descs = [pltpu.async_copy(
            slab_v, agg_sh.at[pl.ds(sid * RPS + (8 * k + j) * 16, 16)], sg0)
            for j in range(8)]
        for d in descs:
            d.wait()
        return 0
    lax.fori_loop(0, RPS // 128, zbody, 0)
    def zc(k, _):
        pltpu.sync_copy(slab_v.at[0], c_sh.at[pl.ds(sid * RPS + k * D_IN, D_IN)])
        return 0
    lax.fori_loop(0, RPS // D_IN, zc, 0)
    @pl.when(sid == 0)
    def _():
        pltpu.sync_copy(norm_hbm, norm_sh)
    _zero_vmem_2d(rows1, C, D_IN)
    def zv(i, _):
        vals1[pl.ds(i * L, L)] = jnp.zeros((L,), jnp.float32)
        return 0
    lax.fori_loop(0, C // L, zv, 0)
    plsc.subcore_barrier()

    def i_issue(i, q):
        pltpu.async_copy(eidx_hbm.at[wid, i], ei_ring.at[q], semi[q])

    def i_wait(i, q):
        pltpu.make_async_copy(eidx_hbm.at[wid, i], ei_ring.at[q], semi[q]).wait()

    def g_issue(q, b):
        pltpu.async_copy(m_hbm.at[ei_ring.at[q, 0]], rows[b], semg[b])
        pltpu.async_copy(norm_sh.at[ei_ring.at[q, 1]], vals[b], semv[b])

    def g_wait(q, b):
        pltpu.make_async_copy(m_hbm.at[ei_ring.at[q, 0]], rows[b], semg[b]).wait()
        pltpu.make_async_copy(norm_sh.at[ei_ring.at[q, 1]], vals[b], semv[b]).wait()

    def s_issue(q, b):
        pltpu.async_copy(rows[b], agg_sh.at[ei_ring.at[q, 1]], semsr[b], add=True)
        pltpu.async_copy(vals[b], c_sh.at[ei_ring.at[q, 0]], semsc[b], add=True)

    def s_wait(q, b):
        pltpu.make_async_copy(rows[b], agg_sh.at[ei_ring.at[q, 1]], semsr[b]).wait()
        pltpu.make_async_copy(vals[b], c_sh.at[ei_ring.at[q, 0]], semsc[b]).wait()

    pltpu.sync_copy(eidx_hbm.at[wid, 0], ei_ring.at[0])
    i_issue(1, 1)
    s_issue(0, 1)
    g_issue(0, 0)

    def quad(k, _):
        i0 = 4 * k
        for p in range(4):
            i = i0 + p
            b = p % 2
            q = p
            g_wait(q, b)
            s_issue(q, b)
            s_wait((q - 1) % 4, 1 - b)
            @pl.when(i + 2 < NCHUNK)
            def _():
                i_issue(i + 2, (q + 2) % 4)
            @pl.when(i + 1 < NCHUNK)
            def _():
                i_wait(i + 1, (q + 1) % 4)
                g_issue((q + 1) % 4, 1 - b)
        return 0
    lax.fori_loop(0, NCHUNK // 4, quad, 0)
    s_wait(3, 1)
    plsc.subcore_barrier()

    pltpu.sync_copy(agg_sh.at[pl.ds(sid * RPS, RPS)],
                    agg_out.at[cid, pl.ds(sid * RPS, RPS)])
    pltpu.sync_copy(c_sh.at[pl.ds(sid * RPS, RPS)],
                    c_out.at[cid, pl.ds(sid * RPS, RPS)])



def _tc1_body(dp_ref, x_ref, m_ref, norm_ref):
    dp = dp_ref[...]
    nrm = lax.rsqrt(jnp.maximum(dp[0] + dp[1], 1.0))
    norm_ref[...] = nrm
    m_ref[pl.ds(0, N), :] = x_ref[...] * nrm[:N]
    m_ref[pl.ds(N, N_PAD - N), :] = jnp.zeros((N_PAD - N, D_IN), jnp.float32)



BN = 2048
G = N_PAD // BN

def _tc2_body(ap, nrm, cp, W1, b1, W2, b2, out_ref):
    i = pl.program_id(0)
    a3 = ap[...]
    a = (a3[0] + a3[1]) * nrm[...]
    h = jnp.maximum(
        jnp.dot(a, W1[...], preferred_element_type=jnp.float32) + b1[...], 0.0)
    v = jnp.dot(h, W2[...], preferred_element_type=jnp.float32)
    ridx = lax.broadcasted_iota(jnp.int32, (BN, 1), 0) + i * BN
    cmask = jnp.where(ridx < N, 1.0, 0.0)
    c3 = cp[...]
    part = jnp.sum(v * nrm[...] * (c3[0] + c3[1]) * cmask)
    prev = jnp.where(i == 0, jnp.zeros((1, 1), jnp.float32), out_ref[...])
    acc = prev + part
    out_ref[...] = jnp.where(i == G - 1, acc / N + b2[...], acc)


def kernel(x, edge_index, W1, b1, W2, b2):
    src = edge_index[0].astype(jnp.int32)
    dst = edge_index[1].astype(jnp.int32)
    ppw = EPW - E // NW
    pads = jnp.broadcast_to(jnp.arange(ppw, dtype=jnp.int32) + N, (NW, ppw))
    srcp = jnp.concatenate([src.reshape(NW, E // NW), pads], axis=1)
    dstp = jnp.concatenate([dst.reshape(NW, E // NW), pads], axis=1)
    eidx = jnp.concatenate(
        [srcp.reshape(NW, NCHUNK, 1, C), dstp.reshape(NW, NCHUNK, 1, C)],
        axis=2)

    deg_parts = _deg_kernel(eidx)

    m, norm_col = pl.pallas_call(
        _tc1_body,
        out_shape=(
            jax.ShapeDtypeStruct((N_PAD, D_IN), jnp.float32),
            jax.ShapeDtypeStruct((N_PAD, 1), jnp.float32),
        ),
    )(deg_parts.reshape(NC, N_PAD, 1), x)

    agg_parts, c_parts = _edge_kernel(eidx, m, norm_col.reshape(N_PAD))

    blk = lambda *s: pl.BlockSpec(s, lambda i: (0,) * len(s))
    out2d = pl.pallas_call(
        _tc2_body,
        grid=(G,),
        in_specs=[
            pl.BlockSpec((2, BN, D_IN), lambda i: (0, i, 0)),
            pl.BlockSpec((BN, 1), lambda i: (i, 0)),
            pl.BlockSpec((2, BN, 1), lambda i: (0, i, 0)),
            blk(D_IN, WIDTH), blk(1, WIDTH), blk(WIDTH, 1), blk(1, 1),
        ],
        out_specs=pl.BlockSpec((1, 1), lambda i: (0, 0)),
        out_shape=jax.ShapeDtypeStruct((1, 1), jnp.float32),
    )(agg_parts, norm_col, c_parts.reshape(NC, N_PAD, 1),
      W1, b1.reshape(1, WIDTH), W2, b2.reshape(1, 1))

    return out2d[0, 0]

# --- scband reference (transcript-rebuilt; emitter-appended) ---
"""Pipeline reference for scband-simple-gcn-7258494730282 (READ-ONLY COPY).

The authoritative reference and input builder live on the scoring server;
editing this copy changes nothing except your own understanding.
"""

import jax, jax.numpy as jnp
import numpy as np

N = 10000
E = 320000
D_IN = 128
WIDTH = 256


def setup_inputs(seed: int = 0) -> dict:
    key = jax.random.key(seed)
    k_x, k_e, k_w1, k_b1, k_w2, k_b2 = [jax.random.fold_in(key, i) for i in range(6)]
    x = jax.random.normal(k_x, (N, D_IN), dtype=jnp.float32)
    edge_index = jax.random.randint(k_e, (2, E), 0, N, dtype=jnp.int64)
    # GraphConv layer1: in_features=128 -> width=256 (Glorot init, as in DGL GraphConv)
    s1 = float(np.sqrt(6.0 / (D_IN + WIDTH)))
    W1 = jax.random.uniform(k_w1, (D_IN, WIDTH), dtype=jnp.float32, minval=-s1, maxval=s1)
    b1 = jnp.zeros((WIDTH,), dtype=jnp.float32)
    # GraphConv layer2: width=256 -> 1
    s2 = float(np.sqrt(6.0 / (WIDTH + 1)))
    W2 = jax.random.uniform(k_w2, (WIDTH, 1), dtype=jnp.float32, minval=-s2, maxval=s2)
    b2 = jnp.zeros((1,), dtype=jnp.float32)
    return {"x": x, "edge_index": edge_index, "W1": W1, "b1": b1, "W2": W2, "b2": b2}


def _gcn_conv(x, edge_index, W, b):
    # DGL GraphConv with norm='both': out = D^{-1/2} A D^{-1/2} X W + b
    src = edge_index[0]
    dst = edge_index[1]
    deg = jnp.zeros((N,), dtype=x.dtype).at[dst].add(1.0)
    norm = jax.lax.rsqrt(jnp.clip(deg, 1.0, None))
    m = x * norm[:, None]            # scale by source-side norm
    gathered = jnp.take(m, src, axis=0)  # gather messages from source nodes
    agg = jnp.zeros((N, x.shape[1]), dtype=x.dtype).at[dst].add(gathered)  # scatter-add to dst
    agg = agg * norm[:, None]        # scale by destination-side norm
    return agg @ W + b


def reference(x, edge_index, W1, b1, W2, b2):
    # SimpleGCN.forward: two GraphConv layers (ReLU between), then mean readout, squeeze
    h = jax.nn.relu(_gcn_conv(x, edge_index, W1, b1))
    h = _gcn_conv(h, edge_index, W2, b2)
    out = jnp.mean(h, axis=0)  # AvgPooling over nodes of the single graph -> [1]
    return jnp.squeeze(out)

if __name__ == "__main__":
    import jax
    _d = setup_inputs()
    print(jax.jit(kernel)(*tuple(_d.values())))

</pallas_src>

<mosaic_0001>
#map = affine_map<(d0, d1) -> (0, 0, 0, 0)>
#map1 = affine_map<(d0, d1) -> (0, 0)>
module attributes {stable_mosaic.version = 14 : i64} {
  func.func @_deg_kernel(%arg0: i32, %arg1: i32, %arg2: memref<32x80x2x128xi32, #tpu.memory_space<hbm>>, %arg3: memref<2x10240xf32, #tpu.memory_space<hbm>>, %arg4: memref<80x2x128xi32, #tpu.memory_space<vmem>>, %arg5: memref<128xf32, #tpu.memory_space<vmem>>, %arg6: memref<16x128xf32, #tpu.memory_space<vmem>>, %arg7: memref<!tpu.dma_semaphore, #tpu.memory_space<semaphore_mem>>, %arg8: memref<10240xf32, #tpu.memory_space<vmem_shared>>) attributes {dimension_semantics = [#tpu.dimension_semantics<core_parallel>, #tpu.dimension_semantics<subcore_parallel>], iteration_bounds = array<i64: 2, 16>, scalar_prefetch = 0 : i64, scratch_operands = 5 : i64, tpu.core_type = #tpu.core_type<sc_vector_subcore>, window_params = [{transform_indices = #map}, {transform_indices = #map1}]} {
    %mul3A = arith.constant 16 : i32
    %mul3A_0 = arith.muli %arg0, %mul3A : i32
    %add3A = arith.addi %mul3A_0, %arg1 : i32
    %scan3A = arith.constant 0 : i32
    %scan3A_1 = arith.constant 0 : i32
    %scan3A_2 = arith.constant 128 : i32
    %scan3A_3 = arith.addi %scan3A_1, %scan3A_2 : i32
    %scan3A_4 = arith.constant 1 : i32
    %scan3A_5 = scf.for %scan3A_33 = %scan3A_1 to %scan3A_3 step %scan3A_4 iter_args(%scan3A_34 = %scan3A) -> (i32)  : i32 {
      %jit3A = arith.constant 8 : i32
      %div3A = arith.divsi %scan3A_33, %jit3A : i32
      %sign3A = arith.constant 0 : i32
      %sign3A_35 = arith.cmpi sgt, %scan3A_33, %sign3A : i32
      %sign3A_36 = arith.extui %sign3A_35 : i1 to i32
      %sign3A_37 = arith.constant 0 : i32
      %sign3A_38 = arith.cmpi slt, %scan3A_33, %sign3A_37 : i32
      %sign3A_39 = arith.extui %sign3A_38 : i1 to i32
      %sign3A_40 = arith.subi %sign3A_36, %sign3A_39 : i32
      %sign3A_41 = arith.constant 0 : i32
      %sign3A_42 = arith.cmpi sgt, %jit3A, %sign3A_41 : i32
      %sign3A_43 = arith.extui %sign3A_42 : i1 to i32
      %sign3A_44 = arith.constant 0 : i32
      %sign3A_45 = arith.cmpi slt, %jit3A, %sign3A_44 : i32
      %sign3A_46 = arith.extui %sign3A_45 : i1 to i32
      %sign3A_47 = arith.subi %sign3A_43, %sign3A_46 : i32
      %ne3A = arith.cmpi ne, %sign3A_40, %sign3A_47 : i32
      %rem3A = arith.remsi %scan3A_33, %jit3A : i32
      %ne3A_48 = arith.constant 0 : i32
      %ne3A_49 = arith.cmpi ne, %rem3A, %ne3A_48 : i32
      %and3A = arith.andi %ne3A, %ne3A_49 : i1
      %sub3A = arith.constant 1 : i32
      %sub3A_50 = arith.subi %div3A, %sub3A : i32
      %select_n3A = arith.select %and3A, %sub3A_50, %div3A : i32
      %jit3A_51 = arith.constant 8 : i32
      %eq3A = arith.constant 0 : i32
      %eq3A_52 = arith.cmpi eq, %jit3A_51, %eq3A : i32
      %jit3A_53 = arith.constant 1 : i32
      %select_n3A_54 = arith.select %eq3A_52, %jit3A_53, %jit3A_51 : i32
      %rem3A_55 = arith.remsi %scan3A_33, %select_n3A_54 : i32
      %ne3A_56 = arith.constant 0 : i32
      %ne3A_57 = arith.cmpi ne, %rem3A_55, %ne3A_56 : i32
      %lt3A = arith.constant 0 : i32
      %lt3A_58 = arith.cmpi slt, %rem3A_55, %lt3A : i32
      %lt3A_59 = arith.constant 0 : i32
      %lt3A_60 = arith.cmpi slt, %select_n3A_54, %lt3A_59 : i32
      %ne3A_61 = arith.xori %lt3A_58, %lt3A_60 : i1
      %and3A_62 = arith.andi %ne3A_61, %ne3A_57 : i1
      %add3A_63 = arith.addi %rem3A_55, %select_n3A_54 : i32
      %select_n3A_64 = arith.select %and3A_62, %add3A_63, %rem3A_55 : i32
      %broadcast_in_dim3A = arith.constant 0.000000e+00 : f32
      %broadcast_in_dim3A_65 = vector.broadcast %broadcast_in_dim3A : f32 to vector<16xf32>
      %mul3A_66 = arith.constant 16 : i32
      %mul3A_67 = arith.muli %select_n3A_64, %mul3A_66 : i32
      %swap3A = arith.index_cast %select_n3A : i32 to index
      %swap3A_68 = arith.index_cast %mul3A_67 : i32 to index
      %swap3A_69 = tpu.vector_load %arg6[%swap3A, %swap3A_68] {strides = array<i32>} : memref<16x128xf32, #tpu.memory_space<vmem>>, vector<1x16xf32>,
      %swap3A_70 = vector.shape_cast %swap3A_69 : vector<1x16xf32> to vector<16xf32>
      %swap3A_71 = vector.shape_cast %broadcast_in_dim3A_65 : vector<16xf32> to vector<1x16xf32>
      tpu.vector_store %arg6[%swap3A, %swap3A_68], %swap3A_71 {strides = array<i32>} : memref<16x128xf32, #tpu.memory_space<vmem>>, vector<1x16xf32>,
      %scan3A_72 = arith.constant 0 : i32
      scf.yield %scan3A_72 : i32
    }
    %scan3A_6 = arith.constant 128 : i32
    %scan3A_7 = arith.constant 0 : i32
    %scan3A_8 = arith.constant 0 : i32
    %scan3A_9 = arith.constant 5 : i32
    %scan3A_10 = arith.addi %scan3A_8, %scan3A_9 : i32
    %scan3A_11 = arith.constant 1 : i32
    %scan3A_12 = scf.for %scan3A_33 = %scan3A_8 to %scan3A_10 step %scan3A_11 iter_args(%scan3A_34 = %scan3A_7) -> (i32)  : i32 {
      %mul3A_35 = arith.constant 640 : i32
      %mul3A_36 = arith.muli %arg1, %mul3A_35 : i32
      %mul3A_37 = arith.constant 128 : i32
      %mul3A_38 = arith.muli %scan3A_33, %mul3A_37 : i32
      %add3A_39 = arith.addi %mul3A_36, %mul3A_38 : i32
      %run_scoped3A = arith.constant 0 : i32
      "tpu.region"() ({
        %run_scoped3A_41 = tpu.sem_alloc : memref<!tpu.dma_semaphore, #tpu.memory_space<semaphore_mem>>
        %dma_start3A = arith.constant 0 : i32
        %dma_start3A_42 = tpu.memref_slice %arg6[%run_scoped3A, %dma_start3A] : memref<16x128xf32, #tpu.memory_space<vmem>> -> memref<1x128xf32, #tpu.memory_space<vmem>>
        %dma_start3A_43 = tpu.memref_squeeze %dma_start3A_42 : memref<1x128xf32, #tpu.memory_space<vmem>> -> memref<128xf32, #tpu.memory_space<vmem>>
        %dma_start3A_44 = tpu.memref_slice %arg8[%add3A_39] : memref<10240xf32, #tpu.memory_space<vmem_shared>> -> memref<128xf32, #tpu.memory_space<vmem_shared>>
        %dma_start3A_45 = tpu.memref_slice %arg8[%add3A_39] : memref<10240xf32, #tpu.memory_space<vmem_shared>> -> memref<128xf32, #tpu.memory_space<vmem_shared>>
        %dma_start3A_46 = arith.constant 0 : i32
        %dma_start3A_47 = tpu.memref_slice %arg6[%run_scoped3A, %dma_start3A_46] : memref<16x128xf32, #tpu.memory_space<vmem>> -> memref<1x128xf32, #tpu.memory_space<vmem>>
        %dma_start3A_48 = tpu.memref_squeeze %dma_start3A_47 : memref<1x128xf32, #tpu.memory_space<vmem>> -> memref<128xf32, #tpu.memory_space<vmem>>
        tpu.enqueue_dma source(%dma_start3A_48 : memref<128xf32, #tpu.memory_space<vmem>>) target(%dma_start3A_45 : memref<128xf32, #tpu.memory_space<vmem_shared>>) target_semaphore(%run_scoped3A_41 : memref<!tpu.dma_semaphore, #tpu.memory_space<semaphore_mem>>)
        %dma_wait3A = arith.constant 0 : i32
        %dma_wait3A_49 = tpu.memref_slice %arg6[%run_scoped3A, %dma_wait3A] : memref<16x128xf32, #tpu.memory_space<vmem>> -> memref<1x128xf32, #tpu.memory_space<vmem>>
        %dma_wait3A_50 = tpu.memref_squeeze %dma_wait3A_49 : memref<1x128xf32, #tpu.memory_space<vmem>> -> memref<128xf32, #tpu.memory_space<vmem>>
        %dma_wait3A_51 = tpu.memref_slice %arg8[%add3A_39] : memref<10240xf32, #tpu.memory_space<vmem_shared>> -> memref<128xf32, #tpu.memory_space<vmem_shared>>
        %dma_wait3A_52 = tpu.memref_slice %arg8[%add3A_39] : memref<10240xf32, #tpu.memory_space<vmem_shared>> -> memref<128xf32, #tpu.memory_space<vmem_shared>>
        %dma_wait3A_53 = arith.constant 0 : i32
        %dma_wait3A_54 = tpu.memref_slice %arg6[%run_scoped3A, %dma_wait3A_53] : memref<16x128xf32, #tpu.memory_space<vmem>> -> memref<1x128xf32, #tpu.memory_space<vmem>>
        %dma_wait3A_55 = tpu.memref_squeeze %dma_wait3A_54 : memref<1x128xf32, #tpu.memory_space<vmem>> -> memref<128xf32, #tpu.memory_space<vmem>>
        tpu.wait_dma2 semaphore(%run_scoped3A_41 : memref<!tpu.dma_semaphore, #tpu.memory_space<semaphore_mem>>) src(%dma_wait3A_55 : memref<128xf32, #tpu.memory_space<vmem>>) dst(%dma_wait3A_52 : memref<128xf32, #tpu.memory_space<vmem_shared>>)
        tpu.yield
      }) : () -> ()
      %scan3A_40 = arith.constant 0 : i32
      scf.yield %scan3A_40 : i32
    }
    %scan3A_13 = arith.constant 5 : i32
    %scan3A_14 = arith.constant 0 : i32
    %scan3A_15 = arith.constant 0 : i32
    %scan3A_16 = arith.constant 8 : i32
    %scan3A_17 = arith.addi %scan3A_15, %scan3A_16 : i32
    %scan3A_18 = arith.constant 1 : i32
    %scan3A_19 = scf.for %scan3A_33 = %scan3A_15 to %scan3A_17 step %scan3A_18 iter_args(%scan3A_34 = %scan3A_14) -> (i32)  : i32 {
      %broadcast_in_dim3A = arith.constant 1.000000e+00 : f32
      %broadcast_in_dim3A_35 = vector.broadcast %broadcast_in_dim3A : f32 to vector<16xf32>
      %mul3A_36 = arith.constant 16 : i32
      %mul3A_37 = arith.muli %scan3A_33, %mul3A_36 : i32
      %swap3A = arith.index_cast %mul3A_37 : i32 to index
      %swap3A_38 = tpu.vector_load %arg5[%swap3A] {strides = array<i32>} : memref<128xf32, #tpu.memory_space<vmem>>, vector<16xf32>,
      %swap3A_39 = vector.shape_cast %swap3A_38 : vector<16xf32> to vector<16xf32>
      %swap3A_40 = vector.shape_cast %broadcast_in_dim3A_35 : vector<16xf32> to vector<16xf32>
      tpu.vector_store %arg5[%swap3A], %swap3A_40 {strides = array<i32>} : memref<128xf32, #tpu.memory_space<vmem>>, vector<16xf32>,
      %scan3A_41 = arith.constant 0 : i32
      scf.yield %scan3A_41 : i32
    }
    %scan3A_20 = arith.constant 8 : i32
    "tpu.region"() ({
      %run_scoped3A = tpu.sem_alloc : memref<!tpu.dma_semaphore, #tpu.memory_space<semaphore_mem>>
      %dma_start3A = arith.constant 0 : i32
      %dma_start3A_33 = arith.constant 0 : i32
      %dma_start3A_34 = arith.constant 0 : i32
      %dma_start3A_35 = tpu.memref_slice %arg2[%add3A, %dma_start3A, %dma_start3A_33, %dma_start3A_34] : memref<32x80x2x128xi32, #tpu.memory_space<hbm>> -> memref<1x80x2x128xi32, #tpu.memory_space<hbm>>
      %dma_start3A_36 = tpu.memref_squeeze %dma_start3A_35 : memref<1x80x2x128xi32, #tpu.memory_space<hbm>> -> memref<80x2x128xi32, #tpu.memory_space<hbm>>
      %dma_start3A_37 = arith.constant 0 : i32
      %dma_start3A_38 = arith.constant 0 : i32
      %dma_start3A_39 = arith.constant 0 : i32
      %dma_start3A_40 = tpu.memref_slice %arg2[%add3A, %dma_start3A_37, %dma_start3A_38, %dma_start3A_39] : memref<32x80x2x128xi32, #tpu.memory_space<hbm>> -> memref<1x80x2x128xi32, #tpu.memory_space<hbm>>
      %dma_start3A_41 = tpu.memref_squeeze %dma_start3A_40 : memref<1x80x2x128xi32, #tpu.memory_space<hbm>> -> memref<80x2x128xi32, #tpu.memory_space<hbm>>
      tpu.enqueue_dma source(%dma_start3A_41 : memref<80x2x128xi32, #tpu.memory_space<hbm>>) target(%arg4 : memref<80x2x128xi32, #tpu.memory_space<vmem>>) target_semaphore(%run_scoped3A : memref<!tpu.dma_semaphore, #tpu.memory_space<semaphore_mem>>)
      %dma_wait3A = arith.constant 0 : i32
      %dma_wait3A_42 = arith.constant 0 : i32
      %dma_wait3A_43 = arith.constant 0 : i32
      %dma_wait3A_44 = tpu.memref_slice %arg2[%add3A, %dma_wait3A, %dma_wait3A_42, %dma_wait3A_43] : memref<32x80x2x128xi32, #tpu.memory_space<hbm>> -> memref<1x80x2x128xi32, #tpu.memory_space<hbm>>
      %dma_wait3A_45 = tpu.memref_squeeze %dma_wait3A_44 : memref<1x80x2x128xi32, #tpu.memory_space<hbm>> -> memref<80x2x128xi32, #tpu.memory_space<hbm>>
      %dma_wait3A_46 = arith.constant 0 : i32
      %dma_wait3A_47 = arith.constant 0 : i32
      %dma_wait3A_48 = arith.constant 0 : i32
      %dma_wait3A_49 = tpu.memref_slice %arg2[%add3A, %dma_wait3A_46, %dma_wait3A_47, %dma_wait3A_48] : memref<32x80x2x128xi32, #tpu.memory_space<hbm>> -> memref<1x80x2x128xi32, #tpu.memory_space<hbm>>
      %dma_wait3A_50 = tpu.memref_squeeze %dma_wait3A_49 : memref<1x80x2x128xi32, #tpu.memory_space<hbm>> -> memref<80x2x128xi32, #tpu.memory_space<hbm>>
      tpu.wait_dma2 semaphore(%run_scoped3A : memref<!tpu.dma_semaphore, #tpu.memory_space<semaphore_mem>>) src(%dma_wait3A_50 : memref<80x2x128xi32, #tpu.memory_space<hbm>>) dst(%arg4 : memref<80x2x128xi32, #tpu.memory_space<vmem>>)
      tpu.yield
    }) : () -> ()
    %barrier3A = arith.constant 0 : index
    tpu.barrier barrier_id(%barrier3A)
    %scan3A_21 = arith.constant 0 : i32
    %scan3A_22 = arith.constant 0 : i32
    %scan3A_23 = arith.constant 5 : i32
    %scan3A_24 = arith.addi %scan3A_22, %scan3A_23 : i32
    %scan3A_25 = arith.constant 1 : i32
    %scan3A_26 = scf.for %scan3A_33 = %scan3A_22 to %scan3A_24 step %scan3A_25 iter_args(%scan3A_34 = %scan3A_21) -> (i32)  : i32 {
      %mul3A_35 = arith.constant 16 : i32
      %mul3A_36 = arith.muli %scan3A_33, %mul3A_35 : i32
      %add3A_37 = arith.constant 0 : i32
      %add3A_38 = arith.addi %mul3A_36, %add3A_37 : i32
      %dma_start3A = arith.constant 1 : i32
      %dma_start3A_39 = arith.constant 0 : i32
      %dma_start3A_40 = tpu.memref_slice %arg4[%add3A_38, %dma_start3A, %dma_start3A_39] : memref<80x2x128xi32, #tpu.memory_space<vmem>> -> memref<1x1x128xi32, #tpu.memory_space<vmem>>
      %dma_start3A_41 = tpu.memref_squeeze %dma_start3A_40 : memref<1x1x128xi32, #tpu.memory_space<vmem>> -> memref<128xi32, #tpu.memory_space<vmem>>
      %dma_start3A_42 = arith.constant 0 : i32
      %dma_start3A_43 = tpu.memref_slice %arg8[%dma_start3A_42] : memref<10240xf32, #tpu.memory_space<vmem_shared>> -> memref<10240xf32, #tpu.memory_space<vmem_shared>>
      tpu.enqueue_indirect_dma source(%arg5 : memref<128xf32, #tpu.memory_space<vmem>>) target(%dma_start3A_43 : memref<10240xf32, #tpu.memory_space<vmem_shared>>) offsets(%dma_start3A_41 : memref<128xi32, #tpu.memory_space<vmem>>) semaphore(%arg7 : memref<!tpu.dma_semaphore, #tpu.memory_space<semaphore_mem>>) {add = true}
      %mul3A_44 = arith.constant 16 : i32
      %mul3A_45 = arith.muli %scan3A_33, %mul3A_44 : i32
      %add3A_46 = arith.constant 1 : i32
      %add3A_47 = arith.addi %mul3A_45, %add3A_46 : i32
      %dma_start3A_48 = arith.constant 1 : i32
      %dma_start3A_49 = arith.constant 0 : i32
      %dma_start3A_50 = tpu.memref_slice %arg4[%add3A_47, %dma_start3A_48, %dma_start3A_49] : memref<80x2x128xi32, #tpu.memory_space<vmem>> -> memref<1x1x128xi32, #tpu.memory_space<vmem>>
      %dma_start3A_51 = tpu.memref_squeeze %dma_start3A_50 : memref<1x1x128xi32, #tpu.memory_space<vmem>> -> memref<128xi32, #tpu.memory_space<vmem>>
      %dma_start3A_52 = arith.constant 0 : i32
      %dma_start3A_53 = tpu.memref_slice %arg8[%dma_start3A_52] : memref<10240xf32, #tpu.memory_space<vmem_shared>> -> memref<10240xf32, #tpu.memory_space<vmem_shared>>
      tpu.enqueue_indirect_dma source(%arg5 : memref<128xf32, #tpu.memory_space<vmem>>) target(%dma_start3A_53 : memref<10240xf32, #tpu.memory_space<vmem_shared>>) offsets(%dma_start3A_51 : memref<128xi32, #tpu.memory_space<vmem>>) semaphore(%arg7 : memref<!tpu.dma_semaphore, #tpu.memory_space<semaphore_mem>>) {add = true}
      %mul3A_54 = arith.constant 16 : i32
      %mul3A_55 = arith.muli %scan3A_33, %mul3A_54 : i32
      %add3A_56 = arith.constant 2 : i32
      %add3A_57 = arith.addi %mul3A_55, %add3A_56 : i32
      %dma_start3A_58 = arith.constant 1 : i32
      %dma_start3A_59 = arith.constant 0 : i32
      %dma_start3A_60 = tpu.memref_slice %arg4[%add3A_57, %dma_start3A_58, %dma_start3A_59] : memref<80x2x128xi32, #tpu.memory_space<vmem>> -> memref<1x1x128xi32, #tpu.memory_space<vmem>>
      %dma_start3A_61 = tpu.memref_squeeze %dma_start3A_60 : memref<1x1x128xi32, #tpu.memory_space<vmem>> -> memref<128xi32, #tpu.memory_space<vmem>>
      %dma_start3A_62 = arith.constant 0 : i32
      %dma_start3A_63 = tpu.memref_slice %arg8[%dma_start3A_62] : memref<10240xf32, #tpu.memory_space<vmem_shared>> -> memref<10240xf32, #tpu.memory_space<vmem_shared>>
      tpu.enqueue_indirect_dma source(%arg5 : memref<128xf32, #tpu.memory_space<vmem>>) target(%dma_start3A_63 : memref<10240xf32, #tpu.memory_space<vmem_shared>>) offsets(%dma_start3A_61 : memref<128xi32, #tpu.memory_space<vmem>>) semaphore(%arg7 : memref<!tpu.dma_semaphore, #tpu.memory_space<semaphore_mem>>) {add = true}
      %mul3A_64 = arith.constant 16 : i32
      %mul3A_65 = arith.muli %scan3A_33, %mul3A_64 : i32
      %add3A_66 = arith.constant 3 : i32
      %add3A_67 = arith.addi %mul3A_65, %add3A_66 : i32
      %dma_start3A_68 = arith.constant 1 : i32
      %dma_start3A_69 = arith.constant 0 : i32
      %dma_start3A_70 = tpu.memref_slice %arg4[%add3A_67, %dma_start3A_68, %dma_start3A_69] : memref<80x2x128xi32, #tpu.memory_space<vmem>> -> memref<1x1x128xi32, #tpu.memory_space<vmem>>
      %dma_start3A_71 = tpu.memref_squeeze %dma_start3A_70 : memref<1x1x128xi32, #tpu.memory_space<vmem>> -> memref<128xi32, #tpu.memory_space<vmem>>
      %dma_start3A_72 = arith.constant 0 : i32
      %dma_start3A_73 = tpu.memref_slice %arg8[%dma_start3A_72] : memref<10240xf32, #tpu.memory_space<vmem_shared>> -> memref<10240xf32, #tpu.memory_space<vmem_shared>>
      tpu.enqueue_indirect_dma source(%arg5 : memref<128xf32, #tpu.memory_space<vmem>>) target(%dma_start3A_73 : memref<10240xf32, #tpu.memory_space<vmem_shared>>) offsets(%dma_start3A_71 : memref<128xi32, #tpu.memory_space<vmem>>) semaphore(%arg7 : memref<!tpu.dma_semaphore, #tpu.memory_space<semaphore_mem>>) {add = true}
      %mul3A_74 = arith.constant 16 : i32
      %mul3A_75 = arith.muli %scan3A_33, %mul3A_74 : i32
      %add3A_76 = arith.constant 4 : i32
      %add3A_77 = arith.addi %mul3A_75, %add3A_76 : i32
      %dma_start3A_78 = arith.constant 1 : i32
      %dma_start3A_79 = arith.constant 0 : i32
      %dma_start3A_80 = tpu.memref_slice %arg4[%add3A_77, %dma_start3A_78, %dma_start3A_79] : memref<80x2x128xi32, #tpu.memory_space<vmem>> -> memref<1x1x128xi32, #tpu.memory_space<vmem>>
      %dma_start3A_81 = tpu.memref_squeeze %dma_start3A_80 : memref<1x1x128xi32, #tpu.memory_space<vmem>> -> memref<128xi32, #tpu.memory_space<vmem>>
      %dma_start3A_82 = arith.constant 0 : i32
      %dma_start3A_83 = tpu.memref_slice %arg8[%dma_start3A_82] : memref<10240xf32, #tpu.memory_space<vmem_shared>> -> memref<10240xf32, #tpu.memory_space<vmem_shared>>
      tpu.enqueue_indirect_dma source(%arg5 : memref<128xf32, #tpu.memory_space<vmem>>) target(%dma_start3A_83 : memref<10240xf32, #tpu.memory_space<vmem_shared>>) offsets(%dma_start3A_81 : memref<128xi32, #tpu.memory_space<vmem>>) semaphore(%arg7 : memref<!tpu.dma_semaphore, #tpu.memory_space<semaphore_mem>>) {add = true}
      %mul3A_84 = arith.constant 16 : i32
      %mul3A_85 = arith.muli %scan3A_33, %mul3A_84 : i32
      %add3A_86 = arith.constant 5 : i32
      %add3A_87 = arith.addi %mul3A_85, %add3A_86 : i32
      %dma_start3A_88 = arith.constant 1 : i32
      %dma_start3A_89 = arith.constant 0 : i32
      %dma_start3A_90 = tpu.memref_slice %arg4[%add3A_87, %dma_start3A_88, %dma_start3A_89] : memref<80x2x128xi32, #tpu.memory_space<vmem>> -> memref<1x1x128xi32, #tpu.memory_space<vmem>>
      %dma_start3A_91 = tpu.memref_squeeze %dma_start3A_90 : memref<1x1x128xi32, #tpu.memory_space<vmem>> -> memref<128xi32, #tpu.memory_space<vmem>>
      %dma_start3A_92 = arith.constant 0 : i32
      %dma_start3A_93 = tpu.memref_slice %arg8[%dma_start3A_92] : memref<10240xf32, #tpu.memory_space<vmem_shared>> -> memref<10240xf32, #tpu.memory_space<vmem_shared>>
      tpu.enqueue_indirect_dma source(%arg5 : memref<128xf32, #tpu.memory_space<vmem>>) target(%dma_start3A_93 : memref<10240xf32, #tpu.memory_space<vmem_shared>>) offsets(%dma_start3A_91 : memref<128xi32, #tpu.memory_space<vmem>>) semaphore(%arg7 : memref<!tpu.dma_semaphore, #tpu.memory_space<semaphore_mem>>) {add = true}
      %mul3A_94 = arith.constant 16 : i32
      %mul3A_95 = arith.muli %scan3A_33, %mul3A_94 : i32
      %add3A_96 = arith.constant 6 : i32
      %add3A_97 = arith.addi %mul3A_95, %add3A_96 : i32
      %dma_start3A_98 = arith.constant 1 : i32
      %dma_start3A_99 = arith.constant 0 : i32
      %dma_start3A_100 = tpu.memref_slice %arg4[%add3A_97, %dma_start3A_98, %dma_start3A_99] : memref<80x2x128xi32, #tpu.memory_space<vmem>> -> memref<1x1x128xi32, #tpu.memory_space<vmem>>
      %dma_start3A_101 = tpu.memref_squeeze %dma_start3A_100 : memref<1x1x128xi32, #tpu.memory_space<vmem>> -> memref<128xi32, #tpu.memory_space<vmem>>
      %dma_start3A_102 = arith.constant 0 : i32
      %dma_start3A_103 = tpu.memref_slice %arg8[%dma_start3A_102] : memref<10240xf32, #tpu.memory_space<vmem_shared>> -> memref<10240xf32, #tpu.memory_space<vmem_shared>>
      tpu.enqueue_indirect_dma source(%arg5 : memref<128xf32, #tpu.memory_space<vmem>>) target(%dma_start3A_103 : memref<10240xf32, #tpu.memory_space<vmem_shared>>) offsets(%dma_start3A_101 : memref<128xi32, #tpu.memory_space<vmem>>) semaphore(%arg7 : memref<!tpu.dma_semaphore, #tpu.memory_space<semaphore_mem>>) {add = true}
      %mul3A_104 = arith.constant 16 : i32
      %mul3A_105 = arith.muli %scan3A_33, %mul3A_104 : i32
      %add3A_106 = arith.constant 7 : i32
      %add3A_107 = arith.addi %mul3A_105, %add3A_106 : i32
      %dma_start3A_108 = arith.constant 1 : i32
      %dma_start3A_109 = arith.constant 0 : i32
      %dma_start3A_110 = tpu.memref_slice %arg4[%add3A_107, %dma_start3A_108, %dma_start3A_109] : memref<80x2x128xi32, #tpu.memory_space<vmem>> -> memref<1x1x128xi32, #tpu.memory_space<vmem>>
      %dma_start3A_111 = tpu.memref_squeeze %dma_start3A_110 : memref<1x1x128xi32, #tpu.memory_space<vmem>> -> memref<128xi32, #tpu.memory_space<vmem>>
      %dma_start3A_112 = arith.constant 0 : i32
      %dma_start3A_113 = tpu.memref_slice %arg8[%dma_start3A_112] : memref<10240xf32, #tpu.memory_space<vmem_shared>> -> memref<10240xf32, #tpu.memory_space<vmem_shared>>
      tpu.enqueue_indirect_dma source(%arg5 : memref<128xf32, #tpu.memory_space<vmem>>) target(%dma_start3A_113 : memref<10240xf32, #tpu.memory_space<vmem_shared>>) offsets(%dma_start3A_111 : memref<128xi32, #tpu.memory_space<vmem>>) semaphore(%arg7 : memref<!tpu.dma_semaphore, #tpu.memory_space<semaphore_mem>>) {add = true}
      %mul3A_114 = arith.constant 16 : i32
      %mul3A_115 = arith.muli %scan3A_33, %mul3A_114 : i32
      %add3A_116 = arith.constant 8 : i32
      %add3A_117 = arith.addi %mul3A_115, %add3A_116 : i32
      %dma_start3A_118 = arith.constant 1 : i32
      %dma_start3A_119 = arith.constant 0 : i32
      %dma_start3A_120 = tpu.memref_slice %arg4[%add3A_117, %dma_start3A_118, %dma_start3A_119] : memref<80x2x128xi32, #tpu.memory_space<vmem>> -> memref<1x1x128xi32, #tpu.memory_space<vmem>>
      %dma_start3A_121 = tpu.memref_squeeze %dma_start3A_120 : memref<1x1x128xi32, #tpu.memory_space<vmem>> -> memref<128xi32, #tpu.memory_space<vmem>>
      %dma_start3A_122 = arith.constant 0 : i32
      %dma_start3A_123 = tpu.memref_slice %arg8[%dma_start3A_122] : memref<10240xf32, #tpu.memory_space<vmem_shared>> -> memref<10240xf32, #tpu.memory_space<vmem_shared>>
      tpu.enqueue_indirect_dma source(%arg5 : memref<128xf32, #tpu.memory_space<vmem>>) target(%dma_start3A_123 : memref<10240xf32, #tpu.memory_space<vmem_shared>>) offsets(%dma_start3A_121 : memref<128xi32, #tpu.memory_space<vmem>>) semaphore(%arg7 : memref<!tpu.dma_semaphore, #tpu.memory_space<semaphore_mem>>) {add = true}
      %mul3A_124 = arith.constant 16 : i32
      %mul3A_125 = arith.muli %scan3A_33, %mul3A_124 : i32
      %add3A_126 = arith.constant 9 : i32
      %add3A_127 = arith.addi %mul3A_125, %add3A_126 : i32
      %dma_start3A_128 = arith.constant 1 : i32
      %dma_start3A_129 = arith.constant 0 : i32
      %dma_start3A_130 = tpu.memref_slice %arg4[%add3A_127, %dma_start3A_128, %dma_start3A_129] : memref<80x2x128xi32, #tpu.memory_space<vmem>> -> memref<1x1x128xi32, #tpu.memory_space<vmem>>
      %dma_start3A_131 = tpu.memref_squeeze %dma_start3A_130 : memref<1x1x128xi32, #tpu.memory_space<vmem>> -> memref<128xi32, #tpu.memory_space<vmem>>
      %dma_start3A_132 = arith.constant 0 : i32
      %dma_start3A_133 = tpu.memref_slice %arg8[%dma_start3A_132] : memref<10240xf32, #tpu.memory_space<vmem_shared>> -> memref<10240xf32, #tpu.memory_space<vmem_shared>>
      tpu.enqueue_indirect_dma source(%arg5 : memref<128xf32, #tpu.memory_space<vmem>>) target(%dma_start3A_133 : memref<10240xf32, #tpu.memory_space<vmem_shared>>) offsets(%dma_start3A_131 : memref<128xi32, #tpu.memory_space<vmem>>) semaphore(%arg7 : memref<!tpu.dma_semaphore, #tpu.memory_space<semaphore_mem>>) {add = true}
      %mul3A_134 = arith.constant 16 : i32
      %mul3A_135 = arith.muli %scan3A_33, %mul3A_134 : i32
      %add3A_136 = arith.constant 10 : i32
      %add3A_137 = arith.addi %mul3A_135, %add3A_136 : i32
      %dma_start3A_138 = arith.constant 1 : i32
      %dma_start3A_139 = arith.constant 0 : i32
      %dma_start3A_140 = tpu.memref_slice %arg4[%add3A_137, %dma_start3A_138, %dma_start3A_139] : memref<80x2x128xi32, #tpu.memory_space<vmem>> -> memref<1x1x128xi32, #tpu.memory_space<vmem>>
      %dma_start3A_141 = tpu.memref_squeeze %dma_start3A_140 : memref<1x1x128xi32, #tpu.memory_space<vmem>> -> memref<128xi32, #tpu.memory_space<vmem>>
      %dma_start3A_142 = arith.constant 0 : i32
      %dma_start3A_143 = tpu.memref_slice %arg8[%dma_start3A_142] : memref<10240xf32, #tpu.memory_space<vmem_shared>> -> memref<10240xf32, #tpu.memory_space<vmem_shared>>
      tpu.enqueue_indirect_dma source(%arg5 : memref<128xf32, #tpu.memory_space<vmem>>) target(%dma_start3A_143 : memref<10240xf32, #tpu.memory_space<vmem_shared>>) offsets(%dma_start3A_141 : memref<128xi32, #tpu.memory_space<vmem>>) semaphore(%arg7 : memref<!tpu.dma_semaphore, #tpu.memory_space<semaphore_mem>>) {add = true}
      %mul3A_144 = arith.constant 16 : i32
      %mul3A_145 = arith.muli %scan3A_33, %mul3A_144 : i32
      %add3A_146 = arith.constant 11 : i32
      %add3A_147 = arith.addi %mul3A_145, %add3A_146 : i32
      %dma_start3A_148 = arith.constant 1 : i32
      %dma_start3A_149 = arith.constant 0 : i32
      %dma_start3A_150 = tpu.memref_slice %arg4[%add3A_147, %dma_start3A_148, %dma_start3A_149] : memref<80x2x128xi32, #tpu.memory_space<vmem>> -> memref<1x1x128xi32, #tpu.memory_space<vmem>>
      %dma_start3A_151 = tpu.memref_squeeze %dma_start3A_150 : memref<1x1x128xi32, #tpu.memory_space<vmem>> -> memref<128xi32, #tpu.memory_space<vmem>>
      %dma_start3A_152 = arith.constant 0 : i32
      %dma_start3A_153 = tpu.memref_slice %arg8[%dma_start3A_152] : memref<10240xf32, #tpu.memory_space<vmem_shared>> -> memref<10240xf32, #tpu.memory_space<vmem_shared>>
      tpu.enqueue_indirect_dma source(%arg5 : memref<128xf32, #tpu.memory_space<vmem>>) target(%dma_start3A_153 : memref<10240xf32, #tpu.memory_space<vmem_shared>>) offsets(%dma_start3A_151 : memref<128xi32, #tpu.memory_space<vmem>>) semaphore(%arg7 : memref<!tpu.dma_semaphore, #tpu.memory_space<semaphore_mem>>) {add = true}
      %mul3A_154 = arith.constant 16 : i32
      %mul3A_155 = arith.muli %scan3A_33, %mul3A_154 : i32
      %add3A_156 = arith.constant 12 : i32
      %add3A_157 = arith.addi %mul3A_155, %add3A_156 : i32
      %dma_start3A_158 = arith.constant 1 : i32
      %dma_start3A_159 = arith.constant 0 : i32
      %dma_start3A_160 = tpu.memref_slice %arg4[%add3A_157, %dma_start3A_158, %dma_start3A_159] : memref<80x2x128xi32, #tpu.memory_space<vmem>> -> memref<1x1x128xi32, #tpu.memory_space<vmem>>
      %dma_start3A_161 = tpu.memref_squeeze %dma_start3A_160 : memref<1x1x128xi32, #tpu.memory_space<vmem>> -> memref<128xi32, #tpu.memory_space<vmem>>
      %dma_start3A_162 = arith.constant 0 : i32
      %dma_start3A_163 = tpu.memref_slice %arg8[%dma_start3A_162] : memref<10240xf32, #tpu.memory_space<vmem_shared>> -> memref<10240xf32, #tpu.memory_space<vmem_shared>>
      tpu.enqueue_indirect_dma source(%arg5 : memref<128xf32, #tpu.memory_space<vmem>>) target(%dma_start3A_163 : memref<10240xf32, #tpu.memory_space<vmem_shared>>) offsets(%dma_start3A_161 : memref<128xi32, #tpu.memory_space<vmem>>) semaphore(%arg7 : memref<!tpu.dma_semaphore, #tpu.memory_space<semaphore_mem>>) {add = true}
      %mul3A_164 = arith.constant 16 : i32
      %mul3A_165 = arith.muli %scan3A_33, %mul3A_164 : i32
      %add3A_166 = arith.constant 13 : i32
      %add3A_167 = arith.addi %mul3A_165, %add3A_166 : i32
      %dma_start3A_168 = arith.constant 1 : i32
      %dma_start3A_169 = arith.constant 0 : i32
      %dma_start3A_170 = tpu.memref_slice %arg4[%add3A_167, %dma_start3A_168, %dma_start3A_169] : memref<80x2x128xi32, #tpu.memory_space<vmem>> -> memref<1x1x128xi32, #tpu.memory_space<vmem>>
      %dma_start3A_171 = tpu.memref_squeeze %dma_start3A_170 : memref<1x1x128xi32, #tpu.memory_space<vmem>> -> memref<128xi32, #tpu.memory_space<vmem>>
      %dma_start3A_172 = arith.constant 0 : i32
      %dma_start3A_173 = tpu.memref_slice %arg8[%dma_start3A_172] : memref<10240xf32, #tpu.memory_space<vmem_shared>> -> memref<10240xf32, #tpu.memory_space<vmem_shared>>
      tpu.enqueue_indirect_dma source(%arg5 : memref<128xf32, #tpu.memory_space<vmem>>) target(%dma_start3A_173 : memref<10240xf32, #tpu.memory_space<vmem_shared>>) offsets(%dma_start3A_171 : memref<128xi32, #tpu.memory_space<vmem>>) semaphore(%arg7 : memref<!tpu.dma_semaphore, #tpu.memory_space<semaphore_mem>>) {add = true}
      %mul3A_174 = arith.constant 16 : i32
      %mul3A_175 = arith.muli %scan3A_33, %mul3A_174 : i32
      %add3A_176 = arith.constant 14 : i32
      %add3A_177 = arith.addi %mul3A_175, %add3A_176 : i32
      %dma_start3A_178 = arith.constant 1 : i32
      %dma_start3A_179 = arith.constant 0 : i32
      %dma_start3A_180 = tpu.memref_slice %arg4[%add3A_177, %dma_start3A_178, %dma_start3A_179] : memref<80x2x128xi32, #tpu.memory_space<vmem>> -> memref<1x1x128xi32, #tpu.memory_space<vmem>>
      %dma_start3A_181 = tpu.memref_squeeze %dma_start3A_180 : memref<1x1x128xi32, #tpu.memory_space<vmem>> -> memref<128xi32, #tpu.memory_space<vmem>>
      %dma_start3A_182 = arith.constant 0 : i32
      %dma_start3A_183 = tpu.memref_slice %arg8[%dma_start3A_182] : memref<10240xf32, #tpu.memory_space<vmem_shared>> -> memref<10240xf32, #tpu.memory_space<vmem_shared>>
      tpu.enqueue_indirect_dma source(%arg5 : memref<128xf32, #tpu.memory_space<vmem>>) target(%dma_start3A_183 : memref<10240xf32, #tpu.memory_space<vmem_shared>>) offsets(%dma_start3A_181 : memref<128xi32, #tpu.memory_space<vmem>>) semaphore(%arg7 : memref<!tpu.dma_semaphore, #tpu.memory_space<semaphore_mem>>) {add = true}
      %mul3A_184 = arith.constant 16 : i32
      %mul3A_185 = arith.muli %scan3A_33, %mul3A_184 : i32
      %add3A_186 = arith.constant 15 : i32
      %add3A_187 = arith.addi %mul3A_185, %add3A_186 : i32
      %dma_start3A_188 = arith.constant 1 : i32
      %dma_start3A_189 = arith.constant 0 : i32
      %dma_start3A_190 = tpu.memref_slice %arg4[%add3A_187, %dma_start3A_188, %dma_start3A_189] : memref<80x2x128xi32, #tpu.memory_space<vmem>> -> memref<1x1x128xi32, #tpu.memory_space<vmem>>
      %dma_start3A_191 = tpu.memref_squeeze %dma_start3A_190 : memref<1x1x128xi32, #tpu.memory_space<vmem>> -> memref<128xi32, #tpu.memory_space<vmem>>
      %dma_start3A_192 = arith.constant 0 : i32
      %dma_start3A_193 = tpu.memref_slice %arg8[%dma_start3A_192] : memref<10240xf32, #tpu.memory_space<vmem_shared>> -> memref<10240xf32, #tpu.memory_space<vmem_shared>>
      tpu.enqueue_indirect_dma source(%arg5 : memref<128xf32, #tpu.memory_space<vmem>>) target(%dma_start3A_193 : memref<10240xf32, #tpu.memory_space<vmem_shared>>) offsets(%dma_start3A_191 : memref<128xi32, #tpu.memory_space<vmem>>) semaphore(%arg7 : memref<!tpu.dma_semaphore, #tpu.memory_space<semaphore_mem>>) {add = true}
      %dma_wait3A = arith.constant 1 : i32
      %dma_wait3A_194 = arith.constant 0 : i32
      %dma_wait3A_195 = tpu.memref_slice %arg4[%add3A_38, %dma_wait3A, %dma_wait3A_194] : memref<80x2x128xi32, #tpu.memory_space<vmem>> -> memref<1x1x128xi32, #tpu.memory_space<vmem>>
      %dma_wait3A_196 = tpu.memref_squeeze %dma_wait3A_195 : memref<1x1x128xi32, #tpu.memory_space<vmem>> -> memref<128xi32, #tpu.memory_space<vmem>>
      %dma_wait3A_197 = arith.constant 0 : i32
      %dma_wait3A_198 = tpu.memref_slice %arg8[%dma_wait3A_197] : memref<10240xf32, #tpu.memory_space<vmem_shared>> -> memref<10240xf32, #tpu.memory_space<vmem_shared>>
      tpu.wait_indirect_dma semaphore(%arg7 : memref<!tpu.dma_semaphore, #tpu.memory_space<semaphore_mem>>) src(%arg5 : memref<128xf32, #tpu.memory_space<vmem>>) dst(%dma_wait3A_198 : memref<10240xf32, #tpu.memory_space<vmem_shared>>)
      %dma_wait3A_199 = arith.constant 1 : i32
      %dma_wait3A_200 = arith.constant 0 : i32
      %dma_wait3A_201 = tpu.memref_slice %arg4[%add3A_47, %dma_wait3A_199, %dma_wait3A_200] : memref<80x2x128xi32, #tpu.memory_space<vmem>> -> memref<1x1x128xi32, #tpu.memory_space<vmem>>
      %dma_wait3A_202 = tpu.memref_squeeze %dma_wait3A_201 : memref<1x1x128xi32, #tpu.memory_space<vmem>> -> memref<128xi32, #tpu.memory_space<vmem>>
      %dma_wait3A_203 = arith.constant 0 : i32
      %dma_wait3A_204 = tpu.memref_slice %arg8[%dma_wait3A_203] : memref<10240xf32, #tpu.memory_space<vmem_shared>> -> memref<10240xf32, #tpu.memory_space<vmem_shared>>
      tpu.wait_indirect_dma semaphore(%arg7 : memref<!tpu.dma_semaphore, #tpu.memory_space<semaphore_mem>>) src(%arg5 : memref<128xf32, #tpu.memory_space<vmem>>) dst(%dma_wait3A_204 : memref<10240xf32, #tpu.memory_space<vmem_shared>>)
      %dma_wait3A_205 = arith.constant 1 : i32
      %dma_wait3A_206 = arith.constant 0 : i32
      %dma_wait3A_207 = tpu.memref_slice %arg4[%add3A_57, %dma_wait3A_205, %dma_wait3A_206] : memref<80x2x128xi32, #tpu.memory_space<vmem>> -> memref<1x1x128xi32, #tpu.memory_space<vmem>>
      %dma_wait3A_208 = tpu.memref_squeeze %dma_wait3A_207 : memref<1x1x128xi32, #tpu.memory_space<vmem>> -> memref<128xi32, #tpu.memory_space<vmem>>
      %dma_wait3A_209 = arith.constant 0 : i32
      %dma_wait3A_210 = tpu.memref_slice %arg8[%dma_wait3A_209] : memref<10240xf32, #tpu.memory_space<vmem_shared>> -> memref<10240xf32, #tpu.memory_space<vmem_shared>>
      tpu.wait_indirect_dma semaphore(%arg7 : memref<!tpu.dma_semaphore, #tpu.memory_space<semaphore_mem>>) src(%arg5 : memref<128xf32, #tpu.memory_space<vmem>>) dst(%dma_wait3A_210 : memref<10240xf32, #tpu.memory_space<vmem_shared>>)
      %dma_wait3A_211 = arith.constant 1 : i32
      %dma_wait3A_212 = arith.constant 0 : i32
      %dma_wait3A_213 = tpu.memref_slice %arg4[%add3A_67, %dma_wait3A_211, %dma_wait3A_212] : memref<80x2x128xi32, #tpu.memory_space<vmem>> -> memref<1x1x128xi32, #tpu.memory_space<vmem>>
      %dma_wait3A_214 = tpu.memref_squeeze %dma_wait3A_213 : memref<1x1x128xi32, #tpu.memory_space<vmem>> -> memref<128xi32, #tpu.memory_space<vmem>>
      %dma_wait3A_215 = arith.constant 0 : i32
      %dma_wait3A_216 = tpu.memref_slice %arg8[%dma_wait3A_215] : memref<10240xf32, #tpu.memory_space<vmem_shared>> -> memref<10240xf32, #tpu.memory_space<vmem_shared>>
      tpu.wait_indirect_dma semaphore(%arg7 : memref<!tpu.dma_semaphore, #tpu.memory_space<semaphore_mem>>) src(%arg5 : memref<128xf32, #tpu.memory_space<vmem>>) dst(%dma_wait3A_216 : memref<10240xf32, #tpu.memory_space<vmem_shared>>)
      %dma_wait3A_217 = arith.constant 1 : i32
      %dma_wait3A_218 = arith.constant 0 : i32
      %dma_wait3A_219 = tpu.memref_slice %arg4[%add3A_77, %dma_wait3A_217, %dma_wait3A_218] : memref<80x2x128xi32, #tpu.memory_space<vmem>> -> memref<1x1x128xi32, #tpu.memory_space<vmem>>
      %dma_wait3A_220 = tpu.memref_squeeze %dma_wait3A_219 : memref<1x1x128xi32, #tpu.memory_space<vmem>> -> memref<128xi32, #tpu.memory_space<vmem>>
      %dma_wait3A_221 = arith.constant 0 : i32
      %dma_wait3A_222 = tpu.memref_slice %arg8[%dma_wait3A_221] : memref<10240xf32, #tpu.memory_space<vmem_shared>> -> memref<10240xf32, #tpu.memory_space<vmem_shared>>
      tpu.wait_indirect_dma semaphore(%arg7 : memref<!tpu.dma_semaphore, #tpu.memory_space<semaphore_mem>>) src(%arg5 : memref<128xf32, #tpu.memory_space<vmem>>) dst(%dma_wait3A_222 : memref<10240xf32, #tpu.memory_space<vmem_shared>>)
      %dma_wait3A_223 = arith.constant 1 : i32
      %dma_wait3A_224 = arith.constant 0 : i32
      %dma_wait3A_225 = tpu.memref_slice %arg4[%add3A_87, %dma_wait3A_223, %dma_wait3A_224] : memref<80x2x128xi32, #tpu.memory_space<vmem>> -> memref<1x1x128xi32, #tpu.memory_space<vmem>>
      %dma_wait3A_226 = tpu.memref_squeeze %dma_wait3A_225 : memref<1x1x128xi32, #tpu.memory_space<vmem>> -> memref<128xi32, #tpu.memory_space<vmem>>
      %dma_wait3A_227 = arith.constant 0 : i32
      %dma_wait3A_228 = tpu.memref_slice %arg8[%dma_wait3A_227] : memref<10240xf32, #tpu.memory_space<vmem_shared>> -> memref<10240xf32, #tpu.memory_space<vmem_shared>>
      tpu.wait_indirect_dma semaphore(%arg7 : memref<!tpu.dma_semaphore, #tpu.memory_space<semaphore_mem>>) src(%arg5 : memref<128xf32, #tpu.memory_space<vmem>>) dst(%dma_wait3A_228 : memref<10240xf32, #tpu.memory_space<vmem_shared>>)
      %dma_wait3A_229 = arith.constant 1 : i32
      %dma_wait3A_230 = arith.constant 0 : i32
      %dma_wait3A_231 = tpu.memref_slice %arg4[%add3A_97, %dma_wait3A_229, %dma_wait3A_230] : memref<80x2x128xi32, #tpu.memory_space<vmem>> -> memref<1x1x128xi32, #tpu.memory_space<vmem>>
      %dma_wait3A_232 = tpu.memref_squeeze %dma_wait3A_231 : memref<1x1x128xi32, #tpu.memory_space<vmem>> -> memref<128xi32, #tpu.memory_space<vmem>>
      %dma_wait3A_233 = arith.constant 0 : i32
      %dma_wait3A_234 = tpu.memref_slice %arg8[%dma_wait3A_233] : memref<10240xf32, #tpu.memory_space<vmem_shared>> -> memref<10240xf32, #tpu.memory_space<vmem_shared>>
      tpu.wait_indirect_dma semaphore(%arg7 : memref<!tpu.dma_semaphore, #tpu.memory_space<semaphore_mem>>) src(%arg5 : memref<128xf32, #tpu.memory_space<vmem>>) dst(%dma_wait3A_234 : memref<10240xf32, #tpu.memory_space<vmem_shared>>)
      %dma_wait3A_235 = arith.constant 1 : i32
      %dma_wait3A_236 = arith.constant 0 : i32
      %dma_wait3A_237 = tpu.memref_slice %arg4[%add3A_107, %dma_wait3A_235, %dma_wait3A_236] : memref<80x2x128xi32, #tpu.memory_space<vmem>> -> memref<1x1x128xi32, #tpu.memory_space<vmem>>
      %dma_wait3A_238 = tpu.memref_squeeze %dma_wait3A_237 : memref<1x1x128xi32, #tpu.memory_space<vmem>> -> memref<128xi32, #tpu.memory_space<vmem>>
      %dma_wait3A_239 = arith.constant 0 : i32
      %dma_wait3A_240 = tpu.memref_slice %arg8[%dma_wait3A_239] : memref<10240xf32, #tpu.memory_space<vmem_shared>> -> memref<10240xf32, #tpu.memory_space<vmem_shared>>
      tpu.wait_indirect_dma semaphore(%arg7 : memref<!tpu.dma_semaphore, #tpu.memory_space<semaphore_mem>>) src(%arg5 : memref<128xf32, #tpu.memory_space<vmem>>) dst(%dma_wait3A_240 : memref<10240xf32, #tpu.memory_space<vmem_shared>>)
      %dma_wait3A_241 = arith.constant 1 : i32
      %dma_wait3A_242 = arith.constant 0 : i32
      %dma_wait3A_243 = tpu.memref_slice %arg4[%add3A_117, %dma_wait3A_241, %dma_wait3A_242] : memref<80x2x128xi32, #tpu.memory_space<vmem>> -> memref<1x1x128xi32, #tpu.memory_space<vmem>>
      %dma_wait3A_244 = tpu.memref_squeeze %dma_wait3A_243 : memref<1x1x128xi32, #tpu.memory_space<vmem>> -> memref<128xi32, #tpu.memory_space<vmem>>
      %dma_wait3A_245 = arith.constant 0 : i32
      %dma_wait3A_246 = tpu.memref_slice %arg8[%dma_wait3A_245] : memref<10240xf32, #tpu.memory_space<vmem_shared>> -> memref<10240xf32, #tpu.memory_space<vmem_shared>>
      tpu.wait_indirect_dma semaphore(%arg7 : memref<!tpu.dma_semaphore, #tpu.memory_space<semaphore_mem>>) src(%arg5 : memref<128xf32, #tpu.memory_space<vmem>>) dst(%dma_wait3A_246 : memref<10240xf32, #tpu.memory_space<vmem_shared>>)
      %dma_wait3A_247 = arith.constant 1 : i32
      %dma_wait3A_248 = arith.constant 0 : i32
      %dma_wait3A_249 = tpu.memref_slice %arg4[%add3A_127, %dma_wait3A_247, %dma_wait3A_248] : memref<80x2x128xi32, #tpu.memory_space<vmem>> -> memref<1x1x128xi32, #tpu.memory_space<vmem>>
      %dma_wait3A_250 = tpu.memref_squeeze %dma_wait3A_249 : memref<1x1x128xi32, #tpu.memory_space<vmem>> -> memref<128xi32, #tpu.memory_space<vmem>>
      %dma_wait3A_251 = arith.constant 0 : i32
      %dma_wait3A_252 = tpu.memref_slice %arg8[%dma_wait3A_251] : memref<10240xf32, #tpu.memory_space<vmem_shared>> -> memref<10240xf32, #tpu.memory_space<vmem_shared>>
      tpu.wait_indirect_dma semaphore(%arg7 : memref<!tpu.dma_semaphore, #tpu.memory_space<semaphore_mem>>) src(%arg5 : memref<128xf32, #tpu.memory_space<vmem>>) dst(%dma_wait3A_252 : memref<10240xf32, #tpu.memory_space<vmem_shared>>)
      %dma_wait3A_253 = arith.constant 1 : i32
      %dma_wait3A_254 = arith.constant 0 : i32
      %dma_wait3A_255 = tpu.memref_slice %arg4[%add3A_137, %dma_wait3A_253, %dma_wait3A_254] : memref<80x2x128xi32, #tpu.memory_space<vmem>> -> memref<1x1x128xi32, #tpu.memory_space<vmem>>
      %dma_wait3A_256 = tpu.memref_squeeze %dma_wait3A_255 : memref<1x1x128xi32, #tpu.memory_space<vmem>> -> memref<128xi32, #tpu.memory_space<vmem>>
      %dma_wait3A_257 = arith.constant 0 : i32
      %dma_wait3A_258 = tpu.memref_slice %arg8[%dma_wait3A_257] : memref<10240xf32, #tpu.memory_space<vmem_shared>> -> memref<10240xf32, #tpu.memory_space<vmem_shared>>
      tpu.wait_indirect_dma semaphore(%arg7 : memref<!tpu.dma_semaphore, #tpu.memory_space<semaphore_mem>>) src(%arg5 : memref<128xf32, #tpu.memory_space<vmem>>) dst(%dma_wait3A_258 : memref<10240xf32, #tpu.memory_space<vmem_shared>>)
      %dma_wait3A_259 = arith.constant 1 : i32
      %dma_wait3A_260 = arith.constant 0 : i32
      %dma_wait3A_261 = tpu.memref_slice %arg4[%add3A_147, %dma_wait3A_259, %dma_wait3A_260] : memref<80x2x128xi32, #tpu.memory_space<vmem>> -> memref<1x1x128xi32, #tpu.memory_space<vmem>>
      %dma_wait3A_262 = tpu.memref_squeeze %dma_wait3A_261 : memref<1x1x128xi32, #tpu.memory_space<vmem>> -> memref<128xi32, #tpu.memory_space<vmem>>
      %dma_wait3A_263 = arith.constant 0 : i32
      %dma_wait3A_264 = tpu.memref_slice %arg8[%dma_wait3A_263] : memref<10240xf32, #tpu.memory_space<vmem_shared>> -> memref<10240xf32, #tpu.memory_space<vmem_shared>>
      tpu.wait_indirect_dma semaphore(%arg7 : memref<!tpu.dma_semaphore, #tpu.memory_space<semaphore_mem>>) src(%arg5 : memref<128xf32, #tpu.memory_space<vmem>>) dst(%dma_wait3A_264 : memref<10240xf32, #tpu.memory_space<vmem_shared>>)
      %dma_wait3A_265 = arith.constant 1 : i32
      %dma_wait3A_266 = arith.constant 0 : i32
      %dma_wait3A_267 = tpu.memref_slice %arg4[%add3A_157, %dma_wait3A_265, %dma_wait3A_266] : memref<80x2x128xi32, #tpu.memory_space<vmem>> -> memref<1x1x128xi32, #tpu.memory_space<vmem>>
      %dma_wait3A_268 = tpu.memref_squeeze %dma_wait3A_267 : memref<1x1x128xi32, #tpu.memory_space<vmem>> -> memref<128xi32, #tpu.memory_space<vmem>>
      %dma_wait3A_269 = arith.constant 0 : i32
      %dma_wait3A_270 = tpu.memref_slice %arg8[%dma_wait3A_269] : memref<10240xf32, #tpu.memory_space<vmem_shared>> -> memref<10240xf32, #tpu.memory_space<vmem_shared>>
      tpu.wait_indirect_dma semaphore(%arg7 : memref<!tpu.dma_semaphore, #tpu.memory_space<semaphore_mem>>) src(%arg5 : memref<128xf32, #tpu.memory_space<vmem>>) dst(%dma_wait3A_270 : memref<10240xf32, #tpu.memory_space<vmem_shared>>)
      %dma_wait3A_271 = arith.constant 1 : i32
      %dma_wait3A_272 = arith.constant 0 : i32
      %dma_wait3A_273 = tpu.memref_slice %arg4[%add3A_167, %dma_wait3A_271, %dma_wait3A_272] : memref<80x2x128xi32, #tpu.memory_space<vmem>> -> memref<1x1x128xi32, #tpu.memory_space<vmem>>
      %dma_wait3A_274 = tpu.memref_squeeze %dma_wait3A_273 : memref<1x1x128xi32, #tpu.memory_space<vmem>> -> memref<128xi32, #tpu.memory_space<vmem>>
      %dma_wait3A_275 = arith.constant 0 : i32
      %dma_wait3A_276 = tpu.memref_slice %arg8[%dma_wait3A_275] : memref<10240xf32, #tpu.memory_space<vmem_shared>> -> memref<10240xf32, #tpu.memory_space<vmem_shared>>
      tpu.wait_indirect_dma semaphore(%arg7 : memref<!tpu.dma_semaphore, #tpu.memory_space<semaphore_mem>>) src(%arg5 : memref<128xf32, #tpu.memory_space<vmem>>) dst(%dma_wait3A_276 : memref<10240xf32, #tpu.memory_space<vmem_shared>>)
      %dma_wait3A_277 = arith.constant 1 : i32
      %dma_wait3A_278 = arith.constant 0 : i32
      %dma_wait3A_279 = tpu.memref_slice %arg4[%add3A_177, %dma_wait3A_277, %dma_wait3A_278] : memref<80x2x128xi32, #tpu.memory_space<vmem>> -> memref<1x1x128xi32, #tpu.memory_space<vmem>>
      %dma_wait3A_280 = tpu.memref_squeeze %dma_wait3A_279 : memref<1x1x128xi32, #tpu.memory_space<vmem>> -> memref<128xi32, #tpu.memory_space<vmem>>
      %dma_wait3A_281 = arith.constant 0 : i32
      %dma_wait3A_282 = tpu.memref_slice %arg8[%dma_wait3A_281] : memref<10240xf32, #tpu.memory_space<vmem_shared>> -> memref<10240xf32, #tpu.memory_space<vmem_shared>>
      tpu.wait_indirect_dma semaphore(%arg7 : memref<!tpu.dma_semaphore, #tpu.memory_space<semaphore_mem>>) src(%arg5 : memref<128xf32, #tpu.memory_space<vmem>>) dst(%dma_wait3A_282 : memref<10240xf32, #tpu.memory_space<vmem_shared>>)
      %dma_wait3A_283 = arith.constant 1 : i32
      %dma_wait3A_284 = arith.constant 0 : i32
      %dma_wait3A_285 = tpu.memref_slice %arg4[%add3A_187, %dma_wait3A_283, %dma_wait3A_284] : memref<80x2x128xi32, #tpu.memory_space<vmem>> -> memref<1x1x128xi32, #tpu.memory_space<vmem>>
      %dma_wait3A_286 = tpu.memref_squeeze %dma_wait3A_285 : memref<1x1x128xi32, #tpu.memory_space<vmem>> -> memref<128xi32, #tpu.memory_space<vmem>>
      %dma_wait3A_287 = arith.constant 0 : i32
      %dma_wait3A_288 = tpu.memref_slice %arg8[%dma_wait3A_287] : memref<10240xf32, #tpu.memory_space<vmem_shared>> -> memref<10240xf32, #tpu.memory_space<vmem_shared>>
      tpu.wait_indirect_dma semaphore(%arg7 : memref<!tpu.dma_semaphore, #tpu.memory_space<semaphore_mem>>) src(%arg5 : memref<128xf32, #tpu.memory_space<vmem>>) dst(%dma_wait3A_288 : memref<10240xf32, #tpu.memory_space<vmem_shared>>)
      %scan3A_289 = arith.constant 0 : i32
      scf.yield %scan3A_289 : i32
    }
    %scan3A_27 = arith.constant 5 : i32
    %barrier3A_28 = arith.constant 0 : index
    tpu.barrier barrier_id(%barrier3A_28)
    %mul3A_29 = arith.constant 640 : i32
    %mul3A_30 = arith.muli %arg1, %mul3A_29 : i32
    %mul3A_31 = arith.constant 640 : i32
    %mul3A_32 = arith.muli %arg1, %mul3A_31 : i32
    "tpu.region"() ({
      %run_scoped3A = tpu.sem_alloc : memref<!tpu.dma_semaphore, #tpu.memory_space<semaphore_mem>>
      %dma_start3A = tpu.memref_slice %arg3[%arg0, %mul3A_32] : memref<2x10240xf32, #tpu.memory_space<hbm>> -> memref<1x640xf32, #tpu.memory_space<hbm>>
      %dma_start3A_33 = tpu.memref_squeeze %dma_start3A : memref<1x640xf32, #tpu.memory_space<hbm>> -> memref<640xf32, #tpu.memory_space<hbm>>
      %dma_start3A_34 = tpu.memref_slice %arg8[%mul3A_30] : memref<10240xf32, #tpu.memory_space<vmem_shared>> -> memref<640xf32, #tpu.memory_space<vmem_shared>>
      tpu.enqueue_dma source(%dma_start3A_34 : memref<640xf32, #tpu.memory_space<vmem_shared>>) target(%dma_start3A_33 : memref<640xf32, #tpu.memory_space<hbm>>) target_semaphore(%run_scoped3A : memref<!tpu.dma_semaphore, #tpu.memory_space<semaphore_mem>>)
      %dma_wait3A = tpu.memref_slice %arg3[%arg0, %mul3A_32] : memref<2x10240xf32, #tpu.memory_space<hbm>> -> memref<1x640xf32, #tpu.memory_space<hbm>>
      %dma_wait3A_35 = tpu.memref_squeeze %dma_wait3A : memref<1x640xf32, #tpu.memory_space<hbm>> -> memref<640xf32, #tpu.memory_space<hbm>>
      %dma_wait3A_36 = tpu.memref_slice %arg8[%mul3A_30] : memref<10240xf32, #tpu.memory_space<vmem_shared>> -> memref<640xf32, #tpu.memory_space<vmem_shared>>
      tpu.wait_dma2 semaphore(%run_scoped3A : memref<!tpu.dma_semaphore, #tpu.memory_space<semaphore_mem>>) src(%dma_wait3A_36 : memref<640xf32, #tpu.memory_space<vmem_shared>>) dst(%dma_wait3A_35 : memref<640xf32, #tpu.memory_space<hbm>>)
      tpu.yield
    }) : () -> ()
    return
  }
}

#map = affine_map<(d0, d1) -> (0, 0, 0, 0)>
#map1 = affine_map<(d0, d1) -> (0, 0)>
#map2 = affine_map<(d0, d1) -> (0)>
#map3 = affine_map<(d0, d1) -> (0, 0, 0)>
module attributes {stable_mosaic.version = 14 : i64} {
  func.func @_edge_kernel(%arg0: i32, %arg1: i32, %arg2: memref<32x80x2x128xi32, #tpu.memory_space<hbm>>, %arg3: memref<10240x128xf32, #tpu.memory_space<hbm>>, %arg4: memref<10240xf32, #tpu.memory_space<hbm>>, %arg5: memref<2x10240x128xf32, #tpu.memory_space<hbm>>, %arg6: memref<2x10240xf32, #tpu.memory_space<hbm>>, %arg7: memref<4x2x128xi32, #tpu.memory_space<vmem>>, %arg8: memref<128x128xf32, #tpu.memory_space<vmem>>, %arg9: memref<128x128xf32, #tpu.memory_space<vmem>>, %arg10: memref<128xf32, #tpu.memory_space<vmem>>, %arg11: memref<128xf32, #tpu.memory_space<vmem>>, %arg12: memref<16x128xf32, #tpu.memory_space<vmem>>, %arg13: memref<!tpu.dma_semaphore, #tpu.memory_space<semaphore_mem>>, %arg14: memref<!tpu.dma_semaphore, #tpu.memory_space<semaphore_mem>>, %arg15: memref<!tpu.dma_semaphore, #tpu.memory_space<semaphore_mem>>, %arg16: memref<!tpu.dma_semaphore, #tpu.memory_space<semaphore_mem>>, %arg17: memref<!tpu.dma_semaphore, #tpu.memory_space<semaphore_mem>>, %arg18: memref<!tpu.dma_semaphore, #tpu.memory_space<semaphore_mem>>, %arg19: memref<!tpu.dma_semaphore, #tpu.memory_space<semaphore_mem>>, %arg20: memref<!tpu.dma_semaphore, #tpu.memory_space<semaphore_mem>>, %arg21: memref<!tpu.dma_semaphore, #tpu.memory_space<semaphore_mem>>, %arg22: memref<!tpu.dma_semaphore, #tpu.memory_space<semaphore_mem>>, %arg23: memref<!tpu.dma_semaphore, #tpu.memory_space<semaphore_mem>>, %arg24: memref<!tpu.dma_semaphore, #tpu.memory_space<semaphore_mem>>, %arg25: memref<10240x128xf32, #tpu.memory_space<vmem_shared>>, %arg26: memref<10240xf32, #tpu.memory_space<vmem_shared>>, %arg27: memref<10240xf32, #tpu.memory_space<vmem_shared>>) attributes {dimension_semantics = [#tpu.dimension_semantics<core_parallel>, #tpu.dimension_semantics<subcore_parallel>], iteration_bounds = array<i64: 2, 16>, scalar_prefetch = 0 : i64, scratch_operands = 21 : i64, tpu.core_type = #tpu.core_type<sc_vector_subcore>, window_params = [{transform_indices = #map}, {transform_indices = #map1}, {transform_indices = #map2}, {transform_indices = #map3}, {transform_indices = #map1}]} {
    %mul3A = arith.constant 16 : i32
    %mul3A_0 = arith.muli %arg0, %mul3A : i32
    %add3A = arith.addi %mul3A_0, %arg1 : i32
    %scan3A = arith.constant 0 : i32
    %scan3A_1 = arith.constant 0 : i32
    %scan3A_2 = arith.constant 128 : i32
    %scan3A_3 = arith.addi %scan3A_1, %scan3A_2 : i32
    %scan3A_4 = arith.constant 1 : i32
    %scan3A_5 = scf.for %scan3A_115 = %scan3A_1 to %scan3A_3 step %scan3A_4 iter_args(%scan3A_116 = %scan3A) -> (i32)  : i32 {
      %jit3A = arith.constant 8 : i32
      %div3A = arith.divsi %scan3A_115, %jit3A : i32
      %sign3A = arith.constant 0 : i32
      %sign3A_117 = arith.cmpi sgt, %scan3A_115, %sign3A : i32
      %sign3A_118 = arith.extui %sign3A_117 : i1 to i32
      %sign3A_119 = arith.constant 0 : i32
      %sign3A_120 = arith.cmpi slt, %scan3A_115, %sign3A_119 : i32
      %sign3A_121 = arith.extui %sign3A_120 : i1 to i32
      %sign3A_122 = arith.subi %sign3A_118, %sign3A_121 : i32
      %sign3A_123 = arith.constant 0 : i32
      %sign3A_124 = arith.cmpi sgt, %jit3A, %sign3A_123 : i32
      %sign3A_125 = arith.extui %sign3A_124 : i1 to i32
      %sign3A_126 = arith.constant 0 : i32
      %sign3A_127 = arith.cmpi slt, %jit3A, %sign3A_126 : i32
      %sign3A_128 = arith.extui %sign3A_127 : i1 to i32
      %sign3A_129 = arith.subi %sign3A_125, %sign3A_128 : i32
      %ne3A = arith.cmpi ne, %sign3A_122, %sign3A_129 : i32
      %rem3A = arith.remsi %scan3A_115, %jit3A : i32
      %ne3A_130 = arith.constant 0 : i32
      %ne3A_131 = arith.cmpi ne, %rem3A, %ne3A_130 : i32
      %and3A = arith.andi %ne3A, %ne3A_131 : i1
      %sub3A = arith.constant 1 : i32
      %sub3A_132 = arith.subi %div3A, %sub3A : i32
      %select_n3A = arith.select %and3A, %sub3A_132, %div3A : i32
      %jit3A_133 = arith.constant 8 : i32
      %eq3A_134 = arith.constant 0 : i32
      %eq3A_135 = arith.cmpi eq, %jit3A_133, %eq3A_134 : i32
      %jit3A_136 = arith.constant 1 : i32
      %select_n3A_137 = arith.select %eq3A_135, %jit3A_136, %jit3A_133 : i32
      %rem3A_138 = arith.remsi %scan3A_115, %select_n3A_137 : i32
      %ne3A_139 = arith.constant 0 : i32
      %ne3A_140 = arith.cmpi ne, %rem3A_138, %ne3A_139 : i32
      %lt3A = arith.constant 0 : i32
      %lt3A_141 = arith.cmpi slt, %rem3A_138, %lt3A : i32
      %lt3A_142 = arith.constant 0 : i32
      %lt3A_143 = arith.cmpi slt, %select_n3A_137, %lt3A_142 : i32
      %ne3A_144 = arith.xori %lt3A_141, %lt3A_143 : i1
      %and3A_145 = arith.andi %ne3A_144, %ne3A_140 : i1
      %add3A_146 = arith.addi %rem3A_138, %select_n3A_137 : i32
      %select_n3A_147 = arith.select %and3A_145, %add3A_146, %rem3A_138 : i32
      %broadcast_in_dim3A = arith.constant 0.000000e+00 : f32
      %broadcast_in_dim3A_148 = vector.broadcast %broadcast_in_dim3A : f32 to vector<16xf32>
      %mul3A_149 = arith.constant 16 : i32
      %mul3A_150 = arith.muli %select_n3A_147, %mul3A_149 : i32
      %swap3A = arith.index_cast %select_n3A : i32 to index
      %swap3A_151 = arith.index_cast %mul3A_150 : i32 to index
      %swap3A_152 = tpu.vector_load %arg12[%swap3A, %swap3A_151] {strides = array<i32>} : memref<16x128xf32, #tpu.memory_space<vmem>>, vector<1x16xf32>,
      %swap3A_153 = vector.shape_cast %swap3A_152 : vector<1x16xf32> to vector<16xf32>
      %swap3A_154 = vector.shape_cast %broadcast_in_dim3A_148 : vector<16xf32> to vector<1x16xf32>
      tpu.vector_store %arg12[%swap3A, %swap3A_151], %swap3A_154 {strides = array<i32>} : memref<16x128xf32, #tpu.memory_space<vmem>>, vector<1x16xf32>,
      %scan3A_155 = arith.constant 0 : i32
      scf.yield %scan3A_155 : i32
    }
    %scan3A_6 = arith.constant 128 : i32
    %scan3A_7 = arith.constant 0 : i32
    %scan3A_8 = arith.constant 0 : i32
    %scan3A_9 = arith.constant 5 : i32
    %scan3A_10 = arith.addi %scan3A_8, %scan3A_9 : i32
    %scan3A_11 = arith.constant 1 : i32
    %scan3A_12 = scf.for %scan3A_115 = %scan3A_8 to %scan3A_10 step %scan3A_11 iter_args(%scan3A_116 = %scan3A_7) -> (i32)  : i32 {
      %mul3A_117 = arith.constant 640 : i32
      %mul3A_118 = arith.muli %arg1, %mul3A_117 : i32
      %mul3A_119 = arith.constant 8 : i32
      %mul3A_120 = arith.muli %mul3A_119, %scan3A_115 : i32
      %add3A_121 = arith.constant 0 : i32
      %add3A_122 = arith.addi %mul3A_120, %add3A_121 : i32
      %mul3A_123 = arith.constant 16 : i32
      %mul3A_124 = arith.muli %add3A_122, %mul3A_123 : i32
      %add3A_125 = arith.addi %mul3A_118, %mul3A_124 : i32
      %dma_start3A_126 = arith.constant 0 : i32
      %dma_start3A_127 = tpu.memref_slice %arg25[%add3A_125, %dma_start3A_126] : memref<10240x128xf32, #tpu.memory_space<vmem_shared>> -> memref<16x128xf32, #tpu.memory_space<vmem_shared>>
      %dma_start3A_128 = arith.constant 0 : i32
      %dma_start3A_129 = tpu.memref_slice %arg25[%add3A_125, %dma_start3A_128] : memref<10240x128xf32, #tpu.memory_space<vmem_shared>> -> memref<16x128xf32, #tpu.memory_space<vmem_shared>>
      tpu.enqueue_dma source(%arg12 : memref<16x128xf32, #tpu.memory_space<vmem>>) target(%dma_start3A_129 : memref<16x128xf32, #tpu.memory_space<vmem_shared>>) target_semaphore(%arg17 : memref<!tpu.dma_semaphore, #tpu.memory_space<semaphore_mem>>)
      %mul3A_130 = arith.constant 640 : i32
      %mul3A_131 = arith.muli %arg1, %mul3A_130 : i32
      %mul3A_132 = arith.constant 8 : i32
      %mul3A_133 = arith.muli %mul3A_132, %scan3A_115 : i32
      %add3A_134 = arith.constant 1 : i32
      %add3A_135 = arith.addi %mul3A_133, %add3A_134 : i32
      %mul3A_136 = arith.constant 16 : i32
      %mul3A_137 = arith.muli %add3A_135, %mul3A_136 : i32
      %add3A_138 = arith.addi %mul3A_131, %mul3A_137 : i32
      %dma_start3A_139 = arith.constant 0 : i32
      %dma_start3A_140 = tpu.memref_slice %arg25[%add3A_138, %dma_start3A_139] : memref<10240x128xf32, #tpu.memory_space<vmem_shared>> -> memref<16x128xf32, #tpu.memory_space<vmem_shared>>
      %dma_start3A_141 = arith.constant 0 : i32
      %dma_start3A_142 = tpu.memref_slice %arg25[%add3A_138, %dma_start3A_141] : memref<10240x128xf32, #tpu.memory_space<vmem_shared>> -> memref<16x128xf32, #tpu.memory_space<vmem_shared>>
      tpu.enqueue_dma source(%arg12 : memref<16x128xf32, #tpu.memory_space<vmem>>) target(%dma_start3A_142 : memref<16x128xf32, #tpu.memory_space<vmem_shared>>) target_semaphore(%arg17 : memref<!tpu.dma_semaphore, #tpu.memory_space<semaphore_mem>>)
      %mul3A_143 = arith.constant 640 : i32
      %mul3A_144 = arith.muli %arg1, %mul3A_143 : i32
      %mul3A_145 = arith.constant 8 : i32
      %mul3A_146 = arith.muli %mul3A_145, %scan3A_115 : i32
      %add3A_147 = arith.constant 2 : i32
      %add3A_148 = arith.addi %mul3A_146, %add3A_147 : i32
      %mul3A_149 = arith.constant 16 : i32
      %mul3A_150 = arith.muli %add3A_148, %mul3A_149 : i32
      %add3A_151 = arith.addi %mul3A_144, %mul3A_150 : i32
      %dma_start3A_152 = arith.constant 0 : i32
      %dma_start3A_153 = tpu.memref_slice %arg25[%add3A_151, %dma_start3A_152] : memref<10240x128xf32, #tpu.memory_space<vmem_shared>> -> memref<16x128xf32, #tpu.memory_space<vmem_shared>>
      %dma_start3A_154 = arith.constant 0 : i32
      %dma_start3A_155 = tpu.memref_slice %arg25[%add3A_151, %dma_start3A_154] : memref<10240x128xf32, #tpu.memory_space<vmem_shared>> -> memref<16x128xf32, #tpu.memory_space<vmem_shared>>
      tpu.enqueue_dma source(%arg12 : memref<16x128xf32, #tpu.memory_space<vmem>>) target(%dma_start3A_155 : memref<16x128xf32, #tpu.memory_space<vmem_shared>>) target_semaphore(%arg17 : memref<!tpu.dma_semaphore, #tpu.memory_space<semaphore_mem>>)
      %mul3A_156 = arith.constant 640 : i32
      %mul3A_157 = arith.muli %arg1, %mul3A_156 : i32
      %mul3A_158 = arith.constant 8 : i32
      %mul3A_159 = arith.muli %mul3A_158, %scan3A_115 : i32
      %add3A_160 = arith.constant 3 : i32
      %add3A_161 = arith.addi %mul3A_159, %add3A_160 : i32
      %mul3A_162 = arith.constant 16 : i32
      %mul3A_163 = arith.muli %add3A_161, %mul3A_162 : i32
      %add3A_164 = arith.addi %mul3A_157, %mul3A_163 : i32
      %dma_start3A_165 = arith.constant 0 : i32
      %dma_start3A_166 = tpu.memref_slice %arg25[%add3A_164, %dma_start3A_165] : memref<10240x128xf32, #tpu.memory_space<vmem_shared>> -> memref<16x128xf32, #tpu.memory_space<vmem_shared>>
      %dma_start3A_167 = arith.constant 0 : i32
      %dma_start3A_168 = tpu.memref_slice %arg25[%add3A_164, %dma_start3A_167] : memref<10240x128xf32, #tpu.memory_space<vmem_shared>> -> memref<16x128xf32, #tpu.memory_space<vmem_shared>>
      tpu.enqueue_dma source(%arg12 : memref<16x128xf32, #tpu.memory_space<vmem>>) target(%dma_start3A_168 : memref<16x128xf32, #tpu.memory_space<vmem_shared>>) target_semaphore(%arg17 : memref<!tpu.dma_semaphore, #tpu.memory_space<semaphore_mem>>)
      %mul3A_169 = arith.constant 640 : i32
      %mul3A_170 = arith.muli %arg1, %mul3A_169 : i32
      %mul3A_171 = arith.constant 8 : i32
      %mul3A_172 = arith.muli %mul3A_171, %scan3A_115 : i32
      %add3A_173 = arith.constant 4 : i32
      %add3A_174 = arith.addi %mul3A_172, %add3A_173 : i32
      %mul3A_175 = arith.constant 16 : i32
      %mul3A_176 = arith.muli %add3A_174, %mul3A_175 : i32
      %add3A_177 = arith.addi %mul3A_170, %mul3A_176 : i32
      %dma_start3A_178 = arith.constant 0 : i32
      %dma_start3A_179 = tpu.memref_slice %arg25[%add3A_177, %dma_start3A_178] : memref<10240x128xf32, #tpu.memory_space<vmem_shared>> -> memref<16x128xf32, #tpu.memory_space<vmem_shared>>
      %dma_start3A_180 = arith.constant 0 : i32
      %dma_start3A_181 = tpu.memref_slice %arg25[%add3A_177, %dma_start3A_180] : memref<10240x128xf32, #tpu.memory_space<vmem_shared>> -> memref<16x128xf32, #tpu.memory_space<vmem_shared>>
      tpu.enqueue_dma source(%arg12 : memref<16x128xf32, #tpu.memory_space<vmem>>) target(%dma_start3A_181 : memref<16x128xf32, #tpu.memory_space<vmem_shared>>) target_semaphore(%arg17 : memref<!tpu.dma_semaphore, #tpu.memory_space<semaphore_mem>>)
      %mul3A_182 = arith.constant 640 : i32
      %mul3A_183 = arith.muli %arg1, %mul3A_182 : i32
      %mul3A_184 = arith.constant 8 : i32
      %mul3A_185 = arith.muli %mul3A_184, %scan3A_115 : i32
      %add3A_186 = arith.constant 5 : i32
      %add3A_187 = arith.addi %mul3A_185, %add3A_186 : i32
      %mul3A_188 = arith.constant 16 : i32
      %mul3A_189 = arith.muli %add3A_187, %mul3A_188 : i32
      %add3A_190 = arith.addi %mul3A_183, %mul3A_189 : i32
      %dma_start3A_191 = arith.constant 0 : i32
      %dma_start3A_192 = tpu.memref_slice %arg25[%add3A_190, %dma_start3A_191] : memref<10240x128xf32, #tpu.memory_space<vmem_shared>> -> memref<16x128xf32, #tpu.memory_space<vmem_shared>>
      %dma_start3A_193 = arith.constant 0 : i32
      %dma_start3A_194 = tpu.memref_slice %arg25[%add3A_190, %dma_start3A_193] : memref<10240x128xf32, #tpu.memory_space<vmem_shared>> -> memref<16x128xf32, #tpu.memory_space<vmem_shared>>
      tpu.enqueue_dma source(%arg12 : memref<16x128xf32, #tpu.memory_space<vmem>>) target(%dma_start3A_194 : memref<16x128xf32, #tpu.memory_space<vmem_shared>>) target_semaphore(%arg17 : memref<!tpu.dma_semaphore, #tpu.memory_space<semaphore_mem>>)
      %mul3A_195 = arith.constant 640 : i32
      %mul3A_196 = arith.muli %arg1, %mul3A_195 : i32
      %mul3A_197 = arith.constant 8 : i32
      %mul3A_198 = arith.muli %mul3A_197, %scan3A_115 : i32
      %add3A_199 = arith.constant 6 : i32
      %add3A_200 = arith.addi %mul3A_198, %add3A_199 : i32
      %mul3A_201 = arith.constant 16 : i32
      %mul3A_202 = arith.muli %add3A_200, %mul3A_201 : i32
      %add3A_203 = arith.addi %mul3A_196, %mul3A_202 : i32
      %dma_start3A_204 = arith.constant 0 : i32
      %dma_start3A_205 = tpu.memref_slice %arg25[%add3A_203, %dma_start3A_204] : memref<10240x128xf32, #tpu.memory_space<vmem_shared>> -> memref<16x128xf32, #tpu.memory_space<vmem_shared>>
      %dma_start3A_206 = arith.constant 0 : i32
      %dma_start3A_207 = tpu.memref_slice %arg25[%add3A_203, %dma_start3A_206] : memref<10240x128xf32, #tpu.memory_space<vmem_shared>> -> memref<16x128xf32, #tpu.memory_space<vmem_shared>>
      tpu.enqueue_dma source(%arg12 : memref<16x128xf32, #tpu.memory_space<vmem>>) target(%dma_start3A_207 : memref<16x128xf32, #tpu.memory_space<vmem_shared>>) target_semaphore(%arg17 : memref<!tpu.dma_semaphore, #tpu.memory_space<semaphore_mem>>)
      %mul3A_208 = arith.constant 640 : i32
      %mul3A_209 = arith.muli %arg1, %mul3A_208 : i32
      %mul3A_210 = arith.constant 8 : i32
      %mul3A_211 = arith.muli %mul3A_210, %scan3A_115 : i32
      %add3A_212 = arith.constant 7 : i32
      %add3A_213 = arith.addi %mul3A_211, %add3A_212 : i32
      %mul3A_214 = arith.constant 16 : i32
      %mul3A_215 = arith.muli %add3A_213, %mul3A_214 : i32
      %add3A_216 = arith.addi %mul3A_209, %mul3A_215 : i32
      %dma_start3A_217 = arith.constant 0 : i32
      %dma_start3A_218 = tpu.memref_slice %arg25[%add3A_216, %dma_start3A_217] : memref<10240x128xf32, #tpu.memory_space<vmem_shared>> -> memref<16x128xf32, #tpu.memory_space<vmem_shared>>
      %dma_start3A_219 = arith.constant 0 : i32
      %dma_start3A_220 = tpu.memref_slice %arg25[%add3A_216, %dma_start3A_219] : memref<10240x128xf32, #tpu.memory_space<vmem_shared>> -> memref<16x128xf32, #tpu.memory_space<vmem_shared>>
      tpu.enqueue_dma source(%arg12 : memref<16x128xf32, #tpu.memory_space<vmem>>) target(%dma_start3A_220 : memref<16x128xf32, #tpu.memory_space<vmem_shared>>) target_semaphore(%arg17 : memref<!tpu.dma_semaphore, #tpu.memory_space<semaphore_mem>>)
      %dma_wait3A_221 = arith.constant 0 : i32
      %dma_wait3A_222 = tpu.memref_slice %arg25[%add3A_125, %dma_wait3A_221] : memref<10240x128xf32, #tpu.memory_space<vmem_shared>> -> memref<16x128xf32, #tpu.memory_space<vmem_shared>>
      %dma_wait3A_223 = arith.constant 0 : i32
      %dma_wait3A_224 = tpu.memref_slice %arg25[%add3A_125, %dma_wait3A_223] : memref<10240x128xf32, #tpu.memory_space<vmem_shared>> -> memref<16x128xf32, #tpu.memory_space<vmem_shared>>
      tpu.wait_dma2 semaphore(%arg17 : memref<!tpu.dma_semaphore, #tpu.memory_space<semaphore_mem>>) src(%arg12 : memref<16x128xf32, #tpu.memory_space<vmem>>) dst(%dma_wait3A_224 : memref<16x128xf32, #tpu.memory_space<vmem_shared>>)
      %dma_wait3A_225 = arith.constant 0 : i32
      %dma_wait3A_226 = tpu.memref_slice %arg25[%add3A_138, %dma_wait3A_225] : memref<10240x128xf32, #tpu.memory_space<vmem_shared>> -> memref<16x128xf32, #tpu.memory_space<vmem_shared>>
      %dma_wait3A_227 = arith.constant 0 : i32
      %dma_wait3A_228 = tpu.memref_slice %arg25[%add3A_138, %dma_wait3A_227] : memref<10240x128xf32, #tpu.memory_space<vmem_shared>> -> memref<16x128xf32, #tpu.memory_space<vmem_shared>>
      tpu.wait_dma2 semaphore(%arg17 : memref<!tpu.dma_semaphore, #tpu.memory_space<semaphore_mem>>) src(%arg12 : memref<16x128xf32, #tpu.memory_space<vmem>>) dst(%dma_wait3A_228 : memref<16x128xf32, #tpu.memory_space<vmem_shared>>)
      %dma_wait3A_229 = arith.constant 0 : i32
      %dma_wait3A_230 = tpu.memref_slice %arg25[%add3A_151, %dma_wait3A_229] : memref<10240x128xf32, #tpu.memory_space<vmem_shared>> -> memref<16x128xf32, #tpu.memory_space<vmem_shared>>
      %dma_wait3A_231 = arith.constant 0 : i32
      %dma_wait3A_232 = tpu.memref_slice %arg25[%add3A_151, %dma_wait3A_231] : memref<10240x128xf32, #tpu.memory_space<vmem_shared>> -> memref<16x128xf32, #tpu.memory_space<vmem_shared>>
      tpu.wait_dma2 semaphore(%arg17 : memref<!tpu.dma_semaphore, #tpu.memory_space<semaphore_mem>>) src(%arg12 : memref<16x128xf32, #tpu.memory_space<vmem>>) dst(%dma_wait3A_232 : memref<16x128xf32, #tpu.memory_space<vmem_shared>>)
      %dma_wait3A_233 = arith.constant 0 : i32
      %dma_wait3A_234 = tpu.memref_slice %arg25[%add3A_164, %dma_wait3A_233] : memref<10240x128xf32, #tpu.memory_space<vmem_shared>> -> memref<16x128xf32, #tpu.memory_space<vmem_shared>>
      %dma_wait3A_235 = arith.constant 0 : i32
      %dma_wait3A_236 = tpu.memref_slice %arg25[%add3A_164, %dma_wait3A_235] : memref<10240x128xf32, #tpu.memory_space<vmem_shared>> -> memref<16x128xf32, #tpu.memory_space<vmem_shared>>
      tpu.wait_dma2 semaphore(%arg17 : memref<!tpu.dma_semaphore, #tpu.memory_space<semaphore_mem>>) src(%arg12 : memref<16x128xf32, #tpu.memory_space<vmem>>) dst(%dma_wait3A_236 : memref<16x128xf32, #tpu.memory_space<vmem_shared>>)
      %dma_wait3A_237 = arith.constant 0 : i32
      %dma_wait3A_238 = tpu.memref_slice %arg25[%add3A_177, %dma_wait3A_237] : memref<10240x128xf32, #tpu.memory_space<vmem_shared>> -> memref<16x128xf32, #tpu.memory_space<vmem_shared>>
      %dma_wait3A_239 = arith.constant 0 : i32
      %dma_wait3A_240 = tpu.memref_slice %arg25[%add3A_177, %dma_wait3A_239] : memref<10240x128xf32, #tpu.memory_space<vmem_shared>> -> memref<16x128xf32, #tpu.memory_space<vmem_shared>>
      tpu.wait_dma2 semaphore(%arg17 : memref<!tpu.dma_semaphore, #tpu.memory_space<semaphore_mem>>) src(%arg12 : memref<16x128xf32, #tpu.memory_space<vmem>>) dst(%dma_wait3A_240 : memref<16x128xf32, #tpu.memory_space<vmem_shared>>)
      %dma_wait3A_241 = arith.constant 0 : i32
      %dma_wait3A_242 = tpu.memref_slice %arg25[%add3A_190, %dma_wait3A_241] : memref<10240x128xf32, #tpu.memory_space<vmem_shared>> -> memref<16x128xf32, #tpu.memory_space<vmem_shared>>
      %dma_wait3A_243 = arith.constant 0 : i32
      %dma_wait3A_244 = tpu.memref_slice %arg25[%add3A_190, %dma_wait3A_243] : memref<10240x128xf32, #tpu.memory_space<vmem_shared>> -> memref<16x128xf32, #tpu.memory_space<vmem_shared>>
      tpu.wait_dma2 semaphore(%arg17 : memref<!tpu.dma_semaphore, #tpu.memory_space<semaphore_mem>>) src(%arg12 : memref<16x128xf32, #tpu.memory_space<vmem>>) dst(%dma_wait3A_244 : memref<16x128xf32, #tpu.memory_space<vmem_shared>>)
      %dma_wait3A_245 = arith.constant 0 : i32
      %dma_wait3A_246 = tpu.memref_slice %arg25[%add3A_203, %dma_wait3A_245] : memref<10240x128xf32, #tpu.memory_space<vmem_shared>> -> memref<16x128xf32, #tpu.memory_space<vmem_shared>>
      %dma_wait3A_247 = arith.constant 0 : i32
      %dma_wait3A_248 = tpu.memref_slice %arg25[%add3A_203, %dma_wait3A_247] : memref<10240x128xf32, #tpu.memory_space<vmem_shared>> -> memref<16x128xf32, #tpu.memory_space<vmem_shared>>
      tpu.wait_dma2 semaphore(%arg17 : memref<!tpu.dma_semaphore, #tpu.memory_space<semaphore_mem>>) src(%arg12 : memref<16x128xf32, #tpu.memory_space<vmem>>) dst(%dma_wait3A_248 : memref<16x128xf32, #tpu.memory_space<vmem_shared>>)
      %dma_wait3A_249 = arith.constant 0 : i32
      %dma_wait3A_250 = tpu.memref_slice %arg25[%add3A_216, %dma_wait3A_249] : memref<10240x128xf32, #tpu.memory_space<vmem_shared>> -> memref<16x128xf32, #tpu.memory_space<vmem_shared>>
      %dma_wait3A_251 = arith.constant 0 : i32
      %dma_wait3A_252 = tpu.memref_slice %arg25[%add3A_216, %dma_wait3A_251] : memref<10240x128xf32, #tpu.memory_space<vmem_shared>> -> memref<16x128xf32, #tpu.memory_space<vmem_shared>>
      tpu.wait_dma2 semaphore(%arg17 : memref<!tpu.dma_semaphore, #tpu.memory_space<semaphore_mem>>) src(%arg12 : memref<16x128xf32, #tpu.memory_space<vmem>>) dst(%dma_wait3A_252 : memref<16x128xf32, #tpu.memory_space<vmem_shared>>)
      %scan3A_253 = arith.constant 0 : i32
      scf.yield %scan3A_253 : i32
    }
    %scan3A_13 = arith.constant 5 : i32
    %scan3A_14 = arith.constant 0 : i32
    %scan3A_15 = arith.constant 0 : i32
    %scan3A_16 = arith.constant 5 : i32
    %scan3A_17 = arith.addi %scan3A_15, %scan3A_16 : i32
    %scan3A_18 = arith.constant 1 : i32
    %scan3A_19 = scf.for %scan3A_115 = %scan3A_15 to %scan3A_17 step %scan3A_18 iter_args(%scan3A_116 = %scan3A_14) -> (i32)  : i32 {
      %mul3A_117 = arith.constant 640 : i32
      %mul3A_118 = arith.muli %arg1, %mul3A_117 : i32
      %mul3A_119 = arith.constant 128 : i32
      %mul3A_120 = arith.muli %scan3A_115, %mul3A_119 : i32
      %add3A_121 = arith.addi %mul3A_118, %mul3A_120 : i32
      %run_scoped3A_122 = arith.constant 0 : i32
      "tpu.region"() ({
        %run_scoped3A_124 = tpu.sem_alloc : memref<!tpu.dma_semaphore, #tpu.memory_space<semaphore_mem>>
        %dma_start3A_125 = arith.constant 0 : i32
        %dma_start3A_126 = tpu.memref_slice %arg12[%run_scoped3A_122, %dma_start3A_125] : memref<16x128xf32, #tpu.memory_space<vmem>> -> memref<1x128xf32, #tpu.memory_space<vmem>>
        %dma_start3A_127 = tpu.memref_squeeze %dma_start3A_126 : memref<1x128xf32, #tpu.memory_space<vmem>> -> memref<128xf32, #tpu.memory_space<vmem>>
        %dma_start3A_128 = tpu.memref_slice %arg26[%add3A_121] : memref<10240xf32, #tpu.memory_space<vmem_shared>> -> memref<128xf32, #tpu.memory_space<vmem_shared>>
        %dma_start3A_129 = tpu.memref_slice %arg26[%add3A_121] : memref<10240xf32, #tpu.memory_space<vmem_shared>> -> memref<128xf32, #tpu.memory_space<vmem_shared>>
        %dma_start3A_130 = arith.constant 0 : i32
        %dma_start3A_131 = tpu.memref_slice %arg12[%run_scoped3A_122, %dma_start3A_130] : memref<16x128xf32, #tpu.memory_space<vmem>> -> memref<1x128xf32, #tpu.memory_space<vmem>>
        %dma_start3A_132 = tpu.memref_squeeze %dma_start3A_131 : memref<1x128xf32, #tpu.memory_space<vmem>> -> memref<128xf32, #tpu.memory_space<vmem>>
        tpu.enqueue_dma source(%dma_start3A_132 : memref<128xf32, #tpu.memory_space<vmem>>) target(%dma_start3A_129 : memref<128xf32, #tpu.memory_space<vmem_shared>>) target_semaphore(%run_scoped3A_124 : memref<!tpu.dma_semaphore, #tpu.memory_space<semaphore_mem>>)
        %dma_wait3A_133 = arith.constant 0 : i32
        %dma_wait3A_134 = tpu.memref_slice %arg12[%run_scoped3A_122, %dma_wait3A_133] : memref<16x128xf32, #tpu.memory_space<vmem>> -> memref<1x128xf32, #tpu.memory_space<vmem>>
        %dma_wait3A_135 = tpu.memref_squeeze %dma_wait3A_134 : memref<1x128xf32, #tpu.memory_space<vmem>> -> memref<128xf32, #tpu.memory_space<vmem>>
        %dma_wait3A_136 = tpu.memref_slice %arg26[%add3A_121] : memref<10240xf32, #tpu.memory_space<vmem_shared>> -> memref<128xf32, #tpu.memory_space<vmem_shared>>
        %dma_wait3A_137 = tpu.memref_slice %arg26[%add3A_121] : memref<10240xf32, #tpu.memory_space<vmem_shared>> -> memref<128xf32, #tpu.memory_space<vmem_shared>>
        %dma_wait3A_138 = arith.constant 0 : i32
        %dma_wait3A_139 = tpu.memref_slice %arg12[%run_scoped3A_122, %dma_wait3A_138] : memref<16x128xf32, #tpu.memory_space<vmem>> -> memref<1x128xf32, #tpu.memory_space<vmem>>
        %dma_wait3A_140 = tpu.memref_squeeze %dma_wait3A_139 : memref<1x128xf32, #tpu.memory_space<vmem>> -> memref<128xf32, #tpu.memory_space<vmem>>
        tpu.wait_dma2 semaphore(%run_scoped3A_124 : memref<!tpu.dma_semaphore, #tpu.memory_space<semaphore_mem>>) src(%dma_wait3A_140 : memref<128xf32, #tpu.memory_space<vmem>>) dst(%dma_wait3A_137 : memref<128xf32, #tpu.memory_space<vmem_shared>>)
        tpu.yield
      }) : () -> ()
      %scan3A_123 = arith.constant 0 : i32
      scf.yield %scan3A_123 : i32
    }
    %scan3A_20 = arith.constant 5 : i32
    %eq3A = arith.constant 0 : i32
    %eq3A_21 = arith.cmpi eq, %arg1, %eq3A : i32
    %convert_element_type3A = arith.extui %eq3A_21 : i1 to i32
    %cond3A = arith.constant 0 : i32
    %cond3A_22 = arith.cmpi ne, %convert_element_type3A, %cond3A : i32
    scf.if %cond3A_22 {
      "tpu.region"() ({
        %run_scoped3A_115 = tpu.sem_alloc : memref<!tpu.dma_semaphore, #tpu.memory_space<semaphore_mem>>
        tpu.enqueue_dma source(%arg4 : memref<10240xf32, #tpu.memory_space<hbm>>) target(%arg27 : memref<10240xf32, #tpu.memory_space<vmem_shared>>) target_semaphore(%run_scoped3A_115 : memref<!tpu.dma_semaphore, #tpu.memory_space<semaphore_mem>>)
        tpu.wait_dma2 semaphore(%run_scoped3A_115 : memref<!tpu.dma_semaphore, #tpu.memory_space<semaphore_mem>>) src(%arg4 : memref<10240xf32, #tpu.memory_space<hbm>>) dst(%arg27 : memref<10240xf32, #tpu.memory_space<vmem_shared>>)
        tpu.yield
      }) : () -> ()
    } else {
    }
    %scan3A_23 = arith.constant 0 : i32
    %scan3A_24 = arith.constant 0 : i32
    %scan3A_25 = arith.constant 1024 : i32
    %scan3A_26 = arith.addi %scan3A_24, %scan3A_25 : i32
    %scan3A_27 = arith.constant 1 : i32
    %scan3A_28 = scf.for %scan3A_115 = %scan3A_24 to %scan3A_26 step %scan3A_27 iter_args(%scan3A_116 = %scan3A_23) -> (i32)  : i32 {
      %jit3A = arith.constant 8 : i32
      %div3A = arith.divsi %scan3A_115, %jit3A : i32
      %sign3A = arith.constant 0 : i32
      %sign3A_117 = arith.cmpi sgt, %scan3A_115, %sign3A : i32
      %sign3A_118 = arith.extui %sign3A_117 : i1 to i32
      %sign3A_119 = arith.constant 0 : i32
      %sign3A_120 = arith.cmpi slt, %scan3A_115, %sign3A_119 : i32
      %sign3A_121 = arith.extui %sign3A_120 : i1 to i32
      %sign3A_122 = arith.subi %sign3A_118, %sign3A_121 : i32
      %sign3A_123 = arith.constant 0 : i32
      %sign3A_124 = arith.cmpi sgt, %jit3A, %sign3A_123 : i32
      %sign3A_125 = arith.extui %sign3A_124 : i1 to i32
      %sign3A_126 = arith.constant 0 : i32
      %sign3A_127 = arith.cmpi slt, %jit3A, %sign3A_126 : i32
      %sign3A_128 = arith.extui %sign3A_127 : i1 to i32
      %sign3A_129 = arith.subi %sign3A_125, %sign3A_128 : i32
      %ne3A = arith.cmpi ne, %sign3A_122, %sign3A_129 : i32
      %rem3A = arith.remsi %scan3A_115, %jit3A : i32
      %ne3A_130 = arith.constant 0 : i32
      %ne3A_131 = arith.cmpi ne, %rem3A, %ne3A_130 : i32
      %and3A = arith.andi %ne3A, %ne3A_131 : i1
      %sub3A = arith.constant 1 : i32
      %sub3A_132 = arith.subi %div3A, %sub3A : i32
      %select_n3A = arith.select %and3A, %sub3A_132, %div3A : i32
      %jit3A_133 = arith.constant 8 : i32
      %eq3A_134 = arith.constant 0 : i32
      %eq3A_135 = arith.cmpi eq, %jit3A_133, %eq3A_134 : i32
      %jit3A_136 = arith.constant 1 : i32
      %select_n3A_137 = arith.select %eq3A_135, %jit3A_136, %jit3A_133 : i32
      %rem3A_138 = arith.remsi %scan3A_115, %select_n3A_137 : i32
      %ne3A_139 = arith.constant 0 : i32
      %ne3A_140 = arith.cmpi ne, %rem3A_138, %ne3A_139 : i32
      %lt3A = arith.constant 0 : i32
      %lt3A_141 = arith.cmpi slt, %rem3A_138, %lt3A : i32
      %lt3A_142 = arith.constant 0 : i32
      %lt3A_143 = arith.cmpi slt, %select_n3A_137, %lt3A_142 : i32
      %ne3A_144 = arith.xori %lt3A_141, %lt3A_143 : i1
      %and3A_145 = arith.andi %ne3A_144, %ne3A_140 : i1
      %add3A_146 = arith.addi %rem3A_138, %select_n3A_137 : i32
      %select_n3A_147 = arith.select %and3A_145, %add3A_146, %rem3A_138 : i32
      %broadcast_in_dim3A = arith.constant 0.000000e+00 : f32
      %broadcast_in_dim3A_148 = vector.broadcast %broadcast_in_dim3A : f32 to vector<16xf32>
      %mul3A_149 = arith.constant 16 : i32
      %mul3A_150 = arith.muli %select_n3A_147, %mul3A_149 : i32
      %swap3A = arith.index_cast %select_n3A : i32 to index
      %swap3A_151 = arith.index_cast %mul3A_150 : i32 to index
      %swap3A_152 = tpu.vector_load %arg9[%swap3A, %swap3A_151] {strides = array<i32>} : memref<128x128xf32, #tpu.memory_space<vmem>>, vector<1x16xf32>,
      %swap3A_153 = vector.shape_cast %swap3A_152 : vector<1x16xf32> to vector<16xf32>
      %swap3A_154 = vector.shape_cast %broadcast_in_dim3A_148 : vector<16xf32> to vector<1x16xf32>
      tpu.vector_store %arg9[%swap3A, %swap3A_151], %swap3A_154 {strides = array<i32>} : memref<128x128xf32, #tpu.memory_space<vmem>>, vector<1x16xf32>,
      %scan3A_155 = arith.constant 0 : i32
      scf.yield %scan3A_155 : i32
    }
    %scan3A_29 = arith.constant 1024 : i32
    %scan3A_30 = arith.constant 0 : i32
    %scan3A_31 = arith.constant 0 : i32
    %scan3A_32 = arith.constant 8 : i32
    %scan3A_33 = arith.addi %scan3A_31, %scan3A_32 : i32
    %scan3A_34 = arith.constant 1 : i32
    %scan3A_35 = scf.for %scan3A_115 = %scan3A_31 to %scan3A_33 step %scan3A_34 iter_args(%scan3A_116 = %scan3A_30) -> (i32)  : i32 {
      %broadcast_in_dim3A = arith.constant 0.000000e+00 : f32
      %broadcast_in_dim3A_117 = vector.broadcast %broadcast_in_dim3A : f32 to vector<16xf32>
      %mul3A_118 = arith.constant 16 : i32
      %mul3A_119 = arith.muli %scan3A_115, %mul3A_118 : i32
      %swap3A = arith.index_cast %mul3A_119 : i32 to index
      %swap3A_120 = tpu.vector_load %arg11[%swap3A] {strides = array<i32>} : memref<128xf32, #tpu.memory_space<vmem>>, vector<16xf32>,
      %swap3A_121 = vector.shape_cast %swap3A_120 : vector<16xf32> to vector<16xf32>
      %swap3A_122 = vector.shape_cast %broadcast_in_dim3A_117 : vector<16xf32> to vector<16xf32>
      tpu.vector_store %arg11[%swap3A], %swap3A_122 {strides = array<i32>} : memref<128xf32, #tpu.memory_space<vmem>>, vector<16xf32>,
      %scan3A_123 = arith.constant 0 : i32
      scf.yield %scan3A_123 : i32
    }
    %scan3A_36 = arith.constant 8 : i32
    %barrier3A = arith.constant 0 : index
    tpu.barrier barrier_id(%barrier3A)
    %run_scoped3A = arith.constant 0 : i32
    %run_scoped3A_37 = arith.constant 0 : i32
    "tpu.region"() ({
      %run_scoped3A_115 = tpu.sem_alloc : memref<!tpu.dma_semaphore, #tpu.memory_space<semaphore_mem>>
      %dma_start3A_116 = arith.constant 0 : i32
      %dma_start3A_117 = arith.constant 0 : i32
      %dma_start3A_118 = tpu.memref_slice %arg7[%run_scoped3A_37, %dma_start3A_116, %dma_start3A_117] : memref<4x2x128xi32, #tpu.memory_space<vmem>> -> memref<1x2x128xi32, #tpu.memory_space<vmem>>
      %dma_start3A_119 = tpu.memref_squeeze %dma_start3A_118 : memref<1x2x128xi32, #tpu.memory_space<vmem>> -> memref<2x128xi32, #tpu.memory_space<vmem>>
      %dma_start3A_120 = arith.constant 0 : i32
      %dma_start3A_121 = arith.constant 0 : i32
      %dma_start3A_122 = tpu.memref_slice %arg2[%add3A, %run_scoped3A, %dma_start3A_120, %dma_start3A_121] : memref<32x80x2x128xi32, #tpu.memory_space<hbm>> -> memref<1x1x2x128xi32, #tpu.memory_space<hbm>>
      %dma_start3A_123 = tpu.memref_squeeze %dma_start3A_122 : memref<1x1x2x128xi32, #tpu.memory_space<hbm>> -> memref<2x128xi32, #tpu.memory_space<hbm>>
      %dma_start3A_124 = arith.constant 0 : i32
      %dma_start3A_125 = arith.constant 0 : i32
      %dma_start3A_126 = tpu.memref_slice %arg7[%run_scoped3A_37, %dma_start3A_124, %dma_start3A_125] : memref<4x2x128xi32, #tpu.memory_space<vmem>> -> memref<1x2x128xi32, #tpu.memory_space<vmem>>
      %dma_start3A_127 = tpu.memref_squeeze %dma_start3A_126 : memref<1x2x128xi32, #tpu.memory_space<vmem>> -> memref<2x128xi32, #tpu.memory_space<vmem>>
      %dma_start3A_128 = arith.constant 0 : i32
      %dma_start3A_129 = arith.constant 0 : i32
      %dma_start3A_130 = tpu.memref_slice %arg2[%add3A, %run_scoped3A, %dma_start3A_128, %dma_start3A_129] : memref<32x80x2x128xi32, #tpu.memory_space<hbm>> -> memref<1x1x2x128xi32, #tpu.memory_space<hbm>>
      %dma_start3A_131 = tpu.memref_squeeze %dma_start3A_130 : memref<1x1x2x128xi32, #tpu.memory_space<hbm>> -> memref<2x128xi32, #tpu.memory_space<hbm>>
      tpu.enqueue_dma source(%dma_start3A_131 : memref<2x128xi32, #tpu.memory_space<hbm>>) target(%dma_start3A_127 : memref<2x128xi32, #tpu.memory_space<vmem>>) target_semaphore(%run_scoped3A_115 : memref<!tpu.dma_semaphore, #tpu.memory_space<semaphore_mem>>)
      %dma_wait3A_132 = arith.constant 0 : i32
      %dma_wait3A_133 = arith.constant 0 : i32
      %dma_wait3A_134 = tpu.memref_slice %arg7[%run_scoped3A_37, %dma_wait3A_132, %dma_wait3A_133] : memref<4x2x128xi32, #tpu.memory_space<vmem>> -> memref<1x2x128xi32, #tpu.memory_space<vmem>>
      %dma_wait3A_135 = tpu.memref_squeeze %dma_wait3A_134 : memref<1x2x128xi32, #tpu.memory_space<vmem>> -> memref<2x128xi32, #tpu.memory_space<vmem>>
      %dma_wait3A_136 = arith.constant 0 : i32
      %dma_wait3A_137 = arith.constant 0 : i32
      %dma_wait3A_138 = tpu.memref_slice %arg2[%add3A, %run_scoped3A, %dma_wait3A_136, %dma_wait3A_137] : memref<32x80x2x128xi32, #tpu.memory_space<hbm>> -> memref<1x1x2x128xi32, #tpu.memory_space<hbm>>
      %dma_wait3A_139 = tpu.memref_squeeze %dma_wait3A_138 : memref<1x1x2x128xi32, #tpu.memory_space<hbm>> -> memref<2x128xi32, #tpu.memory_space<hbm>>
      %dma_wait3A_140 = arith.constant 0 : i32
      %dma_wait3A_141 = arith.constant 0 : i32
      %dma_wait3A_142 = tpu.memref_slice %arg7[%run_scoped3A_37, %dma_wait3A_140, %dma_wait3A_141] : memref<4x2x128xi32, #tpu.memory_space<vmem>> -> memref<1x2x128xi32, #tpu.memory_space<vmem>>
      %dma_wait3A_143 = tpu.memref_squeeze %dma_wait3A_142 : memref<1x2x128xi32, #tpu.memory_space<vmem>> -> memref<2x128xi32, #tpu.memory_space<vmem>>
      %dma_wait3A_144 = arith.constant 0 : i32
      %dma_wait3A_145 = arith.constant 0 : i32
      %dma_wait3A_146 = tpu.memref_slice %arg2[%add3A, %run_scoped3A, %dma_wait3A_144, %dma_wait3A_145] : memref<32x80x2x128xi32, #tpu.memory_space<hbm>> -> memref<1x1x2x128xi32, #tpu.memory_space<hbm>>
      %dma_wait3A_147 = tpu.memref_squeeze %dma_wait3A_146 : memref<1x1x2x128xi32, #tpu.memory_space<hbm>> -> memref<2x128xi32, #tpu.memory_space<hbm>>
      tpu.wait_dma2 semaphore(%run_scoped3A_115 : memref<!tpu.dma_semaphore, #tpu.memory_space<semaphore_mem>>) src(%dma_wait3A_147 : memref<2x128xi32, #tpu.memory_space<hbm>>) dst(%dma_wait3A_143 : memref<2x128xi32, #tpu.memory_space<vmem>>)
      tpu.yield
    }) : () -> ()
    %dma_start3A = arith.constant 1 : i32
    %dma_start3A_38 = arith.constant 1 : i32
    %dma_start3A_39 = arith.constant 0 : i32
    %dma_start3A_40 = arith.constant 0 : i32
    %dma_start3A_41 = tpu.memref_slice %arg7[%dma_start3A_38, %dma_start3A_39, %dma_start3A_40] : memref<4x2x128xi32, #tpu.memory_space<vmem>> -> memref<1x2x128xi32, #tpu.memory_space<vmem>>
    %dma_start3A_42 = tpu.memref_squeeze %dma_start3A_41 : memref<1x2x128xi32, #tpu.memory_space<vmem>> -> memref<2x128xi32, #tpu.memory_space<vmem>>
    %dma_start3A_43 = arith.constant 0 : i32
    %dma_start3A_44 = arith.constant 0 : i32
    %dma_start3A_45 = tpu.memref_slice %arg2[%add3A, %dma_start3A, %dma_start3A_43, %dma_start3A_44] : memref<32x80x2x128xi32, #tpu.memory_space<hbm>> -> memref<1x1x2x128xi32, #tpu.memory_space<hbm>>
    %dma_start3A_46 = tpu.memref_squeeze %dma_start3A_45 : memref<1x1x2x128xi32, #tpu.memory_space<hbm>> -> memref<2x128xi32, #tpu.memory_space<hbm>>
    %dma_start3A_47 = arith.constant 0 : i32
    %dma_start3A_48 = arith.constant 0 : i32
    %dma_start3A_49 = tpu.memref_slice %arg7[%dma_start3A_38, %dma_start3A_47, %dma_start3A_48] : memref<4x2x128xi32, #tpu.memory_space<vmem>> -> memref<1x2x128xi32, #tpu.memory_space<vmem>>
    %dma_start3A_50 = tpu.memref_squeeze %dma_start3A_49 : memref<1x2x128xi32, #tpu.memory_space<vmem>> -> memref<2x128xi32, #tpu.memory_space<vmem>>
    %dma_start3A_51 = arith.constant 0 : i32
    %dma_start3A_52 = arith.constant 0 : i32
    %dma_start3A_53 = tpu.memref_slice %arg2[%add3A, %dma_start3A, %dma_start3A_51, %dma_start3A_52] : memref<32x80x2x128xi32, #tpu.memory_space<hbm>> -> memref<1x1x2x128xi32, #tpu.memory_space<hbm>>
    %dma_start3A_54 = tpu.memref_squeeze %dma_start3A_53 : memref<1x1x2x128xi32, #tpu.memory_space<hbm>> -> memref<2x128xi32, #tpu.memory_space<hbm>>
    tpu.enqueue_dma source(%dma_start3A_54 : memref<2x128xi32, #tpu.memory_space<hbm>>) target(%dma_start3A_50 : memref<2x128xi32, #tpu.memory_space<vmem>>) target_semaphore(%arg14 : memref<!tpu.dma_semaphore, #tpu.memory_space<semaphore_mem>>)
    %dma_start3A_55 = arith.constant 0 : i32
    %dma_start3A_56 = arith.constant 1 : i32
    %dma_start3A_57 = arith.constant 0 : i32
    %dma_start3A_58 = tpu.memref_slice %arg7[%dma_start3A_55, %dma_start3A_56, %dma_start3A_57] : memref<4x2x128xi32, #tpu.memory_space<vmem>> -> memref<1x1x128xi32, #tpu.memory_space<vmem>>
    %dma_start3A_59 = tpu.memref_squeeze %dma_start3A_58 : memref<1x1x128xi32, #tpu.memory_space<vmem>> -> memref<128xi32, #tpu.memory_space<vmem>>
    %dma_start3A_60 = arith.constant 0 : i32
    %dma_start3A_61 = arith.constant 0 : i32
    %dma_start3A_62 = tpu.memref_slice %arg25[%dma_start3A_60, %dma_start3A_61] : memref<10240x128xf32, #tpu.memory_space<vmem_shared>> -> memref<10240x128xf32, #tpu.memory_space<vmem_shared>>
    tpu.enqueue_indirect_dma source(%arg9 : memref<128x128xf32, #tpu.memory_space<vmem>>) target(%dma_start3A_62 : memref<10240x128xf32, #tpu.memory_space<vmem_shared>>) offsets(%dma_start3A_59 : memref<128xi32, #tpu.memory_space<vmem>>) semaphore(%arg22 : memref<!tpu.dma_semaphore, #tpu.memory_space<semaphore_mem>>) {add = true}
    %dma_start3A_63 = arith.constant 0 : i32
    %dma_start3A_64 = arith.constant 0 : i32
    %dma_start3A_65 = arith.constant 0 : i32
    %dma_start3A_66 = tpu.memref_slice %arg7[%dma_start3A_63, %dma_start3A_64, %dma_start3A_65] : memref<4x2x128xi32, #tpu.memory_space<vmem>> -> memref<1x1x128xi32, #tpu.memory_space<vmem>>
    %dma_start3A_67 = tpu.memref_squeeze %dma_start3A_66 : memref<1x1x128xi32, #tpu.memory_space<vmem>> -> memref<128xi32, #tpu.memory_space<vmem>>
    %dma_start3A_68 = arith.constant 0 : i32
    %dma_start3A_69 = tpu.memref_slice %arg26[%dma_start3A_68] : memref<10240xf32, #tpu.memory_space<vmem_shared>> -> memref<10240xf32, #tpu.memory_space<vmem_shared>>
    tpu.enqueue_indirect_dma source(%arg11 : memref<128xf32, #tpu.memory_space<vmem>>) target(%dma_start3A_69 : memref<10240xf32, #tpu.memory_space<vmem_shared>>) offsets(%dma_start3A_67 : memref<128xi32, #tpu.memory_space<vmem>>) semaphore(%arg24 : memref<!tpu.dma_semaphore, #tpu.memory_space<semaphore_mem>>) {add = true}
    %dma_start3A_70 = arith.constant 0 : i32
    %dma_start3A_71 = arith.constant 0 : i32
    %dma_start3A_72 = arith.constant 0 : i32
    %dma_start3A_73 = tpu.memref_slice %arg7[%dma_start3A_70, %dma_start3A_71, %dma_start3A_72] : memref<4x2x128xi32, #tpu.memory_space<vmem>> -> memref<1x1x128xi32, #tpu.memory_space<vmem>>
    %dma_start3A_74 = tpu.memref_squeeze %dma_start3A_73 : memref<1x1x128xi32, #tpu.memory_space<vmem>> -> memref<128xi32, #tpu.memory_space<vmem>>
    %dma_start3A_75 = arith.constant 0 : i32
    %dma_start3A_76 = arith.constant 0 : i32
    %dma_start3A_77 = tpu.memref_slice %arg3[%dma_start3A_75, %dma_start3A_76] : memref<10240x128xf32, #tpu.memory_space<hbm>> -> memref<10240x128xf32, #tpu.memory_space<hbm>>
    tpu.enqueue_indirect_dma source(%dma_start3A_77 : memref<10240x128xf32, #tpu.memory_space<hbm>>) target(%arg8 : memref<128x128xf32, #tpu.memory_space<vmem>>) offsets(%dma_start3A_74 : memref<128xi32, #tpu.memory_space<vmem>>) semaphore(%arg17 : memref<!tpu.dma_semaphore, #tpu.memory_space<semaphore_mem>>)
    %dma_start3A_78 = arith.constant 0 : i32
    %dma_start3A_79 = arith.constant 1 : i32
    %dma_start3A_80 = arith.constant 0 : i32
    %dma_start3A_81 = tpu.memref_slice %arg7[%dma_start3A_78, %dma_start3A_79, %dma_start3A_80] : memref<4x2x128xi32, #tpu.memory_space<vmem>> -> memref<1x1x128xi32, #tpu.memory_space<vmem>>
    %dma_start3A_82 = tpu.memref_squeeze %dma_start3A_81 : memref<1x1x128xi32, #tpu.memory_space<vmem>> -> memref<128xi32, #tpu.memory_space<vmem>>
    %dma_start3A_83 = arith.constant 0 : i32
    %dma_start3A_84 = tpu.memref_slice %arg27[%dma_start3A_83] : memref<10240xf32, #tpu.memory_space<vmem_shared>> -> memref<10240xf32, #tpu.memory_space<vmem_shared>>
    tpu.enqueue_indirect_dma source(%dma_start3A_84 : memref<10240xf32, #tpu.memory_space<vmem_shared>>) target(%arg10 : memref<128xf32, #tpu.memory_space<vmem>>) offsets(%dma_start3A_82 : memref<128xi32, #tpu.memory_space<vmem>>) semaphore(%arg19 : memref<!tpu.dma_semaphore, #tpu.memory_space<semaphore_mem>>)
    %scan3A_85 = arith.constant 0 : i32
    %scan3A_86 = arith.constant 0 : i32
    %scan3A_87 = arith.constant 20 : i32
    %scan3A_88 = arith.addi %scan3A_86, %scan3A_87 : i32
    %scan3A_89 = arith.constant 1 : i32
    %scan3A_90 = scf.for %scan3A_115 = %scan3A_86 to %scan3A_88 step %scan3A_89 iter_args(%scan3A_116 = %scan3A_85) -> (i32)  : i32 {
      %mul3A_117 = arith.constant 4 : i32
      %mul3A_118 = arith.muli %mul3A_117, %scan3A_115 : i32
      %add3A_119 = arith.constant 0 : i32
      %add3A_120 = arith.addi %mul3A_118, %add3A_119 : i32
      %dma_wait3A_121 = arith.constant 0 : i32
      %dma_wait3A_122 = arith.constant 0 : i32
      %dma_wait3A_123 = arith.constant 0 : i32
      %dma_wait3A_124 = tpu.memref_slice %arg7[%dma_wait3A_121, %dma_wait3A_122, %dma_wait3A_123] : memref<4x2x128xi32, #tpu.memory_space<vmem>> -> memref<1x1x128xi32, #tpu.memory_space<vmem>>
      %dma_wait3A_125 = tpu.memref_squeeze %dma_wait3A_124 : memref<1x1x128xi32, #tpu.memory_space<vmem>> -> memref<128xi32, #tpu.memory_space<vmem>>
      %dma_wait3A_126 = arith.constant 0 : i32
      %dma_wait3A_127 = arith.constant 0 : i32
      %dma_wait3A_128 = tpu.memref_slice %arg3[%dma_wait3A_126, %dma_wait3A_127] : memref<10240x128xf32, #tpu.memory_space<hbm>> -> memref<10240x128xf32, #tpu.memory_space<hbm>>
      tpu.wait_indirect_dma semaphore(%arg17 : memref<!tpu.dma_semaphore, #tpu.memory_space<semaphore_mem>>) src(%dma_wait3A_128 : memref<10240x128xf32, #tpu.memory_space<hbm>>) dst(%arg8 : memref<128x128xf32, #tpu.memory_space<vmem>>)
      %dma_wait3A_129 = arith.constant 0 : i32
      %dma_wait3A_130 = arith.constant 1 : i32
      %dma_wait3A_131 = arith.constant 0 : i32
      %dma_wait3A_132 = tpu.memref_slice %arg7[%dma_wait3A_129, %dma_wait3A_130, %dma_wait3A_131] : memref<4x2x128xi32, #tpu.memory_space<vmem>> -> memref<1x1x128xi32, #tpu.memory_space<vmem>>
      %dma_wait3A_133 = tpu.memref_squeeze %dma_wait3A_132 : memref<1x1x128xi32, #tpu.memory_space<vmem>> -> memref<128xi32, #tpu.memory_space<vmem>>
      %dma_wait3A_134 = arith.constant 0 : i32
      %dma_wait3A_135 = tpu.memref_slice %arg27[%dma_wait3A_134] : memref<10240xf32, #tpu.memory_space<vmem_shared>> -> memref<10240xf32, #tpu.memory_space<vmem_shared>>
      tpu.wait_indirect_dma semaphore(%arg19 : memref<!tpu.dma_semaphore, #tpu.memory_space<semaphore_mem>>) src(%dma_wait3A_135 : memref<10240xf32, #tpu.memory_space<vmem_shared>>) dst(%arg10 : memref<128xf32, #tpu.memory_space<vmem>>)
      %dma_start3A_136 = arith.constant 0 : i32
      %dma_start3A_137 = arith.constant 1 : i32
      %dma_start3A_138 = arith.constant 0 : i32
      %dma_start3A_139 = tpu.memref_slice %arg7[%dma_start3A_136, %dma_start3A_137, %dma_start3A_138] : memref<4x2x128xi32, #tpu.memory_space<vmem>> -> memref<1x1x128xi32, #tpu.memory_space<vmem>>
      %dma_start3A_140 = tpu.memref_squeeze %dma_start3A_139 : memref<1x1x128xi32, #tpu.memory_space<vmem>> -> memref<128xi32, #tpu.memory_space<vmem>>
      %dma_start3A_141 = arith.constant 0 : i32
      %dma_start3A_142 = arith.constant 0 : i32
      %dma_start3A_143 = tpu.memref_slice %arg25[%dma_start3A_141, %dma_start3A_142] : memref<10240x128xf32, #tpu.memory_space<vmem_shared>> -> memref<10240x128xf32, #tpu.memory_space<vmem_shared>>
      tpu.enqueue_indirect_dma source(%arg8 : memref<128x128xf32, #tpu.memory_space<vmem>>) target(%dma_start3A_143 : memref<10240x128xf32, #tpu.memory_space<vmem_shared>>) offsets(%dma_start3A_140 : memref<128xi32, #tpu.memory_space<vmem>>) semaphore(%arg21 : memref<!tpu.dma_semaphore, #tpu.memory_space<semaphore_mem>>) {add = true}
      %dma_start3A_144 = arith.constant 0 : i32
      %dma_start3A_145 = arith.constant 0 : i32
      %dma_start3A_146 = arith.constant 0 : i32
      %dma_start3A_147 = tpu.memref_slice %arg7[%dma_start3A_144, %dma_start3A_145, %dma_start3A_146] : memref<4x2x128xi32, #tpu.memory_space<vmem>> -> memref<1x1x128xi32, #tpu.memory_space<vmem>>
      %dma_start3A_148 = tpu.memref_squeeze %dma_start3A_147 : memref<1x1x128xi32, #tpu.memory_space<vmem>> -> memref<128xi32, #tpu.memory_space<vmem>>
      %dma_start3A_149 = arith.constant 0 : i32
      %dma_start3A_150 = tpu.memref_slice %arg26[%dma_start3A_149] : memref<10240xf32, #tpu.memory_space<vmem_shared>> -> memref<10240xf32, #tpu.memory_space<vmem_shared>>
      tpu.enqueue_indirect_dma source(%arg10 : memref<128xf32, #tpu.memory_space<vmem>>) target(%dma_start3A_150 : memref<10240xf32, #tpu.memory_space<vmem_shared>>) offsets(%dma_start3A_148 : memref<128xi32, #tpu.memory_space<vmem>>) semaphore(%arg23 : memref<!tpu.dma_semaphore, #tpu.memory_space<semaphore_mem>>) {add = true}
      %dma_wait3A_151 = arith.constant 3 : i32
      %dma_wait3A_152 = arith.constant 1 : i32
      %dma_wait3A_153 = arith.constant 0 : i32
      %dma_wait3A_154 = tpu.memref_slice %arg7[%dma_wait3A_151, %dma_wait3A_152, %dma_wait3A_153] : memref<4x2x128xi32, #tpu.memory_space<vmem>> -> memref<1x1x128xi32, #tpu.memory_space<vmem>>
      %dma_wait3A_155 = tpu.memref_squeeze %dma_wait3A_154 : memref<1x1x128xi32, #tpu.memory_space<vmem>> -> memref<128xi32, #tpu.memory_space<vmem>>
      %dma_wait3A_156 = arith.constant 0 : i32
      %dma_wait3A_157 = arith.constant 0 : i32
      %dma_wait3A_158 = tpu.memref_slice %arg25[%dma_wait3A_156, %dma_wait3A_157] : memref<10240x128xf32, #tpu.memory_space<vmem_shared>> -> memref<10240x128xf32, #tpu.memory_space<vmem_shared>>
      tpu.wait_indirect_dma semaphore(%arg22 : memref<!tpu.dma_semaphore, #tpu.memory_space<semaphore_mem>>) src(%arg9 : memref<128x128xf32, #tpu.memory_space<vmem>>) dst(%dma_wait3A_158 : memref<10240x128xf32, #tpu.memory_space<vmem_shared>>)
      %dma_wait3A_159 = arith.constant 3 : i32
      %dma_wait3A_160 = arith.constant 0 : i32
      %dma_wait3A_161 = arith.constant 0 : i32
      %dma_wait3A_162 = tpu.memref_slice %arg7[%dma_wait3A_159, %dma_wait3A_160, %dma_wait3A_161] : memref<4x2x128xi32, #tpu.memory_space<vmem>> -> memref<1x1x128xi32, #tpu.memory_space<vmem>>
      %dma_wait3A_163 = tpu.memref_squeeze %dma_wait3A_162 : memref<1x1x128xi32, #tpu.memory_space<vmem>> -> memref<128xi32, #tpu.memory_space<vmem>>
      %dma_wait3A_164 = arith.constant 0 : i32
      %dma_wait3A_165 = tpu.memref_slice %arg26[%dma_wait3A_164] : memref<10240xf32, #tpu.memory_space<vmem_shared>> -> memref<10240xf32, #tpu.memory_space<vmem_shared>>
      tpu.wait_indirect_dma semaphore(%arg24 : memref<!tpu.dma_semaphore, #tpu.memory_space<semaphore_mem>>) src(%arg11 : memref<128xf32, #tpu.memory_space<vmem>>) dst(%dma_wait3A_165 : memref<10240xf32, #tpu.memory_space<vmem_shared>>)
      %add3A_166 = arith.constant 2 : i32
      %add3A_167 = arith.addi %add3A_120, %add3A_166 : i32
      %lt3A = arith.constant 80 : i32
      %lt3A_168 = arith.cmpi slt, %add3A_167, %lt3A : i32
      %convert_element_type3A_169 = arith.extui %lt3A_168 : i1 to i32
      %cond3A_170 = arith.constant 0 : i32
      %cond3A_171 = arith.cmpi ne, %convert_element_type3A_169, %cond3A_170 : i32
      scf.if %cond3A_171 {
        %add3A_363 = arith.constant 2 : i32
        %add3A_364 = arith.addi %add3A_120, %add3A_363 : i32
        %dma_start3A_365 = arith.constant 2 : i32
        %dma_start3A_366 = arith.constant 0 : i32
        %dma_start3A_367 = arith.constant 0 : i32
        %dma_start3A_368 = tpu.memref_slice %arg7[%dma_start3A_365, %dma_start3A_366, %dma_start3A_367] : memref<4x2x128xi32, #tpu.memory_space<vmem>> -> memref<1x2x128xi32, #tpu.memory_space<vmem>>
        %dma_start3A_369 = tpu.memref_squeeze %dma_start3A_368 : memref<1x2x128xi32, #tpu.memory_space<vmem>> -> memref<2x128xi32, #tpu.memory_space<vmem>>
        %dma_start3A_370 = arith.constant 0 : i32
        %dma_start3A_371 = arith.constant 0 : i32
        %dma_start3A_372 = tpu.memref_slice %arg2[%add3A, %add3A_364, %dma_start3A_370, %dma_start3A_371] : memref<32x80x2x128xi32, #tpu.memory_space<hbm>> -> memref<1x1x2x128xi32, #tpu.memory_space<hbm>>
        %dma_start3A_373 = tpu.memref_squeeze %dma_start3A_372 : memref<1x1x2x128xi32, #tpu.memory_space<hbm>> -> memref<2x128xi32, #tpu.memory_space<hbm>>
        %dma_start3A_374 = arith.constant 0 : i32
        %dma_start3A_375 = arith.constant 0 : i32
        %dma_start3A_376 = tpu.memref_slice %arg7[%dma_start3A_365, %dma_start3A_374, %dma_start3A_375] : memref<4x2x128xi32, #tpu.memory_space<vmem>> -> memref<1x2x128xi32, #tpu.memory_space<vmem>>
        %dma_start3A_377 = tpu.memref_squeeze %dma_start3A_376 : memref<1x2x128xi32, #tpu.memory_space<vmem>> -> memref<2x128xi32, #tpu.memory_space<vmem>>
        %dma_start3A_378 = arith.constant 0 : i32
        %dma_start3A_379 = arith.constant 0 : i32
        %dma_start3A_380 = tpu.memref_slice %arg2[%add3A, %add3A_364, %dma_start3A_378, %dma_start3A_379] : memref<32x80x2x128xi32, #tpu.memory_space<hbm>> -> memref<1x1x2x128xi32, #tpu.memory_space<hbm>>
        %dma_start3A_381 = tpu.memref_squeeze %dma_start3A_380 : memref<1x1x2x128xi32, #tpu.memory_space<hbm>> -> memref<2x128xi32, #tpu.memory_space<hbm>>
        tpu.enqueue_dma source(%dma_start3A_381 : memref<2x128xi32, #tpu.memory_space<hbm>>) target(%dma_start3A_377 : memref<2x128xi32, #tpu.memory_space<vmem>>) target_semaphore(%arg15 : memref<!tpu.dma_semaphore, #tpu.memory_space<semaphore_mem>>)
      } else {
      }
      %add3A_172 = arith.constant 1 : i32
      %add3A_173 = arith.addi %add3A_120, %add3A_172 : i32
      %lt3A_174 = arith.constant 80 : i32
      %lt3A_175 = arith.cmpi slt, %add3A_173, %lt3A_174 : i32
      %convert_element_type3A_176 = arith.extui %lt3A_175 : i1 to i32
      %cond3A_177 = arith.constant 0 : i32
      %cond3A_178 = arith.cmpi ne, %convert_element_type3A_176, %cond3A_177 : i32
      scf.if %cond3A_178 {
        %add3A_363 = arith.constant 1 : i32
        %add3A_364 = arith.addi %add3A_120, %add3A_363 : i32
        %dma_wait3A_365 = arith.constant 1 : i32
        %dma_wait3A_366 = arith.constant 0 : i32
        %dma_wait3A_367 = arith.constant 0 : i32
        %dma_wait3A_368 = tpu.memref_slice %arg7[%dma_wait3A_365, %dma_wait3A_366, %dma_wait3A_367] : memref<4x2x128xi32, #tpu.memory_space<vmem>> -> memref<1x2x128xi32, #tpu.memory_space<vmem>>
        %dma_wait3A_369 = tpu.memref_squeeze %dma_wait3A_368 : memref<1x2x128xi32, #tpu.memory_space<vmem>> -> memref<2x128xi32, #tpu.memory_space<vmem>>
        %dma_wait3A_370 = arith.constant 0 : i32
        %dma_wait3A_371 = arith.constant 0 : i32
        %dma_wait3A_372 = tpu.memref_slice %arg2[%add3A, %add3A_364, %dma_wait3A_370, %dma_wait3A_371] : memref<32x80x2x128xi32, #tpu.memory_space<hbm>> -> memref<1x1x2x128xi32, #tpu.memory_space<hbm>>
        %dma_wait3A_373 = tpu.memref_squeeze %dma_wait3A_372 : memref<1x1x2x128xi32, #tpu.memory_space<hbm>> -> memref<2x128xi32, #tpu.memory_space<hbm>>
        %dma_wait3A_374 = arith.constant 0 : i32
        %dma_wait3A_375 = arith.constant 0 : i32
        %dma_wait3A_376 = tpu.memref_slice %arg7[%dma_wait3A_365, %dma_wait3A_374, %dma_wait3A_375] : memref<4x2x128xi32, #tpu.memory_space<vmem>> -> memref<1x2x128xi32, #tpu.memory_space<vmem>>
        %dma_wait3A_377 = tpu.memref_squeeze %dma_wait3A_376 : memref<1x2x128xi32, #tpu.memory_space<vmem>> -> memref<2x128xi32, #tpu.memory_space<vmem>>
        %dma_wait3A_378 = arith.constant 0 : i32
        %dma_wait3A_379 = arith.constant 0 : i32
        %dma_wait3A_380 = tpu.memref_slice %arg2[%add3A, %add3A_364, %dma_wait3A_378, %dma_wait3A_379] : memref<32x80x2x128xi32, #tpu.memory_space<hbm>> -> memref<1x1x2x128xi32, #tpu.memory_space<hbm>>
        %dma_wait3A_381 = tpu.memref_squeeze %dma_wait3A_380 : memref<1x1x2x128xi32, #tpu.memory_space<hbm>> -> memref<2x128xi32, #tpu.memory_space<hbm>>
        tpu.wait_dma2 semaphore(%arg14 : memref<!tpu.dma_semaphore, #tpu.memory_space<semaphore_mem>>) src(%dma_wait3A_381 : memref<2x128xi32, #tpu.memory_space<hbm>>) dst(%dma_wait3A_377 : memref<2x128xi32, #tpu.memory_space<vmem>>)
        %dma_start3A_382 = arith.constant 1 : i32
        %dma_start3A_383 = arith.constant 0 : i32
        %dma_start3A_384 = arith.constant 0 : i32
        %dma_start3A_385 = tpu.memref_slice %arg7[%dma_start3A_382, %dma_start3A_383, %dma_start3A_384] : memref<4x2x128xi32, #tpu.memory_space<vmem>> -> memref<1x1x128xi32, #tpu.memory_space<vmem>>
        %dma_start3A_386 = tpu.memref_squeeze %dma_start3A_385 : memref<1x1x128xi32, #tpu.memory_space<vmem>> -> memref<128xi32, #tpu.memory_space<vmem>>
        %dma_start3A_387 = arith.constant 0 : i32
        %dma_start3A_388 = arith.constant 0 : i32
        %dma_start3A_389 = tpu.memref_slice %arg3[%dma_start3A_387, %dma_start3A_388] : memref<10240x128xf32, #tpu.memory_space<hbm>> -> memref<10240x128xf32, #tpu.memory_space<hbm>>
        tpu.enqueue_indirect_dma source(%dma_start3A_389 : memref<10240x128xf32, #tpu.memory_space<hbm>>) target(%arg9 : memref<128x128xf32, #tpu.memory_space<vmem>>) offsets(%dma_start3A_386 : memref<128xi32, #tpu.memory_space<vmem>>) semaphore(%arg18 : memref<!tpu.dma_semaphore, #tpu.memory_space<semaphore_mem>>)
        %dma_start3A_390 = arith.constant 1 : i32
        %dma_start3A_391 = arith.constant 1 : i32
        %dma_start3A_392 = arith.constant 0 : i32
        %dma_start3A_393 = tpu.memref_slice %arg7[%dma_start3A_390, %dma_start3A_391, %dma_start3A_392] : memref<4x2x128xi32, #tpu.memory_space<vmem>> -> memref<1x1x128xi32, #tpu.memory_space<vmem>>
        %dma_start3A_394 = tpu.memref_squeeze %dma_start3A_393 : memref<1x1x128xi32, #tpu.memory_space<vmem>> -> memref<128xi32, #tpu.memory_space<vmem>>
        %dma_start3A_395 = arith.constant 0 : i32
        %dma_start3A_396 = tpu.memref_slice %arg27[%dma_start3A_395] : memref<10240xf32, #tpu.memory_space<vmem_shared>> -> memref<10240xf32, #tpu.memory_space<vmem_shared>>
        tpu.enqueue_indirect_dma source(%dma_start3A_396 : memref<10240xf32, #tpu.memory_space<vmem_shared>>) target(%arg11 : memref<128xf32, #tpu.memory_space<vmem>>) offsets(%dma_start3A_394 : memref<128xi32, #tpu.memory_space<vmem>>) semaphore(%arg20 : memref<!tpu.dma_semaphore, #tpu.memory_space<semaphore_mem>>)
      } else {
      }
      %add3A_179 = arith.constant 1 : i32
      %add3A_180 = arith.addi %mul3A_118, %add3A_179 : i32
      %dma_wait3A_181 = arith.constant 1 : i32
      %dma_wait3A_182 = arith.constant 0 : i32
      %dma_wait3A_183 = arith.constant 0 : i32
      %dma_wait3A_184 = tpu.memref_slice %arg7[%dma_wait3A_181, %dma_wait3A_182, %dma_wait3A_183] : memref<4x2x128xi32, #tpu.memory_space<vmem>> -> memref<1x1x128xi32, #tpu.memory_space<vmem>>
      %dma_wait3A_185 = tpu.memref_squeeze %dma_wait3A_184 : memref<1x1x128xi32, #tpu.memory_space<vmem>> -> memref<128xi32, #tpu.memory_space<vmem>>
      %dma_wait3A_186 = arith.constant 0 : i32
      %dma_wait3A_187 = arith.constant 0 : i32
      %dma_wait3A_188 = tpu.memref_slice %arg3[%dma_wait3A_186, %dma_wait3A_187] : memref<10240x128xf32, #tpu.memory_space<hbm>> -> memref<10240x128xf32, #tpu.memory_space<hbm>>
      tpu.wait_indirect_dma semaphore(%arg18 : memref<!tpu.dma_semaphore, #tpu.memory_space<semaphore_mem>>) src(%dma_wait3A_188 : memref<10240x128xf32, #tpu.memory_space<hbm>>) dst(%arg9 : memref<128x128xf32, #tpu.memory_space<vmem>>)
      %dma_wait3A_189 = arith.constant 1 : i32
      %dma_wait3A_190 = arith.constant 1 : i32
      %dma_wait3A_191 = arith.constant 0 : i32
      %dma_wait3A_192 = tpu.memref_slice %arg7[%dma_wait3A_189, %dma_wait3A_190, %dma_wait3A_191] : memref<4x2x128xi32, #tpu.memory_space<vmem>> -> memref<1x1x128xi32, #tpu.memory_space<vmem>>
      %dma_wait3A_193 = tpu.memref_squeeze %dma_wait3A_192 : memref<1x1x128xi32, #tpu.memory_space<vmem>> -> memref<128xi32, #tpu.memory_space<vmem>>
      %dma_wait3A_194 = arith.constant 0 : i32
      %dma_wait3A_195 = tpu.memref_slice %arg27[%dma_wait3A_194] : memref<10240xf32, #tpu.memory_space<vmem_shared>> -> memref<10240xf32, #tpu.memory_space<vmem_shared>>
      tpu.wait_indirect_dma semaphore(%arg20 : memref<!tpu.dma_semaphore, #tpu.memory_space<semaphore_mem>>) src(%dma_wait3A_195 : memref<10240xf32, #tpu.memory_space<vmem_shared>>) dst(%arg11 : memref<128xf32, #tpu.memory_space<vmem>>)
      %dma_start3A_196 = arith.constant 1 : i32
      %dma_start3A_197 = arith.constant 1 : i32
      %dma_start3A_198 = arith.constant 0 : i32
      %dma_start3A_199 = tpu.memref_slice %arg7[%dma_start3A_196, %dma_start3A_197, %dma_start3A_198] : memref<4x2x128xi32, #tpu.memory_space<vmem>> -> memref<1x1x128xi32, #tpu.memory_space<vmem>>
      %dma_start3A_200 = tpu.memref_squeeze %dma_start3A_199 : memref<1x1x128xi32, #tpu.memory_space<vmem>> -> memref<128xi32, #tpu.memory_space<vmem>>
      %dma_start3A_201 = arith.constant 0 : i32
      %dma_start3A_202 = arith.constant 0 : i32
      %dma_start3A_203 = tpu.memref_slice %arg25[%dma_start3A_201, %dma_start3A_202] : memref<10240x128xf32, #tpu.memory_space<vmem_shared>> -> memref<10240x128xf32, #tpu.memory_space<vmem_shared>>
      tpu.enqueue_indirect_dma source(%arg9 : memref<128x128xf32, #tpu.memory_space<vmem>>) target(%dma_start3A_203 : memref<10240x128xf32, #tpu.memory_space<vmem_shared>>) offsets(%dma_start3A_200 : memref<128xi32, #tpu.memory_space<vmem>>) semaphore(%arg22 : memref<!tpu.dma_semaphore, #tpu.memory_space<semaphore_mem>>) {add = true}
      %dma_start3A_204 = arith.constant 1 : i32
      %dma_start3A_205 = arith.constant 0 : i32
      %dma_start3A_206 = arith.constant 0 : i32
      %dma_start3A_207 = tpu.memref_slice %arg7[%dma_start3A_204, %dma_start3A_205, %dma_start3A_206] : memref<4x2x128xi32, #tpu.memory_space<vmem>> -> memref<1x1x128xi32, #tpu.memory_space<vmem>>
      %dma_start3A_208 = tpu.memref_squeeze %dma_start3A_207 : memref<1x1x128xi32, #tpu.memory_space<vmem>> -> memref<128xi32, #tpu.memory_space<vmem>>
      %dma_start3A_209 = arith.constant 0 : i32
      %dma_start3A_210 = tpu.memref_slice %arg26[%dma_start3A_209] : memref<10240xf32, #tpu.memory_space<vmem_shared>> -> memref<10240xf32, #tpu.memory_space<vmem_shared>>
      tpu.enqueue_indirect_dma source(%arg11 : memref<128xf32, #tpu.memory_space<vmem>>) target(%dma_start3A_210 : memref<10240xf32, #tpu.memory_space<vmem_shared>>) offsets(%dma_start3A_208 : memref<128xi32, #tpu.memory_space<vmem>>) semaphore(%arg24 : memref<!tpu.dma_semaphore, #tpu.memory_space<semaphore_mem>>) {add = true}
      %dma_wait3A_211 = arith.constant 0 : i32
      %dma_wait3A_212 = arith.constant 1 : i32
      %dma_wait3A_213 = arith.constant 0 : i32
      %dma_wait3A_214 = tpu.memref_slice %arg7[%dma_wait3A_211, %dma_wait3A_212, %dma_wait3A_213] : memref<4x2x128xi32, #tpu.memory_space<vmem>> -> memref<1x1x128xi32, #tpu.memory_space<vmem>>
      %dma_wait3A_215 = tpu.memref_squeeze %dma_wait3A_214 : memref<1x1x128xi32, #tpu.memory_space<vmem>> -> memref<128xi32, #tpu.memory_space<vmem>>
      %dma_wait3A_216 = arith.constant 0 : i32
      %dma_wait3A_217 = arith.constant 0 : i32
      %dma_wait3A_218 = tpu.memref_slice %arg25[%dma_wait3A_216, %dma_wait3A_217] : memref<10240x128xf32, #tpu.memory_space<vmem_shared>> -> memref<10240x128xf32, #tpu.memory_space<vmem_shared>>
      tpu.wait_indirect_dma semaphore(%arg21 : memref<!tpu.dma_semaphore, #tpu.memory_space<semaphore_mem>>) src(%arg8 : memref<128x128xf32, #tpu.memory_space<vmem>>) dst(%dma_wait3A_218 : memref<10240x128xf32, #tpu.memory_space<vmem_shared>>)
      %dma_wait3A_219 = arith.constant 0 : i32
      %dma_wait3A_220 = arith.constant 0 : i32
      %dma_wait3A_221 = arith.constant 0 : i32
      %dma_wait3A_222 = tpu.memref_slice %arg7[%dma_wait3A_219, %dma_wait3A_220, %dma_wait3A_221] : memref<4x2x128xi32, #tpu.memory_space<vmem>> -> memref<1x1x128xi32, #tpu.memory_space<vmem>>
      %dma_wait3A_223 = tpu.memref_squeeze %dma_wait3A_222 : memref<1x1x128xi32, #tpu.memory_space<vmem>> -> memref<128xi32, #tpu.memory_space<vmem>>
      %dma_wait3A_224 = arith.constant 0 : i32
      %dma_wait3A_225 = tpu.memref_slice %arg26[%dma_wait3A_224] : memref<10240xf32, #tpu.memory_space<vmem_shared>> -> memref<10240xf32, #tpu.memory_space<vmem_shared>>
      tpu.wait_indirect_dma semaphore(%arg23 : memref<!tpu.dma_semaphore, #tpu.memory_space<semaphore_mem>>) src(%arg10 : memref<128xf32, #tpu.memory_space<vmem>>) dst(%dma_wait3A_225 : memref<10240xf32, #tpu.memory_space<vmem_shared>>)
      %add3A_226 = arith.constant 2 : i32
      %add3A_227 = arith.addi %add3A_180, %add3A_226 : i32
      %lt3A_228 = arith.constant 80 : i32
      %lt3A_229 = arith.cmpi slt, %add3A_227, %lt3A_228 : i32
      %convert_element_type3A_230 = arith.extui %lt3A_229 : i1 to i32
      %cond3A_231 = arith.constant 0 : i32
      %cond3A_232 = arith.cmpi ne, %convert_element_type3A_230, %cond3A_231 : i32
      scf.if %cond3A_232 {
        %add3A_363 = arith.constant 2 : i32
        %add3A_364 = arith.addi %add3A_180, %add3A_363 : i32
        %dma_start3A_365 = arith.constant 3 : i32
        %dma_start3A_366 = arith.constant 0 : i32
        %dma_start3A_367 = arith.constant 0 : i32
        %dma_start3A_368 = tpu.memref_slice %arg7[%dma_start3A_365, %dma_start3A_366, %dma_start3A_367] : memref<4x2x128xi32, #tpu.memory_space<vmem>> -> memref<1x2x128xi32, #tpu.memory_space<vmem>>
        %dma_start3A_369 = tpu.memref_squeeze %dma_start3A_368 : memref<1x2x128xi32, #tpu.memory_space<vmem>> -> memref<2x128xi32, #tpu.memory_space<vmem>>
        %dma_start3A_370 = arith.constant 0 : i32
        %dma_start3A_371 = arith.constant 0 : i32
        %dma_start3A_372 = tpu.memref_slice %arg2[%add3A, %add3A_364, %dma_start3A_370, %dma_start3A_371] : memref<32x80x2x128xi32, #tpu.memory_space<hbm>> -> memref<1x1x2x128xi32, #tpu.memory_space<hbm>>
        %dma_start3A_373 = tpu.memref_squeeze %dma_start3A_372 : memref<1x1x2x128xi32, #tpu.memory_space<hbm>> -> memref<2x128xi32, #tpu.memory_space<hbm>>
        %dma_start3A_374 = arith.constant 0 : i32
        %dma_start3A_375 = arith.constant 0 : i32
        %dma_start3A_376 = tpu.memref_slice %arg7[%dma_start3A_365, %dma_start3A_374, %dma_start3A_375] : memref<4x2x128xi32, #tpu.memory_space<vmem>> -> memref<1x2x128xi32, #tpu.memory_space<vmem>>
        %dma_start3A_377 = tpu.memref_squeeze %dma_start3A_376 : memref<1x2x128xi32, #tpu.memory_space<vmem>> -> memref<2x128xi32, #tpu.memory_space<vmem>>
        %dma_start3A_378 = arith.constant 0 : i32
        %dma_start3A_379 = arith.constant 0 : i32
        %dma_start3A_380 = tpu.memref_slice %arg2[%add3A, %add3A_364, %dma_start3A_378, %dma_start3A_379] : memref<32x80x2x128xi32, #tpu.memory_space<hbm>> -> memref<1x1x2x128xi32, #tpu.memory_space<hbm>>
        %dma_start3A_381 = tpu.memref_squeeze %dma_start3A_380 : memref<1x1x2x128xi32, #tpu.memory_space<hbm>> -> memref<2x128xi32, #tpu.memory_space<hbm>>
        tpu.enqueue_dma source(%dma_start3A_381 : memref<2x128xi32, #tpu.memory_space<hbm>>) target(%dma_start3A_377 : memref<2x128xi32, #tpu.memory_space<vmem>>) target_semaphore(%arg16 : memref<!tpu.dma_semaphore, #tpu.memory_space<semaphore_mem>>)
      } else {
      }
      %add3A_233 = arith.constant 1 : i32
      %add3A_234 = arith.addi %add3A_180, %add3A_233 : i32
      %lt3A_235 = arith.constant 80 : i32
      %lt3A_236 = arith.cmpi slt, %add3A_234, %lt3A_235 : i32
      %convert_element_type3A_237 = arith.extui %lt3A_236 : i1 to i32
      %cond3A_238 = arith.constant 0 : i32
      %cond3A_239 = arith.cmpi ne, %convert_element_type3A_237, %cond3A_238 : i32
      scf.if %cond3A_239 {
        %add3A_363 = arith.constant 1 : i32
        %add3A_364 = arith.addi %add3A_180, %add3A_363 : i32
        %dma_wait3A_365 = arith.constant 2 : i32
        %dma_wait3A_366 = arith.constant 0 : i32
        %dma_wait3A_367 = arith.constant 0 : i32
        %dma_wait3A_368 = tpu.memref_slice %arg7[%dma_wait3A_365, %dma_wait3A_366, %dma_wait3A_367] : memref<4x2x128xi32, #tpu.memory_space<vmem>> -> memref<1x2x128xi32, #tpu.memory_space<vmem>>
        %dma_wait3A_369 = tpu.memref_squeeze %dma_wait3A_368 : memref<1x2x128xi32, #tpu.memory_space<vmem>> -> memref<2x128xi32, #tpu.memory_space<vmem>>
        %dma_wait3A_370 = arith.constant 0 : i32
        %dma_wait3A_371 = arith.constant 0 : i32
        %dma_wait3A_372 = tpu.memref_slice %arg2[%add3A, %add3A_364, %dma_wait3A_370, %dma_wait3A_371] : memref<32x80x2x128xi32, #tpu.memory_space<hbm>> -> memref<1x1x2x128xi32, #tpu.memory_space<hbm>>
        %dma_wait3A_373 = tpu.memref_squeeze %dma_wait3A_372 : memref<1x1x2x128xi32, #tpu.memory_space<hbm>> -> memref<2x128xi32, #tpu.memory_space<hbm>>
        %dma_wait3A_374 = arith.constant 0 : i32
        %dma_wait3A_375 = arith.constant 0 : i32
        %dma_wait3A_376 = tpu.memref_slice %arg7[%dma_wait3A_365, %dma_wait3A_374, %dma_wait3A_375] : memref<4x2x128xi32, #tpu.memory_space<vmem>> -> memref<1x2x128xi32, #tpu.memory_space<vmem>>
        %dma_wait3A_377 = tpu.memref_squeeze %dma_wait3A_376 : memref<1x2x128xi32, #tpu.memory_space<vmem>> -> memref<2x128xi32, #tpu.memory_space<vmem>>
        %dma_wait3A_378 = arith.constant 0 : i32
        %dma_wait3A_379 = arith.constant 0 : i32
        %dma_wait3A_380 = tpu.memref_slice %arg2[%add3A, %add3A_364, %dma_wait3A_378, %dma_wait3A_379] : memref<32x80x2x128xi32, #tpu.memory_space<hbm>> -> memref<1x1x2x128xi32, #tpu.memory_space<hbm>>
        %dma_wait3A_381 = tpu.memref_squeeze %dma_wait3A_380 : memref<1x1x2x128xi32, #tpu.memory_space<hbm>> -> memref<2x128xi32, #tpu.memory_space<hbm>>
        tpu.wait_dma2 semaphore(%arg15 : memref<!tpu.dma_semaphore, #tpu.memory_space<semaphore_mem>>) src(%dma_wait3A_381 : memref<2x128xi32, #tpu.memory_space<hbm>>) dst(%dma_wait3A_377 : memref<2x128xi32, #tpu.memory_space<vmem>>)
        %dma_start3A_382 = arith.constant 2 : i32
        %dma_start3A_383 = arith.constant 0 : i32
        %dma_start3A_384 = arith.constant 0 : i32
        %dma_start3A_385 = tpu.memref_slice %arg7[%dma_start3A_382, %dma_start3A_383, %dma_start3A_384] : memref<4x2x128xi32, #tpu.memory_space<vmem>> -> memref<1x1x128xi32, #tpu.memory_space<vmem>>
        %dma_start3A_386 = tpu.memref_squeeze %dma_start3A_385 : memref<1x1x128xi32, #tpu.memory_space<vmem>> -> memref<128xi32, #tpu.memory_space<vmem>>
        %dma_start3A_387 = arith.constant 0 : i32
        %dma_start3A_388 = arith.constant 0 : i32
        %dma_start3A_389 = tpu.memref_slice %arg3[%dma_start3A_387, %dma_start3A_388] : memref<10240x128xf32, #tpu.memory_space<hbm>> -> memref<10240x128xf32, #tpu.memory_space<hbm>>
        tpu.enqueue_indirect_dma source(%dma_start3A_389 : memref<10240x128xf32, #tpu.memory_space<hbm>>) target(%arg8 : memref<128x128xf32, #tpu.memory_space<vmem>>) offsets(%dma_start3A_386 : memref<128xi32, #tpu.memory_space<vmem>>) semaphore(%arg17 : memref<!tpu.dma_semaphore, #tpu.memory_space<semaphore_mem>>)
        %dma_start3A_390 = arith.constant 2 : i32
        %dma_start3A_391 = arith.constant 1 : i32
        %dma_start3A_392 = arith.constant 0 : i32
        %dma_start3A_393 = tpu.memref_slice %arg7[%dma_start3A_390, %dma_start3A_391, %dma_start3A_392] : memref<4x2x128xi32, #tpu.memory_space<vmem>> -> memref<1x1x128xi32, #tpu.memory_space<vmem>>
        %dma_start3A_394 = tpu.memref_squeeze %dma_start3A_393 : memref<1x1x128xi32, #tpu.memory_space<vmem>> -> memref<128xi32, #tpu.memory_space<vmem>>
        %dma_start3A_395 = arith.constant 0 : i32
        %dma_start3A_396 = tpu.memref_slice %arg27[%dma_start3A_395] : memref<10240xf32, #tpu.memory_space<vmem_shared>> -> memref<10240xf32, #tpu.memory_space<vmem_shared>>
        tpu.enqueue_indirect_dma source(%dma_start3A_396 : memref<10240xf32, #tpu.memory_space<vmem_shared>>) target(%arg10 : memref<128xf32, #tpu.memory_space<vmem>>) offsets(%dma_start3A_394 : memref<128xi32, #tpu.memory_space<vmem>>) semaphore(%arg19 : memref<!tpu.dma_semaphore, #tpu.memory_space<semaphore_mem>>)
      } else {
      }
      %add3A_240 = arith.constant 2 : i32
      %add3A_241 = arith.addi %mul3A_118, %add3A_240 : i32
      %dma_wait3A_242 = arith.constant 2 : i32
      %dma_wait3A_243 = arith.constant 0 : i32
      %dma_wait3A_244 = arith.constant 0 : i32
      %dma_wait3A_245 = tpu.memref_slice %arg7[%dma_wait3A_242, %dma_wait3A_243, %dma_wait3A_244] : memref<4x2x128xi32, #tpu.memory_space<vmem>> -> memref<1x1x128xi32, #tpu.memory_space<vmem>>
      %dma_wait3A_246 = tpu.memref_squeeze %dma_wait3A_245 : memref<1x1x128xi32, #tpu.memory_space<vmem>> -> memref<128xi32, #tpu.memory_space<vmem>>
      %dma_wait3A_247 = arith.constant 0 : i32
      %dma_wait3A_248 = arith.constant 0 : i32
      %dma_wait3A_249 = tpu.memref_slice %arg3[%dma_wait3A_247, %dma_wait3A_248] : memref<10240x128xf32, #tpu.memory_space<hbm>> -> memref<10240x128xf32, #tpu.memory_space<hbm>>
      tpu.wait_indirect_dma semaphore(%arg17 : memref<!tpu.dma_semaphore, #tpu.memory_space<semaphore_mem>>) src(%dma_wait3A_249 : memref<10240x128xf32, #tpu.memory_space<hbm>>) dst(%arg8 : memref<128x128xf32, #tpu.memory_space<vmem>>)
      %dma_wait3A_250 = arith.constant 2 : i32
      %dma_wait3A_251 = arith.constant 1 : i32
      %dma_wait3A_252 = arith.constant 0 : i32
      %dma_wait3A_253 = tpu.memref_slice %arg7[%dma_wait3A_250, %dma_wait3A_251, %dma_wait3A_252] : memref<4x2x128xi32, #tpu.memory_space<vmem>> -> memref<1x1x128xi32, #tpu.memory_space<vmem>>
      %dma_wait3A_254 = tpu.memref_squeeze %dma_wait3A_253 : memref<1x1x128xi32, #tpu.memory_space<vmem>> -> memref<128xi32, #tpu.memory_space<vmem>>
      %dma_wait3A_255 = arith.constant 0 : i32
      %dma_wait3A_256 = tpu.memref_slice %arg27[%dma_wait3A_255] : memref<10240xf32, #tpu.memory_space<vmem_shared>> -> memref<10240xf32, #tpu.memory_space<vmem_shared>>
      tpu.wait_indirect_dma semaphore(%arg19 : memref<!tpu.dma_semaphore, #tpu.memory_space<semaphore_mem>>) src(%dma_wait3A_256 : memref<10240xf32, #tpu.memory_space<vmem_shared>>) dst(%arg10 : memref<128xf32, #tpu.memory_space<vmem>>)
      %dma_start3A_257 = arith.constant 2 : i32
      %dma_start3A_258 = arith.constant 1 : i32
      %dma_start3A_259 = arith.constant 0 : i32
      %dma_start3A_260 = tpu.memref_slice %arg7[%dma_start3A_257, %dma_start3A_258, %dma_start3A_259] : memref<4x2x128xi32, #tpu.memory_space<vmem>> -> memref<1x1x128xi32, #tpu.memory_space<vmem>>
      %dma_start3A_261 = tpu.memref_squeeze %dma_start3A_260 : memref<1x1x128xi32, #tpu.memory_space<vmem>> -> memref<128xi32, #tpu.memory_space<vmem>>
      %dma_start3A_262 = arith.constant 0 : i32
      %dma_start3A_263 = arith.constant 0 : i32
      %dma_start3A_264 = tpu.memref_slice %arg25[%dma_start3A_262, %dma_start3A_263] : memref<10240x128xf32, #tpu.memory_space<vmem_shared>> -> memref<10240x128xf32, #tpu.memory_space<vmem_shared>>
      tpu.enqueue_indirect_dma source(%arg8 : memref<128x128xf32, #tpu.memory_space<vmem>>) target(%dma_start3A_264 : memref<10240x128xf32, #tpu.memory_space<vmem_shared>>) offsets(%dma_start3A_261 : memref<128xi32, #tpu.memory_space<vmem>>) semaphore(%arg21 : memref<!tpu.dma_semaphore, #tpu.memory_space<semaphore_mem>>) {add = true}
      %dma_start3A_265 = arith.constant 2 : i32
      %dma_start3A_266 = arith.constant 0 : i32
      %dma_start3A_267 = arith.constant 0 : i32
      %dma_start3A_268 = tpu.memref_slice %arg7[%dma_start3A_265, %dma_start3A_266, %dma_start3A_267] : memref<4x2x128xi32, #tpu.memory_space<vmem>> -> memref<1x1x128xi32, #tpu.memory_space<vmem>>
      %dma_start3A_269 = tpu.memref_squeeze %dma_start3A_268 : memref<1x1x128xi32, #tpu.memory_space<vmem>> -> memref<128xi32, #tpu.memory_space<vmem>>
      %dma_start3A_270 = arith.constant 0 : i32
      %dma_start3A_271 = tpu.memref_slice %arg26[%dma_start3A_270] : memref<10240xf32, #tpu.memory_space<vmem_shared>> -> memref<10240xf32, #tpu.memory_space<vmem_shared>>
      tpu.enqueue_indirect_dma source(%arg10 : memref<128xf32, #tpu.memory_space<vmem>>) target(%dma_start3A_271 : memref<10240xf32, #tpu.memory_space<vmem_shared>>) offsets(%dma_start3A_269 : memref<128xi32, #tpu.memory_space<vmem>>) semaphore(%arg23 : memref<!tpu.dma_semaphore, #tpu.memory_space<semaphore_mem>>) {add = true}
      %dma_wait3A_272 = arith.constant 1 : i32
      %dma_wait3A_273 = arith.constant 1 : i32
      %dma_wait3A_274 = arith.constant 0 : i32
      %dma_wait3A_275 = tpu.memref_slice %arg7[%dma_wait3A_272, %dma_wait3A_273, %dma_wait3A_274] : memref<4x2x128xi32, #tpu.memory_space<vmem>> -> memref<1x1x128xi32, #tpu.memory_space<vmem>>
      %dma_wait3A_276 = tpu.memref_squeeze %dma_wait3A_275 : memref<1x1x128xi32, #tpu.memory_space<vmem>> -> memref<128xi32, #tpu.memory_space<vmem>>
      %dma_wait3A_277 = arith.constant 0 : i32
      %dma_wait3A_278 = arith.constant 0 : i32
      %dma_wait3A_279 = tpu.memref_slice %arg25[%dma_wait3A_277, %dma_wait3A_278] : memref<10240x128xf32, #tpu.memory_space<vmem_shared>> -> memref<10240x128xf32, #tpu.memory_space<vmem_shared>>
      tpu.wait_indirect_dma semaphore(%arg22 : memref<!tpu.dma_semaphore, #tpu.memory_space<semaphore_mem>>) src(%arg9 : memref<128x128xf32, #tpu.memory_space<vmem>>) dst(%dma_wait3A_279 : memref<10240x128xf32, #tpu.memory_space<vmem_shared>>)
      %dma_wait3A_280 = arith.constant 1 : i32
      %dma_wait3A_281 = arith.constant 0 : i32
      %dma_wait3A_282 = arith.constant 0 : i32
      %dma_wait3A_283 = tpu.memref_slice %arg7[%dma_wait3A_280, %dma_wait3A_281, %dma_wait3A_282] : memref<4x2x128xi32, #tpu.memory_space<vmem>> -> memref<1x1x128xi32, #tpu.memory_space<vmem>>
      %dma_wait3A_284 = tpu.memref_squeeze %dma_wait3A_283 : memref<1x1x128xi32, #tpu.memory_space<vmem>> -> memref<128xi32, #tpu.memory_space<vmem>>
      %dma_wait3A_285 = arith.constant 0 : i32
      %dma_wait3A_286 = tpu.memref_slice %arg26[%dma_wait3A_285] : memref<10240xf32, #tpu.memory_space<vmem_shared>> -> memref<10240xf32, #tpu.memory_space<vmem_shared>>
      tpu.wait_indirect_dma semaphore(%arg24 : memref<!tpu.dma_semaphore, #tpu.memory_space<semaphore_mem>>) src(%arg11 : memref<128xf32, #tpu.memory_space<vmem>>) dst(%dma_wait3A_286 : memref<10240xf32, #tpu.memory_space<vmem_shared>>)
      %add3A_287 = arith.constant 2 : i32
      %add3A_288 = arith.addi %add3A_241, %add3A_287 : i32
      %lt3A_289 = arith.constant 80 : i32
      %lt3A_290 = arith.cmpi slt, %add3A_288, %lt3A_289 : i32
      %convert_element_type3A_291 = arith.extui %lt3A_290 : i1 to i32
      %cond3A_292 = arith.constant 0 : i32
      %cond3A_293 = arith.cmpi ne, %convert_element_type3A_291, %cond3A_292 : i32
      scf.if %cond3A_293 {
        %add3A_363 = arith.constant 2 : i32
        %add3A_364 = arith.addi %add3A_241, %add3A_363 : i32
        %dma_start3A_365 = arith.constant 0 : i32
        %dma_start3A_366 = arith.constant 0 : i32
        %dma_start3A_367 = arith.constant 0 : i32
        %dma_start3A_368 = tpu.memref_slice %arg7[%dma_start3A_365, %dma_start3A_366, %dma_start3A_367] : memref<4x2x128xi32, #tpu.memory_space<vmem>> -> memref<1x2x128xi32, #tpu.memory_space<vmem>>
        %dma_start3A_369 = tpu.memref_squeeze %dma_start3A_368 : memref<1x2x128xi32, #tpu.memory_space<vmem>> -> memref<2x128xi32, #tpu.memory_space<vmem>>
        %dma_start3A_370 = arith.constant 0 : i32
        %dma_start3A_371 = arith.constant 0 : i32
        %dma_start3A_372 = tpu.memref_slice %arg2[%add3A, %add3A_364, %dma_start3A_370, %dma_start3A_371] : memref<32x80x2x128xi32, #tpu.memory_space<hbm>> -> memref<1x1x2x128xi32, #tpu.memory_space<hbm>>
        %dma_start3A_373 = tpu.memref_squeeze %dma_start3A_372 : memref<1x1x2x128xi32, #tpu.memory_space<hbm>> -> memref<2x128xi32, #tpu.memory_space<hbm>>
        %dma_start3A_374 = arith.constant 0 : i32
        %dma_start3A_375 = arith.constant 0 : i32
        %dma_start3A_376 = tpu.memref_slice %arg7[%dma_start3A_365, %dma_start3A_374, %dma_start3A_375] : memref<4x2x128xi32, #tpu.memory_space<vmem>> -> memref<1x2x128xi32, #tpu.memory_space<vmem>>
        %dma_start3A_377 = tpu.memref_squeeze %dma_start3A_376 : memref<1x2x128xi32, #tpu.memory_space<vmem>> -> memref<2x128xi32, #tpu.memory_space<vmem>>
        %dma_start3A_378 = arith.constant 0 : i32
        %dma_start3A_379 = arith.constant 0 : i32
        %dma_start3A_380 = tpu.memref_slice %arg2[%add3A, %add3A_364, %dma_start3A_378, %dma_start3A_379] : memref<32x80x2x128xi32, #tpu.memory_space<hbm>> -> memref<1x1x2x128xi32, #tpu.memory_space<hbm>>
        %dma_start3A_381 = tpu.memref_squeeze %dma_start3A_380 : memref<1x1x2x128xi32, #tpu.memory_space<hbm>> -> memref<2x128xi32, #tpu.memory_space<hbm>>
        tpu.enqueue_dma source(%dma_start3A_381 : memref<2x128xi32, #tpu.memory_space<hbm>>) target(%dma_start3A_377 : memref<2x128xi32, #tpu.memory_space<vmem>>) target_semaphore(%arg13 : memref<!tpu.dma_semaphore, #tpu.memory_space<semaphore_mem>>)
      } else {
      }
      %add3A_294 = arith.constant 1 : i32
      %add3A_295 = arith.addi %add3A_241, %add3A_294 : i32
      %lt3A_296 = arith.constant 80 : i32
      %lt3A_297 = arith.cmpi slt, %add3A_295, %lt3A_296 : i32
      %convert_element_type3A_298 = arith.extui %lt3A_297 : i1 to i32
      %cond3A_299 = arith.constant 0 : i32
      %cond3A_300 = arith.cmpi ne, %convert_element_type3A_298, %cond3A_299 : i32
      scf.if %cond3A_300 {
        %add3A_363 = arith.constant 1 : i32
        %add3A_364 = arith.addi %add3A_241, %add3A_363 : i32
        %dma_wait3A_365 = arith.constant 3 : i32
        %dma_wait3A_366 = arith.constant 0 : i32
        %dma_wait3A_367 = arith.constant 0 : i32
        %dma_wait3A_368 = tpu.memref_slice %arg7[%dma_wait3A_365, %dma_wait3A_366, %dma_wait3A_367] : memref<4x2x128xi32, #tpu.memory_space<vmem>> -> memref<1x2x128xi32, #tpu.memory_space<vmem>>
        %dma_wait3A_369 = tpu.memref_squeeze %dma_wait3A_368 : memref<1x2x128xi32, #tpu.memory_space<vmem>> -> memref<2x128xi32, #tpu.memory_space<vmem>>
        %dma_wait3A_370 = arith.constant 0 : i32
        %dma_wait3A_371 = arith.constant 0 : i32
        %dma_wait3A_372 = tpu.memref_slice %arg2[%add3A, %add3A_364, %dma_wait3A_370, %dma_wait3A_371] : memref<32x80x2x128xi32, #tpu.memory_space<hbm>> -> memref<1x1x2x128xi32, #tpu.memory_space<hbm>>
        %dma_wait3A_373 = tpu.memref_squeeze %dma_wait3A_372 : memref<1x1x2x128xi32, #tpu.memory_space<hbm>> -> memref<2x128xi32, #tpu.memory_space<hbm>>
        %dma_wait3A_374 = arith.constant 0 : i32
        %dma_wait3A_375 = arith.constant 0 : i32
        %dma_wait3A_376 = tpu.memref_slice %arg7[%dma_wait3A_365, %dma_wait3A_374, %dma_wait3A_375] : memref<4x2x128xi32, #tpu.memory_space<vmem>> -> memref<1x2x128xi32, #tpu.memory_space<vmem>>
        %dma_wait3A_377 = tpu.memref_squeeze %dma_wait3A_376 : memref<1x2x128xi32, #tpu.memory_space<vmem>> -> memref<2x128xi32, #tpu.memory_space<vmem>>
        %dma_wait3A_378 = arith.constant 0 : i32
        %dma_wait3A_379 = arith.constant 0 : i32
        %dma_wait3A_380 = tpu.memref_slice %arg2[%add3A, %add3A_364, %dma_wait3A_378, %dma_wait3A_379] : memref<32x80x2x128xi32, #tpu.memory_space<hbm>> -> memref<1x1x2x128xi32, #tpu.memory_space<hbm>>
        %dma_wait3A_381 = tpu.memref_squeeze %dma_wait3A_380 : memref<1x1x2x128xi32, #tpu.memory_space<hbm>> -> memref<2x128xi32, #tpu.memory_space<hbm>>
        tpu.wait_dma2 semaphore(%arg16 : memref<!tpu.dma_semaphore, #tpu.memory_space<semaphore_mem>>) src(%dma_wait3A_381 : memref<2x128xi32, #tpu.memory_space<hbm>>) dst(%dma_wait3A_377 : memref<2x128xi32, #tpu.memory_space<vmem>>)
        %dma_start3A_382 = arith.constant 3 : i32
        %dma_start3A_383 = arith.constant 0 : i32
        %dma_start3A_384 = arith.constant 0 : i32
        %dma_start3A_385 = tpu.memref_slice %arg7[%dma_start3A_382, %dma_start3A_383, %dma_start3A_384] : memref<4x2x128xi32, #tpu.memory_space<vmem>> -> memref<1x1x128xi32, #tpu.memory_space<vmem>>
        %dma_start3A_386 = tpu.memref_squeeze %dma_start3A_385 : memref<1x1x128xi32, #tpu.memory_space<vmem>> -> memref<128xi32, #tpu.memory_space<vmem>>
        %dma_start3A_387 = arith.constant 0 : i32
        %dma_start3A_388 = arith.constant 0 : i32
        %dma_start3A_389 = tpu.memref_slice %arg3[%dma_start3A_387, %dma_start3A_388] : memref<10240x128xf32, #tpu.memory_space<hbm>> -> memref<10240x128xf32, #tpu.memory_space<hbm>>
        tpu.enqueue_indirect_dma source(%dma_start3A_389 : memref<10240x128xf32, #tpu.memory_space<hbm>>) target(%arg9 : memref<128x128xf32, #tpu.memory_space<vmem>>) offsets(%dma_start3A_386 : memref<128xi32, #tpu.memory_space<vmem>>) semaphore(%arg18 : memref<!tpu.dma_semaphore, #tpu.memory_space<semaphore_mem>>)
        %dma_start3A_390 = arith.constant 3 : i32
        %dma_start3A_391 = arith.constant 1 : i32
        %dma_start3A_392 = arith.constant 0 : i32
        %dma_start3A_393 = tpu.memref_slice %arg7[%dma_start3A_390, %dma_start3A_391, %dma_start3A_392] : memref<4x2x128xi32, #tpu.memory_space<vmem>> -> memref<1x1x128xi32, #tpu.memory_space<vmem>>
        %dma_start3A_394 = tpu.memref_squeeze %dma_start3A_393 : memref<1x1x128xi32, #tpu.memory_space<vmem>> -> memref<128xi32, #tpu.memory_space<vmem>>
        %dma_start3A_395 = arith.constant 0 : i32
        %dma_start3A_396 = tpu.memref_slice %arg27[%dma_start3A_395] : memref<10240xf32, #tpu.memory_space<vmem_shared>> -> memref<10240xf32, #tpu.memory_space<vmem_shared>>
        tpu.enqueue_indirect_dma source(%dma_start3A_396 : memref<10240xf32, #tpu.memory_space<vmem_shared>>) target(%arg11 : memref<128xf32, #tpu.memory_space<vmem>>) offsets(%dma_start3A_394 : memref<128xi32, #tpu.memory_space<vmem>>) semaphore(%arg20 : memref<!tpu.dma_semaphore, #tpu.memory_space<semaphore_mem>>)
      } else {
      }
      %add3A_301 = arith.constant 3 : i32
      %add3A_302 = arith.addi %mul3A_118, %add3A_301 : i32
      %dma_wait3A_303 = arith.constant 3 : i32
      %dma_wait3A_304 = arith.constant 0 : i32
      %dma_wait3A_305 = arith.constant 0 : i32
      %dma_wait3A_306 = tpu.memref_slice %arg7[%dma_wait3A_303, %dma_wait3A_304, %dma_wait3A_305] : memref<4x2x128xi32, #tpu.memory_space<vmem>> -> memref<1x1x128xi32, #tpu.memory_space<vmem>>
      %dma_wait3A_307 = tpu.memref_squeeze %dma_wait3A_306 : memref<1x1x128xi32, #tpu.memory_space<vmem>> -> memref<128xi32, #tpu.memory_space<vmem>>
      %dma_wait3A_308 = arith.constant 0 : i32
      %dma_wait3A_309 = arith.constant 0 : i32
      %dma_wait3A_310 = tpu.memref_slice %arg3[%dma_wait3A_308, %dma_wait3A_309] : memref<10240x128xf32, #tpu.memory_space<hbm>> -> memref<10240x128xf32, #tpu.memory_space<hbm>>
      tpu.wait_indirect_dma semaphore(%arg18 : memref<!tpu.dma_semaphore, #tpu.memory_space<semaphore_mem>>) src(%dma_wait3A_310 : memref<10240x128xf32, #tpu.memory_space<hbm>>) dst(%arg9 : memref<128x128xf32, #tpu.memory_space<vmem>>)
      %dma_wait3A_311 = arith.constant 3 : i32
      %dma_wait3A_312 = arith.constant 1 : i32
      %dma_wait3A_313 = arith.constant 0 : i32
      %dma_wait3A_314 = tpu.memref_slice %arg7[%dma_wait3A_311, %dma_wait3A_312, %dma_wait3A_313] : memref<4x2x128xi32, #tpu.memory_space<vmem>> -> memref<1x1x128xi32, #tpu.memory_space<vmem>>
      %dma_wait3A_315 = tpu.memref_squeeze %dma_wait3A_314 : memref<1x1x128xi32, #tpu.memory_space<vmem>> -> memref<128xi32, #tpu.memory_space<vmem>>
      %dma_wait3A_316 = arith.constant 0 : i32
      %dma_wait3A_317 = tpu.memref_slice %arg27[%dma_wait3A_316] : memref<10240xf32, #tpu.memory_space<vmem_shared>> -> memref<10240xf32, #tpu.memory_space<vmem_shared>>
      tpu.wait_indirect_dma semaphore(%arg20 : memref<!tpu.dma_semaphore, #tpu.memory_space<semaphore_mem>>) src(%dma_wait3A_317 : memref<10240xf32, #tpu.memory_space<vmem_shared>>) dst(%arg11 : memref<128xf32, #tpu.memory_space<vmem>>)
      %dma_start3A_318 = arith.constant 3 : i32
      %dma_start3A_319 = arith.constant 1 : i32
      %dma_start3A_320 = arith.constant 0 : i32
      %dma_start3A_321 = tpu.memref_slice %arg7[%dma_start3A_318, %dma_start3A_319, %dma_start3A_320] : memref<4x2x128xi32, #tpu.memory_space<vmem>> -> memref<1x1x128xi32, #tpu.memory_space<vmem>>
      %dma_start3A_322 = tpu.memref_squeeze %dma_start3A_321 : memref<1x1x128xi32, #tpu.memory_space<vmem>> -> memref<128xi32, #tpu.memory_space<vmem>>
      %dma_start3A_323 = arith.constant 0 : i32
      %dma_start3A_324 = arith.constant 0 : i32
      %dma_start3A_325 = tpu.memref_slice %arg25[%dma_start3A_323, %dma_start3A_324] : memref<10240x128xf32, #tpu.memory_space<vmem_shared>> -> memref<10240x128xf32, #tpu.memory_space<vmem_shared>>
      tpu.enqueue_indirect_dma source(%arg9 : memref<128x128xf32, #tpu.memory_space<vmem>>) target(%dma_start3A_325 : memref<10240x128xf32, #tpu.memory_space<vmem_shared>>) offsets(%dma_start3A_322 : memref<128xi32, #tpu.memory_space<vmem>>) semaphore(%arg22 : memref<!tpu.dma_semaphore, #tpu.memory_space<semaphore_mem>>) {add = true}
      %dma_start3A_326 = arith.constant 3 : i32
      %dma_start3A_327 = arith.constant 0 : i32
      %dma_start3A_328 = arith.constant 0 : i32
      %dma_start3A_329 = tpu.memref_slice %arg7[%dma_start3A_326, %dma_start3A_327, %dma_start3A_328] : memref<4x2x128xi32, #tpu.memory_space<vmem>> -> memref<1x1x128xi32, #tpu.memory_space<vmem>>
      %dma_start3A_330 = tpu.memref_squeeze %dma_start3A_329 : memref<1x1x128xi32, #tpu.memory_space<vmem>> -> memref<128xi32, #tpu.memory_space<vmem>>
      %dma_start3A_331 = arith.constant 0 : i32
      %dma_start3A_332 = tpu.memref_slice %arg26[%dma_start3A_331] : memref<10240xf32, #tpu.memory_space<vmem_shared>> -> memref<10240xf32, #tpu.memory_space<vmem_shared>>
      tpu.enqueue_indirect_dma source(%arg11 : memref<128xf32, #tpu.memory_space<vmem>>) target(%dma_start3A_332 : memref<10240xf32, #tpu.memory_space<vmem_shared>>) offsets(%dma_start3A_330 : memref<128xi32, #tpu.memory_space<vmem>>) semaphore(%arg24 : memref<!tpu.dma_semaphore, #tpu.memory_space<semaphore_mem>>) {add = true}
      %dma_wait3A_333 = arith.constant 2 : i32
      %dma_wait3A_334 = arith.constant 1 : i32
      %dma_wait3A_335 = arith.constant 0 : i32
      %dma_wait3A_336 = tpu.memref_slice %arg7[%dma_wait3A_333, %dma_wait3A_334, %dma_wait3A_335] : memref<4x2x128xi32, #tpu.memory_space<vmem>> -> memref<1x1x128xi32, #tpu.memory_space<vmem>>
      %dma_wait3A_337 = tpu.memref_squeeze %dma_wait3A_336 : memref<1x1x128xi32, #tpu.memory_space<vmem>> -> memref<128xi32, #tpu.memory_space<vmem>>
      %dma_wait3A_338 = arith.constant 0 : i32
      %dma_wait3A_339 = arith.constant 0 : i32
      %dma_wait3A_340 = tpu.memref_slice %arg25[%dma_wait3A_338, %dma_wait3A_339] : memref<10240x128xf32, #tpu.memory_space<vmem_shared>> -> memref<10240x128xf32, #tpu.memory_space<vmem_shared>>
      tpu.wait_indirect_dma semaphore(%arg21 : memref<!tpu.dma_semaphore, #tpu.memory_space<semaphore_mem>>) src(%arg8 : memref<128x128xf32, #tpu.memory_space<vmem>>) dst(%dma_wait3A_340 : memref<10240x128xf32, #tpu.memory_space<vmem_shared>>)
      %dma_wait3A_341 = arith.constant 2 : i32
      %dma_wait3A_342 = arith.constant 0 : i32
      %dma_wait3A_343 = arith.constant 0 : i32
      %dma_wait3A_344 = tpu.memref_slice %arg7[%dma_wait3A_341, %dma_wait3A_342, %dma_wait3A_343] : memref<4x2x128xi32, #tpu.memory_space<vmem>> -> memref<1x1x128xi32, #tpu.memory_space<vmem>>
      %dma_wait3A_345 = tpu.memref_squeeze %dma_wait3A_344 : memref<1x1x128xi32, #tpu.memory_space<vmem>> -> memref<128xi32, #tpu.memory_space<vmem>>
      %dma_wait3A_346 = arith.constant 0 : i32
      %dma_wait3A_347 = tpu.memref_slice %arg26[%dma_wait3A_346] : memref<10240xf32, #tpu.memory_space<vmem_shared>> -> memref<10240xf32, #tpu.memory_space<vmem_shared>>
      tpu.wait_indirect_dma semaphore(%arg23 : memref<!tpu.dma_semaphore, #tpu.memory_space<semaphore_mem>>) src(%arg10 : memref<128xf32, #tpu.memory_space<vmem>>) dst(%dma_wait3A_347 : memref<10240xf32, #tpu.memory_space<vmem_shared>>)
      %add3A_348 = arith.constant 2 : i32
      %add3A_349 = arith.addi %add3A_302, %add3A_348 : i32
      %lt3A_350 = arith.constant 80 : i32
      %lt3A_351 = arith.cmpi slt, %add3A_349, %lt3A_350 : i32
      %convert_element_type3A_352 = arith.extui %lt3A_351 : i1 to i32
      %cond3A_353 = arith.constant 0 : i32
      %cond3A_354 = arith.cmpi ne, %convert_element_type3A_352, %cond3A_353 : i32
      scf.if %cond3A_354 {
        %add3A_363 = arith.constant 2 : i32
        %add3A_364 = arith.addi %add3A_302, %add3A_363 : i32
        %dma_start3A_365 = arith.constant 1 : i32
        %dma_start3A_366 = arith.constant 0 : i32
        %dma_start3A_367 = arith.constant 0 : i32
        %dma_start3A_368 = tpu.memref_slice %arg7[%dma_start3A_365, %dma_start3A_366, %dma_start3A_367] : memref<4x2x128xi32, #tpu.memory_space<vmem>> -> memref<1x2x128xi32, #tpu.memory_space<vmem>>
        %dma_start3A_369 = tpu.memref_squeeze %dma_start3A_368 : memref<1x2x128xi32, #tpu.memory_space<vmem>> -> memref<2x128xi32, #tpu.memory_space<vmem>>
        %dma_start3A_370 = arith.constant 0 : i32
        %dma_start3A_371 = arith.constant 0 : i32
        %dma_start3A_372 = tpu.memref_slice %arg2[%add3A, %add3A_364, %dma_start3A_370, %dma_start3A_371] : memref<32x80x2x128xi32, #tpu.memory_space<hbm>> -> memref<1x1x2x128xi32, #tpu.memory_space<hbm>>
        %dma_start3A_373 = tpu.memref_squeeze %dma_start3A_372 : memref<1x1x2x128xi32, #tpu.memory_space<hbm>> -> memref<2x128xi32, #tpu.memory_space<hbm>>
        %dma_start3A_374 = arith.constant 0 : i32
        %dma_start3A_375 = arith.constant 0 : i32
        %dma_start3A_376 = tpu.memref_slice %arg7[%dma_start3A_365, %dma_start3A_374, %dma_start3A_375] : memref<4x2x128xi32, #tpu.memory_space<vmem>> -> memref<1x2x128xi32, #tpu.memory_space<vmem>>
        %dma_start3A_377 = tpu.memref_squeeze %dma_start3A_376 : memref<1x2x128xi32, #tpu.memory_space<vmem>> -> memref<2x128xi32, #tpu.memory_space<vmem>>
        %dma_start3A_378 = arith.constant 0 : i32
        %dma_start3A_379 = arith.constant 0 : i32
        %dma_start3A_380 = tpu.memref_slice %arg2[%add3A, %add3A_364, %dma_start3A_378, %dma_start3A_379] : memref<32x80x2x128xi32, #tpu.memory_space<hbm>> -> memref<1x1x2x128xi32, #tpu.memory_space<hbm>>
        %dma_start3A_381 = tpu.memref_squeeze %dma_start3A_380 : memref<1x1x2x128xi32, #tpu.memory_space<hbm>> -> memref<2x128xi32, #tpu.memory_space<hbm>>
        tpu.enqueue_dma source(%dma_start3A_381 : memref<2x128xi32, #tpu.memory_space<hbm>>) target(%dma_start3A_377 : memref<2x128xi32, #tpu.memory_space<vmem>>) target_semaphore(%arg14 : memref<!tpu.dma_semaphore, #tpu.memory_space<semaphore_mem>>)
      } else {
      }
      %add3A_355 = arith.constant 1 : i32
      %add3A_356 = arith.addi %add3A_302, %add3A_355 : i32
      %lt3A_357 = arith.constant 80 : i32
      %lt3A_358 = arith.cmpi slt, %add3A_356, %lt3A_357 : i32
      %convert_element_type3A_359 = arith.extui %lt3A_358 : i1 to i32
      %cond3A_360 = arith.constant 0 : i32
      %cond3A_361 = arith.cmpi ne, %convert_element_type3A_359, %cond3A_360 : i32
      scf.if %cond3A_361 {
        %add3A_363 = arith.constant 1 : i32
        %add3A_364 = arith.addi %add3A_302, %add3A_363 : i32
        %dma_wait3A_365 = arith.constant 0 : i32
        %dma_wait3A_366 = arith.constant 0 : i32
        %dma_wait3A_367 = arith.constant 0 : i32
        %dma_wait3A_368 = tpu.memref_slice %arg7[%dma_wait3A_365, %dma_wait3A_366, %dma_wait3A_367] : memref<4x2x128xi32, #tpu.memory_space<vmem>> -> memref<1x2x128xi32, #tpu.memory_space<vmem>>
        %dma_wait3A_369 = tpu.memref_squeeze %dma_wait3A_368 : memref<1x2x128xi32, #tpu.memory_space<vmem>> -> memref<2x128xi32, #tpu.memory_space<vmem>>
        %dma_wait3A_370 = arith.constant 0 : i32
        %dma_wait3A_371 = arith.constant 0 : i32
        %dma_wait3A_372 = tpu.memref_slice %arg2[%add3A, %add3A_364, %dma_wait3A_370, %dma_wait3A_371] : memref<32x80x2x128xi32, #tpu.memory_space<hbm>> -> memref<1x1x2x128xi32, #tpu.memory_space<hbm>>
        %dma_wait3A_373 = tpu.memref_squeeze %dma_wait3A_372 : memref<1x1x2x128xi32, #tpu.memory_space<hbm>> -> memref<2x128xi32, #tpu.memory_space<hbm>>
        %dma_wait3A_374 = arith.constant 0 : i32
        %dma_wait3A_375 = arith.constant 0 : i32
        %dma_wait3A_376 = tpu.memref_slice %arg7[%dma_wait3A_365, %dma_wait3A_374, %dma_wait3A_375] : memref<4x2x128xi32, #tpu.memory_space<vmem>> -> memref<1x2x128xi32, #tpu.memory_space<vmem>>
        %dma_wait3A_377 = tpu.memref_squeeze %dma_wait3A_376 : memref<1x2x128xi32, #tpu.memory_space<vmem>> -> memref<2x128xi32, #tpu.memory_space<vmem>>
        %dma_wait3A_378 = arith.constant 0 : i32
        %dma_wait3A_379 = arith.constant 0 : i32
        %dma_wait3A_380 = tpu.memref_slice %arg2[%add3A, %add3A_364, %dma_wait3A_378, %dma_wait3A_379] : memref<32x80x2x128xi32, #tpu.memory_space<hbm>> -> memref<1x1x2x128xi32, #tpu.memory_space<hbm>>
        %dma_wait3A_381 = tpu.memref_squeeze %dma_wait3A_380 : memref<1x1x2x128xi32, #tpu.memory_space<hbm>> -> memref<2x128xi32, #tpu.memory_space<hbm>>
        tpu.wait_dma2 semaphore(%arg13 : memref<!tpu.dma_semaphore, #tpu.memory_space<semaphore_mem>>) src(%dma_wait3A_381 : memref<2x128xi32, #tpu.memory_space<hbm>>) dst(%dma_wait3A_377 : memref<2x128xi32, #tpu.memory_space<vmem>>)
        %dma_start3A_382 = arith.constant 0 : i32
        %dma_start3A_383 = arith.constant 0 : i32
        %dma_start3A_384 = arith.constant 0 : i32
        %dma_start3A_385 = tpu.memref_slice %arg7[%dma_start3A_382, %dma_start3A_383, %dma_start3A_384] : memref<4x2x128xi32, #tpu.memory_space<vmem>> -> memref<1x1x128xi32, #tpu.memory_space<vmem>>
        %dma_start3A_386 = tpu.memref_squeeze %dma_start3A_385 : memref<1x1x128xi32, #tpu.memory_space<vmem>> -> memref<128xi32, #tpu.memory_space<vmem>>
        %dma_start3A_387 = arith.constant 0 : i32
        %dma_start3A_388 = arith.constant 0 : i32
        %dma_start3A_389 = tpu.memref_slice %arg3[%dma_start3A_387, %dma_start3A_388] : memref<10240x128xf32, #tpu.memory_space<hbm>> -> memref<10240x128xf32, #tpu.memory_space<hbm>>
        tpu.enqueue_indirect_dma source(%dma_start3A_389 : memref<10240x128xf32, #tpu.memory_space<hbm>>) target(%arg8 : memref<128x128xf32, #tpu.memory_space<vmem>>) offsets(%dma_start3A_386 : memref<128xi32, #tpu.memory_space<vmem>>) semaphore(%arg17 : memref<!tpu.dma_semaphore, #tpu.memory_space<semaphore_mem>>)
        %dma_start3A_390 = arith.constant 0 : i32
        %dma_start3A_391 = arith.constant 1 : i32
        %dma_start3A_392 = arith.constant 0 : i32
        %dma_start3A_393 = tpu.memref_slice %arg7[%dma_start3A_390, %dma_start3A_391, %dma_start3A_392] : memref<4x2x128xi32, #tpu.memory_space<vmem>> -> memref<1x1x128xi32, #tpu.memory_space<vmem>>
        %dma_start3A_394 = tpu.memref_squeeze %dma_start3A_393 : memref<1x1x128xi32, #tpu.memory_space<vmem>> -> memref<128xi32, #tpu.memory_space<vmem>>
        %dma_start3A_395 = arith.constant 0 : i32
        %dma_start3A_396 = tpu.memref_slice %arg27[%dma_start3A_395] : memref<10240xf32, #tpu.memory_space<vmem_shared>> -> memref<10240xf32, #tpu.memory_space<vmem_shared>>
        tpu.enqueue_indirect_dma source(%dma_start3A_396 : memref<10240xf32, #tpu.memory_space<vmem_shared>>) target(%arg10 : memref<128xf32, #tpu.memory_space<vmem>>) offsets(%dma_start3A_394 : memref<128xi32, #tpu.memory_space<vmem>>) semaphore(%arg19 : memref<!tpu.dma_semaphore, #tpu.memory_space<semaphore_mem>>)
      } else {
      }
      %scan3A_362 = arith.constant 0 : i32
      scf.yield %scan3A_362 : i32
    }
    %scan3A_91 = arith.constant 20 : i32
    %dma_wait3A = arith.constant 3 : i32
    %dma_wait3A_92 = arith.constant 1 : i32
    %dma_wait3A_93 = arith.constant 0 : i32
    %dma_wait3A_94 = tpu.memref_slice %arg7[%dma_wait3A, %dma_wait3A_92, %dma_wait3A_93] : memref<4x2x128xi32, #tpu.memory_space<vmem>> -> memref<1x1x128xi32, #tpu.memory_space<vmem>>
    %dma_wait3A_95 = tpu.memref_squeeze %dma_wait3A_94 : memref<1x1x128xi32, #tpu.memory_space<vmem>> -> memref<128xi32, #tpu.memory_space<vmem>>
    %dma_wait3A_96 = arith.constant 0 : i32
    %dma_wait3A_97 = arith.constant 0 : i32
    %dma_wait3A_98 = tpu.memref_slice %arg25[%dma_wait3A_96, %dma_wait3A_97] : memref<10240x128xf32, #tpu.memory_space<vmem_shared>> -> memref<10240x128xf32, #tpu.memory_space<vmem_shared>>
    tpu.wait_indirect_dma semaphore(%arg22 : memref<!tpu.dma_semaphore, #tpu.memory_space<semaphore_mem>>) src(%arg9 : memref<128x128xf32, #tpu.memory_space<vmem>>) dst(%dma_wait3A_98 : memref<10240x128xf32, #tpu.memory_space<vmem_shared>>)
    %dma_wait3A_99 = arith.constant 3 : i32
    %dma_wait3A_100 = arith.constant 0 : i32
    %dma_wait3A_101 = arith.constant 0 : i32
    %dma_wait3A_102 = tpu.memref_slice %arg7[%dma_wait3A_99, %dma_wait3A_100, %dma_wait3A_101] : memref<4x2x128xi32, #tpu.memory_space<vmem>> -> memref<1x1x128xi32, #tpu.memory_space<vmem>>
    %dma_wait3A_103 = tpu.memref_squeeze %dma_wait3A_102 : memref<1x1x128xi32, #tpu.memory_space<vmem>> -> memref<128xi32, #tpu.memory_space<vmem>>
    %dma_wait3A_104 = arith.constant 0 : i32
    %dma_wait3A_105 = tpu.memref_slice %arg26[%dma_wait3A_104] : memref<10240xf32, #tpu.memory_space<vmem_shared>> -> memref<10240xf32, #tpu.memory_space<vmem_shared>>
    tpu.wait_indirect_dma semaphore(%arg24 : memref<!tpu.dma_semaphore, #tpu.memory_space<semaphore_mem>>) src(%arg11 : memref<128xf32, #tpu.memory_space<vmem>>) dst(%dma_wait3A_105 : memref<10240xf32, #tpu.memory_space<vmem_shared>>)
    %barrier3A_106 = arith.constant 0 : index
    tpu.barrier barrier_id(%barrier3A_106)
    %mul3A_107 = arith.constant 640 : i32
    %mul3A_108 = arith.muli %arg1, %mul3A_107 : i32
    %mul3A_109 = arith.constant 640 : i32
    %mul3A_110 = arith.muli %arg1, %mul3A_109 : i32
    "tpu.region"() ({
      %run_scoped3A_115 = tpu.sem_alloc : memref<!tpu.dma_semaphore, #tpu.memory_space<semaphore_mem>>
      %dma_start3A_116 = arith.constant 0 : i32
      %dma_start3A_117 = tpu.memref_slice %arg5[%arg0, %mul3A_110, %dma_start3A_116] : memref<2x10240x128xf32, #tpu.memory_space<hbm>> -> memref<1x640x128xf32, #tpu.memory_space<hbm>>
      %dma_start3A_118 = tpu.memref_squeeze %dma_start3A_117 : memref<1x640x128xf32, #tpu.memory_space<hbm>> -> memref<640x128xf32, #tpu.memory_space<hbm>>
      %dma_start3A_119 = arith.constant 0 : i32
      %dma_start3A_120 = tpu.memref_slice %arg25[%mul3A_108, %dma_start3A_119] : memref<10240x128xf32, #tpu.memory_space<vmem_shared>> -> memref<640x128xf32, #tpu.memory_space<vmem_shared>>
      tpu.enqueue_dma source(%dma_start3A_120 : memref<640x128xf32, #tpu.memory_space<vmem_shared>>) target(%dma_start3A_118 : memref<640x128xf32, #tpu.memory_space<hbm>>) target_semaphore(%run_scoped3A_115 : memref<!tpu.dma_semaphore, #tpu.memory_space<semaphore_mem>>)
      %dma_wait3A_121 = arith.constant 0 : i32
      %dma_wait3A_122 = tpu.memref_slice %arg5[%arg0, %mul3A_110, %dma_wait3A_121] : memref<2x10240x128xf32, #tpu.memory_space<hbm>> -> memref<1x640x128xf32, #tpu.memory_space<hbm>>
      %dma_wait3A_123 = tpu.memref_squeeze %dma_wait3A_122 : memref<1x640x128xf32, #tpu.memory_space<hbm>> -> memref<640x128xf32, #tpu.memory_space<hbm>>
      %dma_wait3A_124 = arith.constant 0 : i32
      %dma_wait3A_125 = tpu.memref_slice %arg25[%mul3A_108, %dma_wait3A_124] : memref<10240x128xf32, #tpu.memory_space<vmem_shared>> -> memref<640x128xf32, #tpu.memory_space<vmem_shared>>
      tpu.wait_dma2 semaphore(%run_scoped3A_115 : memref<!tpu.dma_semaphore, #tpu.memory_space<semaphore_mem>>) src(%dma_wait3A_125 : memref<640x128xf32, #tpu.memory_space<vmem_shared>>) dst(%dma_wait3A_123 : memref<640x128xf32, #tpu.memory_space<hbm>>)
      tpu.yield
    }) : () -> ()
    %mul3A_111 = arith.constant 640 : i32
    %mul3A_112 = arith.muli %arg1, %mul3A_111 : i32
    %mul3A_113 = arith.constant 640 : i32
    %mul3A_114 = arith.muli %arg1, %mul3A_113 : i32
    "tpu.region"() ({
      %run_scoped3A_115 = tpu.sem_alloc : memref<!tpu.dma_semaphore, #tpu.memory_space<semaphore_mem>>
      %dma_start3A_116 = tpu.memref_slice %arg6[%arg0, %mul3A_114] : memref<2x10240xf32, #tpu.memory_space<hbm>> -> memref<1x640xf32, #tpu.memory_space<hbm>>
      %dma_start3A_117 = tpu.memref_squeeze %dma_start3A_116 : memref<1x640xf32, #tpu.memory_space<hbm>> -> memref<640xf32, #tpu.memory_space<hbm>>
      %dma_start3A_118 = tpu.memref_slice %arg26[%mul3A_112] : memref<10240xf32, #tpu.memory_space<vmem_shared>> -> memref<640xf32, #tpu.memory_space<vmem_shared>>
      tpu.enqueue_dma source(%dma_start3A_118 : memref<640xf32, #tpu.memory_space<vmem_shared>>) target(%dma_start3A_117 : memref<640xf32, #tpu.memory_space<hbm>>) target_semaphore(%run_scoped3A_115 : memref<!tpu.dma_semaphore, #tpu.memory_space<semaphore_mem>>)
      %dma_wait3A_119 = tpu.memref_slice %arg6[%arg0, %mul3A_114] : memref<2x10240xf32, #tpu.memory_space<hbm>> -> memref<1x640xf32, #tpu.memory_space<hbm>>
      %dma_wait3A_120 = tpu.memref_squeeze %dma_wait3A_119 : memref<1x640xf32, #tpu.memory_space<hbm>> -> memref<640xf32, #tpu.memory_space<hbm>>
      %dma_wait3A_121 = tpu.memref_slice %arg26[%mul3A_112] : memref<10240xf32, #tpu.memory_space<vmem_shared>> -> memref<640xf32, #tpu.memory_space<vmem_shared>>
      tpu.wait_dma2 semaphore(%run_scoped3A_115 : memref<!tpu.dma_semaphore, #tpu.memory_space<semaphore_mem>>) src(%dma_wait3A_121 : memref<640xf32, #tpu.memory_space<vmem_shared>>) dst(%dma_wait3A_120 : memref<640xf32, #tpu.memory_space<hbm>>)
      tpu.yield
    }) : () -> ()
    return
  }
}

module attributes {stable_mosaic.version = 14 : i64} {
  func.func @_tc1_body(%arg0: memref<2x10240x1xf32, #tpu.memory_space<vmem>>, %arg1: memref<10000x128xf32, #tpu.memory_space<vmem>>, %arg2: memref<10240x128xf32, #tpu.memory_space<vmem>>, %arg3: memref<10240x1xf32, #tpu.memory_space<vmem>>) attributes {dimension_semantics = [], scalar_prefetch = 0 : i64, scratch_operands = 0 : i64, tpu.core_type = #tpu.core_type<tc>} {
    %get3A = arith.constant 0 : index
    %get3A_0 = arith.constant 0 : index
    %get3A_1 = arith.constant 0 : index
    %get3A_2 = vector.load %arg0[%get3A, %get3A_0, %get3A_1] : memref<2x10240x1xf32, #tpu.memory_space<vmem>>, vector<2x10240x1xf32>
    %slice3A = vector.extract_strided_slice %get3A_2 {offsets = [0, 0, 0], sizes = [1, 10240, 1], strides = [1, 1, 1]} : vector<2x10240x1xf32> to vector<1x10240x1xf32>
    %squeeze3A = vector.shape_cast %slice3A : vector<1x10240x1xf32> to vector<10240x1xf32>
    %slice3A_3 = vector.extract_strided_slice %get3A_2 {offsets = [1, 0, 0], sizes = [1, 10240, 1], strides = [1, 1, 1]} : vector<2x10240x1xf32> to vector<1x10240x1xf32>
    %squeeze3A_4 = vector.shape_cast %slice3A_3 : vector<1x10240x1xf32> to vector<10240x1xf32>
    %add3A = arith.addf %squeeze3A, %squeeze3A_4 : vector<10240x1xf32>
    %max3A = arith.constant 1.000000e+00 : f32
    %max3A_5 = vector.broadcast %max3A : f32 to vector<10240x1xf32>
    %max3A_6 = arith.maximumf %add3A, %max3A_5 : vector<10240x1xf32>
    %rsqrt3A = math.rsqrt %max3A_6 : vector<10240x1xf32>
    %swap3A = arith.constant 0 : index
    %swap3A_7 = arith.constant 0 : index
    %swap3A_8 = vector.load %arg3[%swap3A, %swap3A_7] : memref<10240x1xf32, #tpu.memory_space<vmem>>, vector<10240x1xf32>
    tpu.vector_store %arg3[%swap3A, %swap3A_7], %rsqrt3A {strides = array<i32>} : memref<10240x1xf32, #tpu.memory_space<vmem>>, vector<10240x1xf32>,
    %get3A_9 = arith.constant 0 : index
    %get3A_10 = arith.constant 0 : index
    %get3A_11 = vector.load %arg1[%get3A_9, %get3A_10] : memref<10000x128xf32, #tpu.memory_space<vmem>>, vector<10000x128xf32>
    %slice3A_12 = vector.extract_strided_slice %rsqrt3A {offsets = [0, 0], sizes = [10000, 1], strides = [1, 1]} : vector<10240x1xf32> to vector<10000x1xf32>
    %mul3A = vector.broadcast %slice3A_12 : vector<10000x1xf32> to vector<10000x128xf32>
    %mul3A_13 = arith.mulf %get3A_11, %mul3A : vector<10000x128xf32>
    %swap3A_14 = arith.constant 0 : index
    %swap3A_15 = arith.constant 0 : index
    %swap3A_16 = vector.load %arg2[%swap3A_14, %swap3A_15] : memref<10240x128xf32, #tpu.memory_space<vmem>>, vector<10000x128xf32>
    tpu.vector_store %arg2[%swap3A_14, %swap3A_15], %mul3A_13 {strides = array<i32>} : memref<10240x128xf32, #tpu.memory_space<vmem>>, vector<10000x128xf32>,
    %broadcast_in_dim3A = arith.constant 0.000000e+00 : f32
    %broadcast_in_dim3A_17 = vector.broadcast %broadcast_in_dim3A : f32 to vector<240x128xf32>
    %swap3A_18 = arith.constant 10000 : index
    %swap3A_19 = arith.constant 0 : index
    %swap3A_20 = vector.load %arg2[%swap3A_18, %swap3A_19] : memref<10240x128xf32, #tpu.memory_space<vmem>>, vector<240x128xf32>
    tpu.vector_store %arg2[%swap3A_18, %swap3A_19], %broadcast_in_dim3A_17 {strides = array<i32>} : memref<10240x128xf32, #tpu.memory_space<vmem>>, vector<240x128xf32>,
    return
  }
}

module attributes {stable_mosaic.version = 14 : i64} {
  func.func @_tc2_body(%arg0: i32, %arg1: memref<2x2048x128xf32, #tpu.memory_space<vmem>>, %arg2: memref<2048x1xf32, #tpu.memory_space<vmem>>, %arg3: memref<2x2048x1xf32, #tpu.memory_space<vmem>>, %arg4: memref<128x256xf32, #tpu.memory_space<vmem>>, %arg5: memref<1x256xf32, #tpu.memory_space<vmem>>, %arg6: memref<256x1xf32, #tpu.memory_space<vmem>>, %arg7: memref<1x1xf32, #tpu.memory_space<vmem>>, %arg8: memref<1x1xf32, #tpu.memory_space<vmem>>) attributes {dimension_semantics = [#tpu.dimension_semantics<arbitrary>], iteration_bounds = array<i64: 5>, scalar_prefetch = 0 : i64, scratch_operands = 0 : i64, tpu.core_type = #tpu.core_type<tc>, window_params = [{transform_indices = @transform_0, window_bounds = array<i64: 2, 2048, 128>}, {transform_indices = @transform_1, window_bounds = array<i64: 2048, 1>}, {transform_indices = @transform_2, window_bounds = array<i64: 2, 2048, 1>}, {pipeline_mode = #tpu.pipeline_mode<synchronous>, transform_indices = @transform_3, window_bounds = array<i64: 128, 256>}, {pipeline_mode = #tpu.pipeline_mode<synchronous>, transform_indices = @transform_4, window_bounds = array<i64: 1, 256>}, {pipeline_mode = #tpu.pipeline_mode<synchronous>, transform_indices = @transform_5, window_bounds = array<i64: 256, 1>}, {pipeline_mode = #tpu.pipeline_mode<synchronous>, transform_indices = @transform_6, window_bounds = array<i64: 1, 1>}, {pipeline_mode = #tpu.pipeline_mode<synchronous>, transform_indices = @transform_7, window_bounds = array<i64: 1, 1>}]} {
    %get3A = arith.constant 0 : index
    %get3A_0 = arith.constant 0 : index
    %get3A_1 = arith.constant 0 : index
    %get3A_2 = vector.load %arg1[%get3A, %get3A_0, %get3A_1] : memref<2x2048x128xf32, #tpu.memory_space<vmem>>, vector<2x2048x128xf32>
    %slice3A = vector.extract_strided_slice %get3A_2 {offsets = [0, 0, 0], sizes = [1, 2048, 128], strides = [1, 1, 1]} : vector<2x2048x128xf32> to vector<1x2048x128xf32>
    %squeeze3A = vector.shape_cast %slice3A : vector<1x2048x128xf32> to vector<2048x128xf32>
    %slice3A_3 = vector.extract_strided_slice %get3A_2 {offsets = [1, 0, 0], sizes = [1, 2048, 128], strides = [1, 1, 1]} : vector<2x2048x128xf32> to vector<1x2048x128xf32>
    %squeeze3A_4 = vector.shape_cast %slice3A_3 : vector<1x2048x128xf32> to vector<2048x128xf32>
    %add3A = arith.addf %squeeze3A, %squeeze3A_4 : vector<2048x128xf32>
    %get3A_5 = arith.constant 0 : index
    %get3A_6 = arith.constant 0 : index
    %get3A_7 = vector.load %arg2[%get3A_5, %get3A_6] : memref<2048x1xf32, #tpu.memory_space<vmem>>, vector<2048x1xf32>
    %mul3A = vector.broadcast %get3A_7 : vector<2048x1xf32> to vector<2048x128xf32>
    %mul3A_8 = arith.mulf %add3A, %mul3A : vector<2048x128xf32>
    %get3A_9 = arith.constant 0 : index
    %get3A_10 = arith.constant 0 : index
    %get3A_11 = vector.load %arg4[%get3A_9, %get3A_10] : memref<128x256xf32, #tpu.memory_space<vmem>>, vector<128x256xf32>
    %dot_general3A = arith.constant dense<0.000000e+00> : vector<2048x256xf32>
    %dot_general3A_12 = tpu.matmul %mul3A_8, %get3A_11, %dot_general3A {dimension_numbers = #tpu.dot_dimension_numbers<[1], [0], [0], [1], [0, 0, 1, 1], [], []>, transpose_lhs_hint = false} : vector<2048x128xf32>, vector<128x256xf32>, vector<2048x256xf32> -> vector<2048x256xf32>
    %get3A_13 = arith.constant 0 : index
    %get3A_14 = arith.constant 0 : index
    %get3A_15 = vector.load %arg5[%get3A_13, %get3A_14] : memref<1x256xf32, #tpu.memory_space<vmem>>, vector<1x256xf32>
    %add3A_16 = vector.broadcast %get3A_15 : vector<1x256xf32> to vector<2048x256xf32>
    %add3A_17 = arith.addf %dot_general3A_12, %add3A_16 : vector<2048x256xf32>
    %max3A = arith.constant 0.000000e+00 : f32
    %max3A_18 = vector.broadcast %max3A : f32 to vector<2048x256xf32>
    %max3A_19 = arith.maximumf %add3A_17, %max3A_18 : vector<2048x256xf32>
    %get3A_20 = arith.constant 0 : index
    %get3A_21 = arith.constant 0 : index
    %get3A_22 = vector.load %arg6[%get3A_20, %get3A_21] : memref<256x1xf32, #tpu.memory_space<vmem>>, vector<256x1xf32>
    %dot_general3A_23 = arith.constant dense<0.000000e+00> : vector<2048x1xf32>
    %dot_general3A_24 = tpu.matmul %max3A_19, %get3A_22, %dot_general3A_23 {dimension_numbers = #tpu.dot_dimension_numbers<[1], [0], [0], [1], [0, 0, 1, 1], [], []>, transpose_lhs_hint = false} : vector<2048x256xf32>, vector<256x1xf32>, vector<2048x1xf32> -> vector<2048x1xf32>
    %iota3A = tpu.iota {dimensions = array<i32: 0>} : vector<2048x1xi32>
    %mul3A_25 = arith.constant 2048 : i32
    %mul3A_26 = arith.muli %arg0, %mul3A_25 : i32
    %add3A_27 = vector.broadcast %mul3A_26 : i32 to vector<2048x1xi32>
    %add3A_28 = arith.addi %iota3A, %add3A_27 : vector<2048x1xi32>
    %lt3A = arith.constant 10000 : i32
    %lt3A_29 = vector.broadcast %lt3A : i32 to vector<2048x1xi32>
    %lt3A_30 = arith.cmpi slt, %add3A_28, %lt3A_29 : vector<2048x1xi32>
    %jit3A = arith.constant 1.000000e+00 : f32
    %jit3A_31 = arith.constant 0.000000e+00 : f32
    %broadcast_in_dim3A = vector.broadcast %jit3A : f32 to vector<2048x1xf32>
    %broadcast_in_dim3A_32 = vector.broadcast %jit3A_31 : f32 to vector<2048x1xf32>
    %select_n3A = arith.select %lt3A_30, %broadcast_in_dim3A, %broadcast_in_dim3A_32 : vector<2048x1xi1>, vector<2048x1xf32>
    %get3A_33 = arith.constant 0 : index
    %get3A_34 = arith.constant 0 : index
    %get3A_35 = arith.constant 0 : index
    %get3A_36 = vector.load %arg3[%get3A_33, %get3A_34, %get3A_35] : memref<2x2048x1xf32, #tpu.memory_space<vmem>>, vector<2x2048x1xf32>
    %get3A_37 = arith.constant 0 : index
    %get3A_38 = arith.constant 0 : index
    %get3A_39 = vector.load %arg2[%get3A_37, %get3A_38] : memref<2048x1xf32, #tpu.memory_space<vmem>>, vector<2048x1xf32>
    %mul3A_40 = arith.mulf %dot_general3A_24, %get3A_39 : vector<2048x1xf32>
    %slice3A_41 = vector.extract_strided_slice %get3A_36 {offsets = [0, 0, 0], sizes = [1, 2048, 1], strides = [1, 1, 1]} : vector<2x2048x1xf32> to vector<1x2048x1xf32>
    %squeeze3A_42 = vector.shape_cast %slice3A_41 : vector<1x2048x1xf32> to vector<2048x1xf32>
    %slice3A_43 = vector.extract_strided_slice %get3A_36 {offsets = [1, 0, 0], sizes = [1, 2048, 1], strides = [1, 1, 1]} : vector<2x2048x1xf32> to vector<1x2048x1xf32>
    %squeeze3A_44 = vector.shape_cast %slice3A_43 : vector<1x2048x1xf32> to vector<2048x1xf32>
    %add3A_45 = arith.addf %squeeze3A_42, %squeeze3A_44 : vector<2048x1xf32>
    %mul3A_46 = arith.mulf %mul3A_40, %add3A_45 : vector<2048x1xf32>
    %mul3A_47 = arith.mulf %mul3A_46, %select_n3A : vector<2048x1xf32>
    %reduce_sum3A = vector.shape_cast %mul3A_47 : vector<2048x1xf32> to vector<1x2048x1xf32>
    %reduce_sum3A_48 = arith.constant dense<0.000000e+00> : vector<1xf32>
    %reduce_sum3A_49 = vector.multi_reduction <add>, %reduce_sum3A, %reduce_sum3A_48 [1, 2] : vector<1x2048x1xf32> to vector<1xf32>
    %reduce_sum3A_50 = vector.shape_cast %reduce_sum3A_49 : vector<1xf32> to vector<1x1x1xf32>
    %reduce_sum3A_51 = vector.extract %reduce_sum3A_50[0, 0, 0] : f32 from vector<1x1x1xf32>
    %eq3A = arith.constant 0 : i32
    %eq3A_52 = arith.cmpi eq, %arg0, %eq3A : i32
    %broadcast_in_dim3A_53 = arith.constant 0.000000e+00 : f32
    %broadcast_in_dim3A_54 = vector.broadcast %broadcast_in_dim3A_53 : f32 to vector<1x1xf32>
    %get3A_55 = arith.constant 0 : index
    %get3A_56 = arith.constant 0 : index
    %get3A_57 = vector.load %arg8[%get3A_55, %get3A_56] : memref<1x1xf32, #tpu.memory_space<vmem>>, vector<1x1xf32>
    %select_n3A_58 = arith.select %eq3A_52, %broadcast_in_dim3A_54, %get3A_57 : vector<1x1xf32>
    %add3A_59 = vector.broadcast %reduce_sum3A_51 : f32 to vector<1x1xf32>
    %add3A_60 = arith.addf %select_n3A_58, %add3A_59 : vector<1x1xf32>
    %eq3A_61 = arith.constant 4 : i32
    %eq3A_62 = arith.cmpi eq, %arg0, %eq3A_61 : i32
    %div3A = arith.constant 1.000000e+04 : f32
    %div3A_63 = vector.broadcast %div3A : f32 to vector<1x1xf32>
    %div3A_64 = arith.divf %add3A_60, %div3A_63 : vector<1x1xf32>
    %get3A_65 = arith.constant 0 : index
    %get3A_66 = arith.constant 0 : index
    %get3A_67 = vector.load %arg7[%get3A_65, %get3A_66] : memref<1x1xf32, #tpu.memory_space<vmem>>, vector<1x1xf32>
    %add3A_68 = arith.addf %div3A_64, %get3A_67 : vector<1x1xf32>
    %select_n3A_69 = arith.select %eq3A_62, %add3A_68, %add3A_60 : vector<1x1xf32>
    %swap3A = arith.constant 0 : index
    %swap3A_70 = arith.constant 0 : index
    %swap3A_71 = vector.load %arg8[%swap3A, %swap3A_70] : memref<1x1xf32, #tpu.memory_space<vmem>>, vector<1x1xf32>
    tpu.vector_store %arg8[%swap3A, %swap3A_70], %select_n3A_69 {strides = array<i32>} : memref<1x1xf32, #tpu.memory_space<vmem>>, vector<1x1xf32>,
    return
  }
  func.func @transform_0(%arg0: i32) -> (i32, i32, i32) {
    %c0_i32 = arith.constant 0 : i32
    %c0_i32_0 = arith.constant 0 : i32
    %c0_i32_1 = arith.constant 0 : i32
    return %c0_i32, %arg0, %c0_i32_0 : i32, i32, i32
  }
  func.func @transform_1(%arg0: i32) -> (i32, i32) {
    %c0_i32 = arith.constant 0 : i32
    %c0_i32_0 = arith.constant 0 : i32
    return %arg0, %c0_i32 : i32, i32
  }
  func.func @transform_2(%arg0: i32) -> (i32, i32, i32) {
    %c0_i32 = arith.constant 0 : i32
    %c0_i32_0 = arith.constant 0 : i32
    %c0_i32_1 = arith.constant 0 : i32
    return %c0_i32, %arg0, %c0_i32_0 : i32, i32, i32
  }
  func.func @transform_3(%arg0: i32) -> (i32, i32) {
    %c0_i32 = arith.constant 0 : i32
    %c0_i32_0 = arith.constant 0 : i32
    %c0_i32_1 = arith.constant 0 : i32
    return %c0_i32, %c0_i32_0 : i32, i32
  }
  func.func @transform_4(%arg0: i32) -> (i32, i32) {
    %c0_i32 = arith.constant 0 : i32
    %c0_i32_0 = arith.constant 0 : i32
    %c0_i32_1 = arith.constant 0 : i32
    return %c0_i32, %c0_i32_0 : i32, i32
  }
  func.func @transform_5(%arg0: i32) -> (i32, i32) {
    %c0_i32 = arith.constant 0 : i32
    %c0_i32_0 = arith.constant 0 : i32
    %c0_i32_1 = arith.constant 0 : i32
    return %c0_i32, %c0_i32_0 : i32, i32
  }
  func.func @transform_6(%arg0: i32) -> (i32, i32) {
    %c0_i32 = arith.constant 0 : i32
    %c0_i32_0 = arith.constant 0 : i32
    %c0_i32_1 = arith.constant 0 : i32
    return %c0_i32, %c0_i32_0 : i32, i32
  }
  func.func @transform_7(%arg0: i32) -> (i32, i32) {
    %c0_i32 = arith.constant 0 : i32
    %c0_i32_0 = arith.constant 0 : i32
    %c0_i32_1 = arith.constant 0 : i32
    return %c0_i32, %c0_i32_0 : i32, i32
  }
}

</mosaic_0001>

<sc_bundles>
// kernel: kernel.6.cloned.1.call-start
scs
__scs_entry_jumppad:
0x0: {  	(pc) =	sbr.rel $0x88, $3  }
0x1: {  	(tag) =	ssettag $0x0;
	lr =	simm.s32 $0x1  }
0x2: {  	[smem:$0x3F9B] =	sst lr;
	_ =	strace $0xD0000000  }
0x3: {  	_ = 	snop  }
0x4: {  	_ = 	snop  }
0x5: {  	_ = 	snop  }
0x6: {  	_ = 	snop  }
0x7: {  	_ = 	snop  }
__scs_overlays_trampoline_lowered:
0x8: {  	[smem:$0x3FAA] =	sst s0  }
0x9: {  	[smem:$0x3FAB] =	sst s1  }
0xa: {  	[smem:$0x3FAC] =	sst s2  }
0xb: {  	[smem:$0x3FAD] =	sst s3  }
0xc: {  	[smem:$0x3FAE] =	sst s4  }
0xd: {  	[smem:$0x3FAF] =	sst s5  }
0xe: {  	[smem:$0x3FB0] =	sst s6  }
0xf: {  	[smem:$0x3FB1] =	sst s7  }
0x10: {  	[smem:$0x3FB2] =	sst s8  }
0x11: {  	[smem:$0x3FB3] =	sst s9;
	s0 =	simm.s32 @!p0 $0x0  }
0x12: {  	s1 =	sld [smem:$0x3F99];
	s0 =	simm.s32 @p0 $0x1  }
0x13: {  	[smem:$0x3FB4] =	sst s0;
	s0 =	simm.s32 @!p1 $0x0  }
0x14: {  	s2 =	sld [smem:$0x3F98];
	s0 =	simm.s32 @p1 $0x1  }
0x15: {  	[smem:$0x3FB5] =	sst s0;
	s0 =	simm.s32 @!p2 $0x0  }
0x16: {  	s3 =	sld [smem:$0x3FDB];
	s0 =	simm.s32 @p2 $0x1  }
0x17: {  	s4 =	simm.s32 $0x1BF5;
	[smem:$0x3FB7] =	sst s0  }
0x18: {  	s0 =	sld [smem:$0x3F9A];
	_ =	swait.ge [sflag:s4], $0x0  }
0x19: {  	s7 =	sld [smem:$0x3F9B]  }
0x1a: {  	s8 =	sadd.s32 $0xFFFFE003, lr  }
0x1b: {  	s9 =	sadd.s32 $0xFFFFFEF7, lr;
	s5 =	simm.s32 $0xFFFFFFFF;
	p2 =	slt.u32 s8, $0xFFFFF086  }
0x1c: {  	p1 =	slt.u32 s9, $0xF7A;
	s5 =	simm.s32 @!p2 $0x0  }
0x1d: {  	s5 =	simm.s32 @p1 $0x1;
	p0 =	seq.s32 s7, s2  }
0x1e: {  	s7 =	smul.u32 @!p0 $0xF7A, s2;
	p2 =	seq.s32 @!p0 s5, $0x0  }
0x1f: {  	s9 =	smul.u32 $0xF7A, s1;
	s8 =	simm.s32 @!p0 $0x1BF5;
	p2 =	por !p2, p0  }
0x20: {  	[sflag:s8] =	ssyncset.s32 @!p0 $0xFFFFF086;
	s6 =	sadd.s32 @!p0 s3, s7;
	s7 =	simm.s32 @!p0 $0x108  }
0x21: {  	s3 =	sadd.s32 s3, s9;
	s6 =	sadd.s32 @!p0 $0x88, s6;
	s7 =	simm.s32 @p2 $0x1082  }
0x22: {  	[simem:s7], [sflag:s8] =	dma.local @!p0 [hbm:s6], $0xF7A  }
0x23: {  	s9 =	sor.u32 $0xD0000000, s2;
	s6 =	simm.s32 $0x108;
	_ =	swait.ge @!p0 [sflag:s8], $0x0  }
0x24: {  	s3 =	sadd.s32 $0x88, s3;
	s6 =	simm.s32 @!p1 $0x1082;
	[sflag:s4] =	ssyncset.s32 $0xFFFFF086  }
0x25: {  	[simem:s6], [sflag:s4] =	dma.local [hbm:s3], $0xF7A  }
0x26: {  	[smem:$0x3F9B] =	sst s1;
	(tag) =	ssettag s2;
	_ =	strace s9  }
0x27: {  	s1 =	sld [smem:$0x3FAB]  }
0x28: {  	s2 =	sld [smem:$0x3FAC]  }
0x29: {  	s4 =	sld [smem:$0x3FAE]  }
0x2a: {  	p0 =	seq.s32 s5, $0x0;
	s5 =	sld [smem:$0x3FAF]  }
0x2b: {  	s6 =	sld [smem:$0x3FB0]  }
0x2c: {  	s7 =	sld [smem:$0x3FB1]  }
0x2d: {  	s3 =	simm.s32 $0x108;
	s8 =	sld [smem:$0x3FB2]  }
0x2e: {  	s3 =	simm.s32 @!p0 $0x1082;
	s9 =	sld [smem:$0x3FB3]  }
0x2f: {  	lr =	sadd.s32 s0, s3;
	s0 =	sld [smem:$0x3FAA]  }
0x30: {  	s3 =	sld [smem:$0x3FAD]  }
0x31: {  	[smem:$0x3FB6] =	sst s10  }
0x32: {  	s10 =	sld [smem:$0x3FB4];
	_ =	sdelay $0x3  }
0x33: {  	p0 =	seq.s32 s10, $0x1;
	s10 =	sld [smem:$0x3FB6];
	_ =	sdelay $0x3  }
0x34: {  	[smem:$0x3FB6] =	sst s10  }
0x35: {  	s10 =	sld [smem:$0x3FB5];
	_ =	sdelay $0x3  }
0x36: {  	p1 =	seq.s32 s10, $0x1;
	s10 =	sld [smem:$0x3FB6];
	_ =	sdelay $0x3  }
0x37: {  	[smem:$0x3FB6] =	sst s10  }
0x38: {  	s10 =	sld [smem:$0x3FB7]  }
0x39: {  	_ = 	snop;
	(pc) =	sbr.ind lr, $3  }
0x3a: {  	_ = 	snop  }
0x3b: {  	_ = 	snop  }
0x3c: {  	p2 =	seq.s32 s10, $0x1;
	s10 =	sld [smem:$0x3FB6]  }
0x3d: {  	_ =	shalt  }
0x3e: {  	_ =	shalt  }
0x3f: {  	_ =	shalt  }
0x40: {  	_ =	shalt  }
0x41: {  	_ =	shalt  }
0x42: {  	_ =	shalt  }
0x43: {  	_ =	shalt  }
0x44: {  	_ =	shalt  }
0x45: {  	_ =	shalt  }
0x46: {  	_ =	shalt  }
0x47: {  	_ =	shalt  }
0x48: {  	_ =	shalt  }
0x49: {  	_ =	shalt  }
0x4a: {  	_ =	shalt  }
0x4b: {  	_ =	shalt  }
0x4c: {  	_ =	shalt  }
0x4d: {  	_ =	shalt  }
0x4e: {  	_ =	shalt  }
0x4f: {  	_ =	shalt  }
0x50: {  	_ =	shalt  }
0x51: {  	_ =	shalt  }
0x52: {  	_ =	shalt  }
0x53: {  	_ =	shalt  }
0x54: {  	_ =	shalt  }
0x55: {  	_ =	shalt  }
0x56: {  	_ =	shalt  }
0x57: {  	_ =	shalt  }
0x58: {  	_ =	shalt  }
0x59: {  	_ =	shalt  }
0x5a: {  	_ =	shalt  }
0x5b: {  	_ =	shalt  }
0x5c: {  	_ =	shalt  }
0x5d: {  	_ =	shalt  }
0x5e: {  	_ =	shalt  }
0x5f: {  	_ =	shalt  }
0x60: {  	_ =	shalt  }
0x61: {  	_ =	shalt  }
0x62: {  	_ =	shalt  }
0x63: {  	_ =	shalt  }
0x64: {  	_ =	shalt  }
0x65: {  	_ =	shalt  }
0x66: {  	_ =	shalt  }
0x67: {  	_ =	shalt  }
0x68: {  	_ =	shalt  }
0x69: {  	_ =	shalt  }
0x6a: {  	_ =	shalt  }
0x6b: {  	_ =	shalt  }
0x6c: {  	_ =	shalt  }
0x6d: {  	_ =	shalt  }
0x6e: {  	_ =	shalt  }
0x6f: {  	_ =	shalt  }
0x70: {  	_ =	shalt  }
0x71: {  	_ =	shalt  }
0x72: {  	_ =	shalt  }
0x73: {  	_ =	shalt  }
0x74: {  	_ =	shalt  }
0x75: {  	_ =	shalt  }
0x76: {  	_ =	shalt  }
0x77: {  	_ =	shalt  }
0x78: {  	_ =	shalt  }
0x79: {  	_ =	shalt  }
0x7a: {  	_ =	shalt  }
0x7b: {  	_ =	shalt  }
0x7c: {  	_ =	shalt  }
0x7d: {  	_ =	shalt  }
0x7e: {  	_ =	shalt  }
0x7f: {  	_ =	shalt  }
0x80: {  	_ =	shalt  }
0x81: {  	_ =	shalt  }
0x82: {  	_ =	shalt  }
0x83: {  	_ =	shalt  }
0x84: {  	_ =	shalt  }
0x85: {  	_ =	shalt  }
0x86: {  	_ =	shalt  }
0x87: {  	_ =	shalt  }
.Lfunc_end0:
.L_simem_size_0:
called_computation_lowered:
.L_overlay_start_0:
0x88: {  	s2 =	sld [smem:$0x3FD9]  }
0x89: {  	s3 =	sld [smem:$0x3FFE];
	_ =	sdelay $0x1  }
0x8a: {  	s1 =	srdreg.scid  }
0x8b: {  	s0 =	sand.u32 $0x1, s1  }
0x8c: {  	s16 =	sshll.u32 s0, $0xA;
	s2 =	sadd.s32 s3, s2  }
0x8d: {  	s2 =	sadd.s32 s2, s16  }
0x8e: {  	[smem:$0x3FC2] =	sst s2  }
0x8f: {  	_ = 	snop  }
0x90: {  	(tm) =	ssettm $0x1  }
0x91: {  	s17 =	sld [smem:$0x3FFB];
	_ =	sdelay $0x3  }
0x92: {  	_ =	strace s17  }
0x93: {  	s2 =	sld [smem:$0x3FFC];
	_ =	sdelay $0x3  }
0x94: {  	_ =	strace s2  }
0x95: {  	s2 =	sld [smem:$0x3FFD];
	_ =	sdelay $0x3  }
0x96: {  	_ =	strace s2  }
0x97: {  	_ =	strace $0x8FFFFFFF  }
0x98: {  	s18 =	sld [smem:$0x3FDB];
	_ =	sdelay $0x1  }
0x99: {  	s19 =	simm.s32 $_scs_section_size  }
0x9a: {  	s4 =	simm.s32 $_size__tile_overlayer_lowered;
	s5 =	simm.s32 $_tile_overlayer_lowered  }
0x9b: {  	s22 =	simm.s32 $0x1BFF;
	s21 =	sshll.u32 s5, $0x1;
	s2 =	sadd.s32 s19, s18  }
0x9c: {  	s6 =	simm.s32 $0x0;
	s20 =	sshll.u32 s4, $0x1;
	s4 =	sadd.s32 s21, s2  }
0x9d: {  	[timem:s6], [sflag:s22] =	dma.local [hbm:s4], s20  }
0x9e: {  	_ =	swait.ge [sflag:s22], s20  }
0x9f: {  	s3 =	ssub.s32 $0x0, s20;
	[sflag:s22] =	ssyncset.done $0x0  }
0xa0: {  	[sflag:s22] =	ssyncadd.s32 s3;
	_ =	sdelay $0x1  }
0xa1: {  	s23 =	simm.s32 $0x1B8B  }
0xa2: {  	_ =	swait.ge [sflag:s23], $0x1  }
0xa3: {  	[sflag:s23] =	ssyncset.done $0x0  }
0xa4: {  	s25 =	simm.s32 $0x1B8E;
	s24 =	sld [smem:$0x3FFE];
	[sflag:s23] =	ssyncadd.s32 $0xFFFFFFFF  }
0xa5: {  	s26 =	simm.s32 $execute0_lowered;
	[smem:$0x3FD2] =	sst s25  }
0xa6: {  	s4 =	sshll.u32 s26, $0x1;
	_ =	strace $0x80000046;
	[dreg:$0x1] =	wrdreg $0xFFFFFFFF  }
0xa7: {  	s28 =	simm.s32 $_size_execute0_lowered;
	s2 =	sadd.s32 s2, s4;
	[dreg:$0x0] =	wrdreg $0x0  }
0xa8: {  	s4 =	sshll.u32 s28, $0x1;
	[dreg:$0x2] =	wrdreg s2  }
0xa9: {  	[dreg:$0x3] =	wrdreg s4  }
0xaa: {  	[dreg:$0x4] =	wrdreg $0xC0  }
0xab: {  	_ =	task [dreg:s6], $0x5FFFF  }
0xac: {  	[dreg:$0x1] =	wrdreg $0xFFFFFFFF  }
0xad: {  	[dreg:$0x0] =	wrdreg $0x60  }
0xae: {  	[dreg:$0x2] =	wrdreg s24  }
0xaf: {  	[dreg:$0x3] =	wrdreg $0x58800  }
0xb0: {  	[dreg:$0x4] =	wrdreg $0x9  }
0xb1: {  	_ =	task.clear_ibuf [dreg:s6], $0x5FFFF;
	_ =	strace $0x90000046  }
0xb2: {  	s29 =	simm.s32 $0x9;
	_ =	strace $0x80000048  }
0xb3: {  	_ =	swait.ge [sflag:s29], $0x1  }
0xb4: {  	[sflag:s29] =	ssyncadd.s32 $0xFFFFFFFF  }
0xb5: {  	_ =	strace $0x90000048  }
0xb6: {  	_ =	sfence  }
0xb7: {  	s30 =	sld [smem:$0x0];
	_ =	sdelay $0x2  }
0xb8: {  	s31 =	sshll.u32 s1, $0xD;
	s1 =	sshrl.u32 s1, $0x2  }
0xb9: {  	s3 =	sand.u32 $0x4000, s31;
	s1 =	sadd.s32 s1, s30  }
0xba: {  	s0 =	sor.u32 s3, s0;
	s1 =	sshll.u32 s1, $0x11  }
0xbb: {  	s0 =	sor.u32 s1, s0  }
0xbc: {  	s0 =	sadd.s32 $0x8F2B, s0  }
0xbd: {  	[sflag:s0] =	ssyncadd.remote.s32 $0x1  }
0xbe: {  	_ =	sfence.sel $0xFFFF  }
0xbf: {  	[dreg:$0x0] =	wrdreg $0xFFFFFFFF;
	(pc) =	sbr.abs _section_cstart, $3  }
0xc0: {  	[dreg:$0x1] =	wrdreg $0xFFFFFFFF  }
0xc1: {  	_ =	task.clear_ibuf [dreg:s6], $0x2FFFF;
	_ =	strace $0x9FFFFFFF  }
0xc2: {  	(tm) =	ssettm $0x7FFFFFFF  }
0xc3: {  	_ =	shalt  }
tec
execute0_lowered:
.L_overlay_start_1:
0x0: {  	(tag) =	ssettag $0x1  }
0x1: {  	s4 =	rddreg [dreg:$0x0]  }
0x2: {  	s2 =	rddreg [dreg:$0x1];
	s3 =	srdreg.scid  }
0x3: {  	s0 =	rddreg [dreg:$0x2];
	s1 =	stileid.u32;
	s12 =	simm.s32 $0x5080  }
0x4: {  	s13 =	simm.s32 $0x2;
	s14 =	simm.s32 $0x80;
	s15 =	simm.s32 $0x5000  }
0x5: {  	s16 =	simm.s32 $0x1;
	s19 =	simm.s32 $0x20;
	s20 =	simm.s32 $0x10  }
0x6: {  	s21 =	simm.s32 $0x0;
	s5 =	sand.u32 $0x1, s3;
	s7 =	smul.u32 $0x500, s1  }
0x7: {  	s3 =	simm.s32 $0x0;
	s29 =	smul.u32 $0xA00, s1;
	s17 =	sshll.u32 s1, $0x6  }
0x8: {  	s6 =	sshll.u32 s5, $0x4;
	[smem:$0x7FF] =	sst s3;
	s8 =	sshll.u32 s5, $0x7  }
0x9: {  	s5 =	ssub.s32 $0x2, s5;
	s17 =	sor.u32 $0x1C02, s17;
	s6 =	sor.u32 s1, s6  }
0xa: {  	_ =	strace $0x80000047;
	s7 =	sor.u32 s8, s7;
	s6 =	smul.u32 $0xA00, s6  }
0xb: {  	s30 =	sshrl.u32 s5, $0x1;
	s31 =	sshrl.u32 s29, $0x2;
	s7 =	sshrl.u32 s7, $0x3  }
0xc: {  	s9 =	ssub.s32 s5, s30;
	s7 =	sadd.s32 s7, s4;
	s6 =	sadd.s32 s6, s4  }
0xd: {  	s5 =	sadd.s32 $0x15400, s7;
	s4 =	sadd.s32 $0x1400, s6;
	s6 =	sadd.s32 s31, s2  }
0xe: {  	s7 =	smax.u32 s9, $0x1;
	s8 =	sadd.s32 $0x80, s6;
	s9 =	sadd.s32 $0x100, s6  }
0xf: {  	v0 =	vimm.f32 $0.0e+00;
	v1 =	vimm.f32 $1.000000000e+00;
	s10 =	sadd.s32 $0x180, s6;
	s11 =	sadd.s32 $0x200, s6;
	s18 =	sshrl.u32 s6, $0x3  }
.LBB2_1:
0x10: {  	s22 =	sand.u32 $0x1E00, s3  }
0x11: {  	s23 =	sand.u32 $0x70, s3;
	s24 =	sshrl.u32 s22, $0x2  }
0x12: {  	s22 =	simm.s32 $0x40;
	s24 =	sor.u32 s23, s24;
	s23 =	simm.s32 $0x0  }
.LBB2_2:
0x13: {  	p0 =	sne.s32 s22, $0x1FC0  }
0x14: {  	[tilespmem:s24+$0x5080] =	vst v0;
	s23 =	sadd.s32 $0x10, s23;
	s24 =	smov.u32 s22;
	s22 =	sadd.s32 $0x40, s22  }
.Ltmp0:
0x15: {  	(pc) =	sbr.rel @p0 .LBB2_2-.Ltmp0, $4  }
0x16: {  	_ = 	snop  }
0x17: {  	s24 =	sand.u32 $0x1E00, s24  }
0x18: {  	s25 =	sand.u32 $0x70, s23;
	s24 =	sshrl.u32 s24, $0x2  }
0x19: {  	s24 =	sor.u32 s25, s24  }
0x1a: {  	[tilespmem:s24+$0x5080] =	vst v0  }
0x1b: {  	[spmem:s6] =	stream.linear.scatter [tilespmem:s12], [sflag:$0x2], $0x80, $0x38;
	[tilespmem:$0x5B00] =	vst v63  }
0x1c: {  	_ =	swait.ge [sflag:s13], $0x80  }
0x1d: {  	[sflag:s13] =	ssyncset.done $0x0  }
0x1e: {  	[sflag:s13] =	ssyncadd.s32 $0xFFFFFF80  }
0x1f: {  	[spmem:s8] =	stream.linear.scatter [tilespmem:s12], [sflag:$0x2], $0x80, $0x38;
	[tilespmem:$0x5B00] =	vst v63  }
0x20: {  	_ =	swait.ge [sflag:s13], $0x80  }
0x21: {  	[sflag:s13] =	ssyncset.done $0x0  }
0x22: {  	[sflag:s13] =	ssyncadd.s32 $0xFFFFFF80  }
0x23: {  	[spmem:s9] =	stream.linear.scatter [tilespmem:s12], [sflag:$0x2], $0x80, $0x38;
	[tilespmem:$0x5B00] =	vst v63  }
0x24: {  	_ =	swait.ge [sflag:s13], $0x80  }
0x25: {  	[sflag:s13] =	ssyncset.done $0x0  }
0x26: {  	[sflag:s13] =	ssyncadd.s32 $0xFFFFFF80  }
0x27: {  	[spmem:s10] =	stream.linear.scatter [tilespmem:s12], [sflag:$0x2], $0x80, $0x38;
	[tilespmem:$0x5B00] =	vst v63  }
0x28: {  	_ =	swait.ge [sflag:s13], $0x80  }
0x29: {  	[sflag:s13] =	ssyncset.done $0x0  }
0x2a: {  	[sflag:s13] =	ssyncadd.s32 $0xFFFFFF80  }
0x2b: {  	[spmem:s11] =	stream.linear.scatter [tilespmem:s12], [sflag:$0x2], $0x80, $0x38;
	[tilespmem:$0x5B00] =	vst v63  }
0x2c: {  	_ =	swait.ge [sflag:s13], $0x80  }
0x2d: {  	[sflag:s13] =	ssyncset.done $0x0  }
0x2e: {  	[sflag:s13] =	ssyncadd.s32 $0xFFFFFF80  }
0x2f: {  	[tilespmem:$0x5000] =	vst v1  }
0x30: {  	[tilespmem:$0x5010] =	vst v1  }
0x31: {  	[tilespmem:$0x5020] =	vst v1  }
0x32: {  	[tilespmem:$0x5030] =	vst v1  }
0x33: {  	[tilespmem:$0x5040] =	vst v1  }
0x34: {  	[tilespmem:$0x5050] =	vst v1  }
0x35: {  	[tilespmem:$0x5060] =	vst v1  }
0x36: {  	s22 =	simm.s32 $0x0;
	[tilespmem:$0x5070] =	vst v1  }
0x37: {  	[tilespmem:s22], [sflag:$0x2] =	stream.linear.gather [hbm4b:s4+s22], $0x5000, $0x38;
	[tilespmem:$0x5B00] =	vst v63  }
0x38: {  	_ =	swait.ge [sflag:s13], $0x5000  }
0x39: {  	[sflag:s13] =	ssyncset.done $0x0  }
0x3a: {  	[sflag:s13] =	ssyncadd.s32 $0xFFFFB000  }
0x3b: {  	s23 =	simm.s32 $0x80;
	[bflag:$0x0] =	sbarrier.arrive $0xFFFF  }
0x3c: {  	[spmem:s2] =	stream.indirect.scatter.add.f32 [tilespmem:s15], [sflag:$0x1], $0x1, s23, s14, $0xb8;
	[tilespmem:$0x5B00] =	vst v63  }
0x3d: {  	s24 =	simm.s32 $0x180  }
0x3e: {  	[spmem:s2] =	stream.indirect.scatter.add.f32 [tilespmem:s15], [sflag:$0x1], $0x1, s24, s14, $0xb8;
	[tilespmem:$0x5B00] =	vst v63  }
0x3f: {  	s25 =	simm.s32 $0x280  }
0x40: {  	[spmem:s2] =	stream.indirect.scatter.add.f32 [tilespmem:s15], [sflag:$0x1], $0x1, s25, s14, $0xb8;
	[tilespmem:$0x5B00] =	vst v63  }
0x41: {  	s26 =	simm.s32 $0x380  }
0x42: {  	[spmem:s2] =	stream.indirect.scatter.add.f32 [tilespmem:s15], [sflag:$0x1], $0x1, s26, s14, $0xb8;
	[tilespmem:$0x5B00] =	vst v63  }
0x43: {  	s28 =	simm.s32 $0x480  }
0x44: {  	[spmem:s2] =	stream.indirect.scatter.add.f32 [tilespmem:s15], [sflag:$0x1], $0x1, s28, s14, $0xb8;
	[tilespmem:$0x5B00] =	vst v63  }
0x45: {  	s29 =	simm.s32 $0x580  }
0x46: {  	[spmem:s2] =	stream.indirect.scatter.add.f32 [tilespmem:s15], [sflag:$0x1], $0x1, s29, s14, $0xb8;
	[tilespmem:$0x5B00] =	vst v63  }
0x47: {  	s30 =	simm.s32 $0x680  }
0x48: {  	[spmem:s2] =	stream.indirect.scatter.add.f32 [tilespmem:s15], [sflag:$0x1], $0x1, s30, s14, $0xb8;
	[tilespmem:$0x5B00] =	vst v63  }
0x49: {  	s31 =	simm.s32 $0x780  }
0x4a: {  	[spmem:s2] =	stream.indirect.scatter.add.f32 [tilespmem:s15], [sflag:$0x1], $0x1, s31, s14, $0xb8;
	[tilespmem:$0x5B00] =	vst v63  }
0x4b: {  	s23 =	simm.s32 $0x880  }
0x4c: {  	[spmem:s2] =	stream.indirect.scatter.add.f32 [tilespmem:s15], [sflag:$0x1], $0x1, s23, s14, $0xb8;
	[tilespmem:$0x5B00] =	vst v63  }
0x4d: {  	s24 =	simm.s32 $0x980  }
0x4e: {  	[spmem:s2] =	stream.indirect.scatter.add.f32 [tilespmem:s15], [sflag:$0x1], $0x1, s24, s14, $0xb8;
	[tilespmem:$0x5B00] =	vst v63  }
0x4f: {  	s25 =	simm.s32 $0xA80  }
0x50: {  	[spmem:s2] =	stream.indirect.scatter.add.f32 [tilespmem:s15], [sflag:$0x1], $0x1, s25, s14, $0xb8;
	[tilespmem:$0x5B00] =	vst v63  }
0x51: {  	s26 =	simm.s32 $0xB80  }
0x52: {  	[spmem:s2] =	stream.indirect.scatter.add.f32 [tilespmem:s15], [sflag:$0x1], $0x1, s26, s14, $0xb8;
	[tilespmem:$0x5B00] =	vst v63  }
0x53: {  	s28 =	simm.s32 $0xC80  }
0x54: {  	[spmem:s2] =	stream.indirect.scatter.add.f32 [tilespmem:s15], [sflag:$0x1], $0x1, s28, s14, $0xb8;
	[tilespmem:$0x5B00] =	vst v63  }
0x55: {  	s29 =	simm.s32 $0xD80  }
0x56: {  	[spmem:s2] =	stream.indirect.scatter.add.f32 [tilespmem:s15], [sflag:$0x1], $0x1, s29, s14, $0xb8;
	[tilespmem:$0x5B00] =	vst v63  }
0x57: {  	s30 =	simm.s32 $0xE80  }
0x58: {  	[spmem:s2] =	stream.indirect.scatter.add.f32 [tilespmem:s15], [sflag:$0x1], $0x1, s30, s14, $0xb8;
	[tilespmem:$0x5B00] =	vst v63  }
0x59: {  	s31 =	simm.s32 $0xF80  }
0x5a: {  	[spmem:s2] =	stream.indirect.scatter.add.f32 [tilespmem:s15], [sflag:$0x1], $0x1, s31, s14, $0xb8;
	[tilespmem:$0x5B00] =	vst v63  }
0x5b: {  	_ =	swait.ge [sflag:s16], $0x80  }
0x5c: {  	[sflag:s16] =	ssyncset.done $0x0  }
0x5d: {  	[sflag:s16] =	ssyncadd.s32 $0xFFFFFF80  }
0x5e: {  	_ =	swait.ge [sflag:s16], $0x80  }
0x5f: {  	[sflag:s16] =	ssyncset.done $0x0  }
0x60: {  	[sflag:s16] =	ssyncadd.s32 $0xFFFFFF80  }
0x61: {  	_ =	swait.ge [sflag:s16], $0x80  }
0x62: {  	[sflag:s16] =	ssyncset.done $0x0  }
0x63: {  	[sflag:s16] =	ssyncadd.s32 $0xFFFFFF80  }
0x64: {  	_ =	swait.ge [sflag:s16], $0x80  }
0x65: {  	[sflag:s16] =	ssyncset.done $0x0  }
0x66: {  	[sflag:s16] =	ssyncadd.s32 $0xFFFFFF80  }
0x67: {  	_ =	swait.ge [sflag:s16], $0x80  }
0x68: {  	[sflag:s16] =	ssyncset.done $0x0  }
0x69: {  	[sflag:s16] =	ssyncadd.s32 $0xFFFFFF80  }
0x6a: {  	_ =	swait.ge [sflag:s16], $0x80  }
0x6b: {  	[sflag:s16] =	ssyncset.done $0x0  }
0x6c: {  	[sflag:s16] =	ssyncadd.s32 $0xFFFFFF80  }
0x6d: {  	_ =	swait.ge [sflag:s16], $0x80  }
0x6e: {  	[sflag:s16] =	ssyncset.done $0x0  }
0x6f: {  	[sflag:s16] =	ssyncadd.s32 $0xFFFFFF80  }
0x70: {  	_ =	swait.ge [sflag:s16], $0x80  }
0x71: {  	[sflag:s16] =	ssyncset.done $0x0  }
0x72: {  	[sflag:s16] =	ssyncadd.s32 $0xFFFFFF80  }
0x73: {  	_ =	swait.ge [sflag:s16], $0x80  }
0x74: {  	[sflag:s16] =	ssyncset.done $0x0  }
0x75: {  	[sflag:s16] =	ssyncadd.s32 $0xFFFFFF80  }
0x76: {  	_ =	swait.ge [sflag:s16], $0x80  }
0x77: {  	[sflag:s16] =	ssyncset.done $0x0  }
0x78: {  	[sflag:s16] =	ssyncadd.s32 $0xFFFFFF80  }
0x79: {  	_ =	swait.ge [sflag:s16], $0x80  }
0x7a: {  	[sflag:s16] =	ssyncset.done $0x0  }
0x7b: {  	[sflag:s16] =	ssyncadd.s32 $0xFFFFFF80  }
0x7c: {  	_ =	swait.ge [sflag:s16], $0x80  }
0x7d: {  	[sflag:s16] =	ssyncset.done $0x0  }
0x7e: {  	[sflag:s16] =	ssyncadd.s32 $0xFFFFFF80  }
0x7f: {  	_ =	swait.ge [sflag:s16], $0x80  }
0x80: {  	[sflag:s16] =	ssyncset.done $0x0  }
0x81: {  	[sflag:s16] =	ssyncadd.s32 $0xFFFFFF80  }
0x82: {  	_ =	swait.ge [sflag:s16], $0x80  }
0x83: {  	[sflag:s16] =	ssyncset.done $0x0  }
0x84: {  	[sflag:s16] =	ssyncadd.s32 $0xFFFFFF80  }
0x85: {  	_ =	swait.ge [sflag:s16], $0x80  }
0x86: {  	[sflag:s16] =	ssyncset.done $0x0  }
0x87: {  	[sflag:s16] =	ssyncadd.s32 $0xFFFFFF80  }
0x88: {  	_ =	swait.ge [sflag:s16], $0x80  }
0x89: {  	s24 =	simm.s32 $0x1000;
	s25 =	simm.s32 $0x8000;
	[sflag:s16] =	ssyncset.done $0x0  }
.LBB2_4:
0x8a: {  	s26 =	sadd.s32 $0x80, s24  }
0x8b: {  	[sflag:s16] =	ssyncadd.s32 $0xFFFFFF80;
	s23 =	smov.u32 s25;
	s22 =	sadd.s32 $0x4000, s25  }
0x8c: {  	[spmem:s2] =	stream.indirect.scatter.add.f32 [tilespmem:s15], [sflag:$0x1], $0x1, s26, s14, $0xb8;
	[tilespmem:$0x5B00] =	vst v63  }
0x8d: {  	p0 =	sne.s32 s25, $0x10000;
	s25 =	sadd.s32 $0x180, s24  }
0x8e: {  	[spmem:s2] =	stream.indirect.scatter.add.f32 [tilespmem:s15], [sflag:$0x1], $0x1, s25, s14, $0xb8;
	[tilespmem:$0x5B00] =	vst v63  }
0x8f: {  	s25 =	sadd.s32 $0x280, s24  }
0x90: {  	[spmem:s2] =	stream.indirect.scatter.add.f32 [tilespmem:s15], [sflag:$0x1], $0x1, s25, s14, $0xb8;
	[tilespmem:$0x5B00] =	vst v63  }
0x91: {  	s25 =	sadd.s32 $0x380, s24  }
0x92: {  	[spmem:s2] =	stream.indirect.scatter.add.f32 [tilespmem:s15], [sflag:$0x1], $0x1, s25, s14, $0xb8;
	[tilespmem:$0x5B00] =	vst v63  }
0x93: {  	s25 =	sadd.s32 $0x480, s24  }
0x94: {  	[spmem:s2] =	stream.indirect.scatter.add.f32 [tilespmem:s15], [sflag:$0x1], $0x1, s25, s14, $0xb8;
	[tilespmem:$0x5B00] =	vst v63  }
0x95: {  	s25 =	sadd.s32 $0x580, s24  }
0x96: {  	[spmem:s2] =	stream.indirect.scatter.add.f32 [tilespmem:s15], [sflag:$0x1], $0x1, s25, s14, $0xb8;
	[tilespmem:$0x5B00] =	vst v63  }
0x97: {  	s25 =	sadd.s32 $0x680, s24  }
0x98: {  	[spmem:s2] =	stream.indirect.scatter.add.f32 [tilespmem:s15], [sflag:$0x1], $0x1, s25, s14, $0xb8;
	[tilespmem:$0x5B00] =	vst v63  }
0x99: {  	s25 =	sadd.s32 $0x780, s24  }
0x9a: {  	[spmem:s2] =	stream.indirect.scatter.add.f32 [tilespmem:s15], [sflag:$0x1], $0x1, s25, s14, $0xb8;
	[tilespmem:$0x5B00] =	vst v63  }
0x9b: {  	s25 =	sadd.s32 $0x880, s24  }
0x9c: {  	[spmem:s2] =	stream.indirect.scatter.add.f32 [tilespmem:s15], [sflag:$0x1], $0x1, s25, s14, $0xb8;
	[tilespmem:$0x5B00] =	vst v63  }
0x9d: {  	s25 =	sadd.s32 $0x980, s24  }
0x9e: {  	[spmem:s2] =	stream.indirect.scatter.add.f32 [tilespmem:s15], [sflag:$0x1], $0x1, s25, s14, $0xb8;
	[tilespmem:$0x5B00] =	vst v63  }
0x9f: {  	s25 =	sadd.s32 $0xA80, s24  }
0xa0: {  	[spmem:s2] =	stream.indirect.scatter.add.f32 [tilespmem:s15], [sflag:$0x1], $0x1, s25, s14, $0xb8;
	[tilespmem:$0x5B00] =	vst v63  }
0xa1: {  	s25 =	sadd.s32 $0xB80, s24  }
0xa2: {  	[spmem:s2] =	stream.indirect.scatter.add.f32 [tilespmem:s15], [sflag:$0x1], $0x1, s25, s14, $0xb8;
	[tilespmem:$0x5B00] =	vst v63  }
0xa3: {  	s25 =	sadd.s32 $0xC80, s24  }
0xa4: {  	[spmem:s2] =	stream.indirect.scatter.add.f32 [tilespmem:s15], [sflag:$0x1], $0x1, s25, s14, $0xb8;
	[tilespmem:$0x5B00] =	vst v63  }
0xa5: {  	s25 =	sadd.s32 $0xD80, s24  }
0xa6: {  	[spmem:s2] =	stream.indirect.scatter.add.f32 [tilespmem:s15], [sflag:$0x1], $0x1, s25, s14, $0xb8;
	[tilespmem:$0x5B00] =	vst v63  }
0xa7: {  	s25 =	sadd.s32 $0xE80, s24  }
0xa8: {  	[spmem:s2] =	stream.indirect.scatter.add.f32 [tilespmem:s15], [sflag:$0x1], $0x1, s25, s14, $0xb8;
	[tilespmem:$0x5B00] =	vst v63  }
0xa9: {  	s24 =	sadd.s32 $0xF80, s24  }
0xaa: {  	[spmem:s2] =	stream.indirect.scatter.add.f32 [tilespmem:s15], [sflag:$0x1], $0x1, s24, s14, $0xb8;
	[tilespmem:$0x5B00] =	vst v63  }
0xab: {  	_ =	swait.ge [sflag:s16], $0x80  }
0xac: {  	[sflag:s16] =	ssyncset.done $0x0  }
0xad: {  	[sflag:s16] =	ssyncadd.s32 $0xFFFFFF80  }
0xae: {  	_ =	swait.ge [sflag:s16], $0x80  }
0xaf: {  	[sflag:s16] =	ssyncset.done $0x0  }
0xb0: {  	[sflag:s16] =	ssyncadd.s32 $0xFFFFFF80  }
0xb1: {  	_ =	swait.ge [sflag:s16], $0x80  }
0xb2: {  	[sflag:s16] =	ssyncset.done $0x0  }
0xb3: {  	[sflag:s16] =	ssyncadd.s32 $0xFFFFFF80  }
0xb4: {  	_ =	swait.ge [sflag:s16], $0x80  }
0xb5: {  	[sflag:s16] =	ssyncset.done $0x0  }
0xb6: {  	[sflag:s16] =	ssyncadd.s32 $0xFFFFFF80  }
0xb7: {  	_ =	swait.ge [sflag:s16], $0x80  }
0xb8: {  	[sflag:s16] =	ssyncset.done $0x0  }
0xb9: {  	[sflag:s16] =	ssyncadd.s32 $0xFFFFFF80  }
0xba: {  	_ =	swait.ge [sflag:s16], $0x80  }
0xbb: {  	[sflag:s16] =	ssyncset.done $0x0  }
0xbc: {  	[sflag:s16] =	ssyncadd.s32 $0xFFFFFF80  }
0xbd: {  	_ =	swait.ge [sflag:s16], $0x80  }
0xbe: {  	[sflag:s16] =	ssyncset.done $0x0  }
0xbf: {  	[sflag:s16] =	ssyncadd.s32 $0xFFFFFF80  }
0xc0: {  	_ =	swait.ge [sflag:s16], $0x80  }
0xc1: {  	[sflag:s16] =	ssyncset.done $0x0  }
0xc2: {  	[sflag:s16] =	ssyncadd.s32 $0xFFFFFF80  }
0xc3: {  	_ =	swait.ge [sflag:s16], $0x80  }
0xc4: {  	[sflag:s16] =	ssyncset.done $0x0  }
0xc5: {  	[sflag:s16] =	ssyncadd.s32 $0xFFFFFF80  }
0xc6: {  	_ =	swait.ge [sflag:s16], $0x80  }
0xc7: {  	[sflag:s16] =	ssyncset.done $0x0  }
0xc8: {  	[sflag:s16] =	ssyncadd.s32 $0xFFFFFF80  }
0xc9: {  	_ =	swait.ge [sflag:s16], $0x80  }
0xca: {  	[sflag:s16] =	ssyncset.done $0x0  }
0xcb: {  	[sflag:s16] =	ssyncadd.s32 $0xFFFFFF80  }
0xcc: {  	_ =	swait.ge [sflag:s16], $0x80  }
0xcd: {  	[sflag:s16] =	ssyncset.done $0x0  }
0xce: {  	[sflag:s16] =	ssyncadd.s32 $0xFFFFFF80  }
0xcf: {  	_ =	swait.ge [sflag:s16], $0x80  }
0xd0: {  	[sflag:s16] =	ssyncset.done $0x0  }
0xd1: {  	[sflag:s16] =	ssyncadd.s32 $0xFFFFFF80  }
0xd2: {  	_ =	swait.ge [sflag:s16], $0x80  }
0xd3: {  	[sflag:s16] =	ssyncset.done $0x0  }
0xd4: {  	[sflag:s16] =	ssyncadd.s32 $0xFFFFFF80  }
.Ltmp1:
0xd5: {  	_ =	swait.ge [sflag:s16], $0x80;
	(pc) =	sbr.rel @p0 .LBB2_4-.Ltmp1, $4  }
0xd6: {  	[sflag:s16] =	ssyncset.done $0x0  }
0xd7: {  	[sflag:s16] =	ssyncadd.s32 $0xFFFFFF80  }
0xd8: {  	_ =	swait.ge [sflag:s16], $0x80  }
0xd9: {  	s25 =	smov.u32 s22;
	s24 =	sshra.s32 s23, $0x2;
	[sflag:s16] =	ssyncset.done $0x0  }
0xda: {  	s22 =	sadd.s32 $0x80, s24;
	[sflag:s16] =	ssyncadd.s32 $0xFFFFFF80  }
0xdb: {  	[spmem:s2] =	stream.indirect.scatter.add.f32 [tilespmem:s15], [sflag:$0x1], $0x1, s22, s14, $0xb8;
	[tilespmem:$0x5B00] =	vst v63  }
0xdc: {  	s31 =	sadd.s32 $0x180, s24  }
0xdd: {  	[spmem:s2] =	stream.indirect.scatter.add.f32 [tilespmem:s15], [sflag:$0x1], $0x1, s31, s14, $0xb8;
	[tilespmem:$0x5B00] =	vst v63  }
0xde: {  	s23 =	sadd.s32 $0x280, s24  }
0xdf: {  	[spmem:s2] =	stream.indirect.scatter.add.f32 [tilespmem:s15], [sflag:$0x1], $0x1, s23, s14, $0xb8;
	[tilespmem:$0x5B00] =	vst v63  }
0xe0: {  	s25 =	sadd.s32 $0x380, s24  }
0xe1: {  	[spmem:s2] =	stream.indirect.scatter.add.f32 [tilespmem:s15], [sflag:$0x1], $0x1, s25, s14, $0xb8;
	[tilespmem:$0x5B00] =	vst v63  }
0xe2: {  	s26 =	sadd.s32 $0x480, s24  }
0xe3: {  	[spmem:s2] =	stream.indirect.scatter.add.f32 [tilespmem:s15], [sflag:$0x1], $0x1, s26, s14, $0xb8;
	[tilespmem:$0x5B00] =	vst v63  }
0xe4: {  	s28 =	sadd.s32 $0x580, s24  }
0xe5: {  	[spmem:s2] =	stream.indirect.scatter.add.f32 [tilespmem:s15], [sflag:$0x1], $0x1, s28, s14, $0xb8;
	[tilespmem:$0x5B00] =	vst v63  }
0xe6: {  	s29 =	sadd.s32 $0x680, s24  }
0xe7: {  	[spmem:s2] =	stream.indirect.scatter.add.f32 [tilespmem:s15], [sflag:$0x1], $0x1, s29, s14, $0xb8;
	[tilespmem:$0x5B00] =	vst v63  }
0xe8: {  	s30 =	sadd.s32 $0x780, s24  }
0xe9: {  	[spmem:s2] =	stream.indirect.scatter.add.f32 [tilespmem:s15], [sflag:$0x1], $0x1, s30, s14, $0xb8;
	[tilespmem:$0x5B00] =	vst v63  }
0xea: {  	s31 =	sadd.s32 $0x880, s24  }
0xeb: {  	[spmem:s2] =	stream.indirect.scatter.add.f32 [tilespmem:s15], [sflag:$0x1], $0x1, s31, s14, $0xb8;
	[tilespmem:$0x5B00] =	vst v63  }
0xec: {  	s23 =	sadd.s32 $0x980, s24  }
0xed: {  	[spmem:s2] =	stream.indirect.scatter.add.f32 [tilespmem:s15], [sflag:$0x1], $0x1, s23, s14, $0xb8;
	[tilespmem:$0x5B00] =	vst v63  }
0xee: {  	s25 =	sadd.s32 $0xA80, s24  }
0xef: {  	[spmem:s2] =	stream.indirect.scatter.add.f32 [tilespmem:s15], [sflag:$0x1], $0x1, s25, s14, $0xb8;
	[tilespmem:$0x5B00] =	vst v63  }
0xf0: {  	s26 =	sadd.s32 $0xB80, s24  }
0xf1: {  	[spmem:s2] =	stream.indirect.scatter.add.f32 [tilespmem:s15], [sflag:$0x1], $0x1, s26, s14, $0xb8;
	[tilespmem:$0x5B00] =	vst v63  }
0xf2: {  	s28 =	sadd.s32 $0xC80, s24  }
0xf3: {  	[spmem:s2] =	stream.indirect.scatter.add.f32 [tilespmem:s15], [sflag:$0x1], $0x1, s28, s14, $0xb8;
	[tilespmem:$0x5B00] =	vst v63  }
0xf4: {  	s29 =	sadd.s32 $0xD80, s24  }
0xf5: {  	[spmem:s2] =	stream.indirect.scatter.add.f32 [tilespmem:s15], [sflag:$0x1], $0x1, s29, s14, $0xb8;
	[tilespmem:$0x5B00] =	vst v63  }
0xf6: {  	s30 =	sadd.s32 $0xE80, s24  }
0xf7: {  	[spmem:s2] =	stream.indirect.scatter.add.f32 [tilespmem:s15], [sflag:$0x1], $0x1, s30, s14, $0xb8;
	[tilespmem:$0x5B00] =	vst v63  }
0xf8: {  	s31 =	sadd.s32 $0xF80, s24  }
0xf9: {  	[spmem:s2] =	stream.indirect.scatter.add.f32 [tilespmem:s15], [sflag:$0x1], $0x1, s31, s14, $0xb8;
	[tilespmem:$0x5B00] =	vst v63  }
0xfa: {  	_ =	swait.ge [sflag:s16], $0x80  }
0xfb: {  	[sflag:s16] =	ssyncset.done $0x0  }
0xfc: {  	[sflag:s16] =	ssyncadd.s32 $0xFFFFFF80  }
0xfd: {  	_ =	swait.ge [sflag:s16], $0x80  }
0xfe: {  	[sflag:s16] =	ssyncset.done $0x0  }
0xff: {  	[sflag:s16] =	ssyncadd.s32 $0xFFFFFF80  }
0x100: {  	_ =	swait.ge [sflag:s16], $0x80  }
0x101: {  	[sflag:s16] =	ssyncset.done $0x0  }
0x102: {  	[sflag:s16] =	ssyncadd.s32 $0xFFFFFF80  }
0x103: {  	_ =	swait.ge [sflag:s16], $0x80  }
0x104: {  	[sflag:s16] =	ssyncset.done $0x0  }
0x105: {  	[sflag:s16] =	ssyncadd.s32 $0xFFFFFF80  }
0x106: {  	_ =	swait.ge [sflag:s16], $0x80  }
0x107: {  	[sflag:s16] =	ssyncset.done $0x0  }
0x108: {  	[sflag:s16] =	ssyncadd.s32 $0xFFFFFF80  }
0x109: {  	_ =	swait.ge [sflag:s16], $0x80  }
0x10a: {  	[sflag:s16] =	ssyncset.done $0x0  }
0x10b: {  	[sflag:s16] =	ssyncadd.s32 $0xFFFFFF80  }
0x10c: {  	_ =	swait.ge [sflag:s16], $0x80  }
0x10d: {  	[sflag:s16] =	ssyncset.done $0x0  }
0x10e: {  	[sflag:s16] =	ssyncadd.s32 $0xFFFFFF80  }
0x10f: {  	_ =	swait.ge [sflag:s16], $0x80  }
0x110: {  	[sflag:s16] =	ssyncset.done $0x0  }
0x111: {  	[sflag:s16] =	ssyncadd.s32 $0xFFFFFF80  }
0x112: {  	_ =	swait.ge [sflag:s16], $0x80  }
0x113: {  	[sflag:s16] =	ssyncset.done $0x0  }
0x114: {  	[sflag:s16] =	ssyncadd.s32 $0xFFFFFF80  }
0x115: {  	_ =	swait.ge [sflag:s16], $0x80  }
0x116: {  	[sflag:s16] =	ssyncset.done $0x0  }
0x117: {  	[sflag:s16] =	ssyncadd.s32 $0xFFFFFF80  }
0x118: {  	_ =	swait.ge [sflag:s16], $0x80  }
0x119: {  	[sflag:s16] =	ssyncset.done $0x0  }
0x11a: {  	[sflag:s16] =	ssyncadd.s32 $0xFFFFFF80  }
0x11b: {  	_ =	swait.ge [sflag:s16], $0x80  }
0x11c: {  	[sflag:s16] =	ssyncset.done $0x0  }
0x11d: {  	[sflag:s16] =	ssyncadd.s32 $0xFFFFFF80  }
0x11e: {  	_ =	swait.ge [sflag:s16], $0x80  }
0x11f: {  	[sflag:s16] =	ssyncset.done $0x0  }
0x120: {  	[sflag:s16] =	ssyncadd.s32 $0xFFFFFF80  }
0x121: {  	_ =	swait.ge [sflag:s16], $0x80  }
0x122: {  	[sflag:s16] =	ssyncset.done $0x0  }
0x123: {  	[sflag:s16] =	ssyncadd.s32 $0xFFFFFF80  }
0x124: {  	_ =	swait.ge [sflag:s16], $0x80  }
0x125: {  	[sflag:s16] =	ssyncset.done $0x0  }
0x126: {  	[sflag:s16] =	ssyncadd.s32 $0xFFFFFF80  }
0x127: {  	_ =	swait.ge [sflag:s16], $0x80  }
0x128: {  	s21 =	sadd.s32 $0x1, s21;
	[sflag:s16] =	ssyncset.done $0x0  }
0x129: {  	p0 =	sne.s32 s21, s7;
	[sflag:s16] =	ssyncadd.s32 $0xFFFFFF80  }
.Ltmp2:
0x12a: {  	[bflag:$0x0] =	sbarrier.arrive $0xFFFF;
	(pc) =	sbr.rel @p0 .LBB2_1-.Ltmp2, $4  }
0x12b: {  	[hbm:s5@s19], [sflag:s17] =	dma.strided [spmem:s18@s20], $0x50, s16, $0x10   }
0x12c: {  	_ =	swait.ge [sflag:s13], $0x50  }
0x12d: {  	[sflag:s13] =	ssyncset.done $0x0  }
0x12e: {  	[sflag:s13] =	ssyncadd.s32 $0xFFFFFFB0  }
0x12f: {  	_ =	sfence.sel $0x180000  }
0x130: {  	[bflag:$0x0] =	sbarrier.arrive $0xFFFF  }
0x131: {  	p0 =	sne.s32 s1, $0x0;
	_ =	strace $0x90000047  }
0x132: {  	s0 =	sadd.s32 @!p0 $0x100000, s0;
	[bflag:$0x2] =	sbarrier.arrive $0xFFFF  }
0x133: {  	[sflag:s0] =	ssyncadd.tile.s32 @!p0 $0x1;
	_ =	shalt  }
.Lfunc_end2:
_tile_overlayer_lowered:
.L_overlay_start_2:
0x134: {  	(tag) =	ssettag $0x2  }
0x135: {  	s0 =	rddreg [dreg:$0x0];
	s2 =	stileid.u32  }
0x136: {  	s1 =	rddreg [dreg:$0x1];
	p0 =	sne.s32 s2, $0x0  }
0x137: {  	s3 =	rddreg [dreg:$0x2];
	[bflag:$0x3] =	sbarrier.arrive $0xFFFF;
	s2 =	simm.s32 @!p0 $0x1C02  }
0x138: {  	[timem:s3], [sflag:s2] =	dma.local @!p0 [hbm:s0], s1  }
0x139: {  	s0 =	simm.s32 @!p0 $0x2  }
0x13a: {  	_ =	swait.ge @!p0 [sflag:s0], s1  }
0x13b: {  	s1 =	ssub.s32 @!p0 $0x0, s1;
	[sflag:s0] =	ssyncset.done @!p0 $0x0  }
0x13c: {  	[sflag:s0] =	ssyncadd.s32 @!p0 s1  }
0x13d: {  	[bflag:$0x3] =	sbarrier.arrive $0xFFFF  }
0x13e: {  	_ =	shalt  }

// kernel: kernel.9.cloned.1.call-start
scs
__scs_entry_jumppad:
0x0: {  	(pc) =	sbr.rel $0x88, $3  }
0x1: {  	(tag) =	ssettag $0x0;
	lr =	simm.s32 $0x1  }
0x2: {  	[smem:$0x3F9B] =	sst lr;
	_ =	strace $0xD0000000  }
0x3: {  	_ = 	snop  }
0x4: {  	_ = 	snop  }
0x5: {  	_ = 	snop  }
0x6: {  	_ = 	snop  }
0x7: {  	_ = 	snop  }
__scs_overlays_trampoline_lowered:
0x8: {  	[smem:$0x3FAA] =	sst s0  }
0x9: {  	[smem:$0x3FAB] =	sst s1  }
0xa: {  	[smem:$0x3FAC] =	sst s2  }
0xb: {  	[smem:$0x3FAD] =	sst s3  }
0xc: {  	[smem:$0x3FAE] =	sst s4  }
0xd: {  	[smem:$0x3FAF] =	sst s5  }
0xe: {  	[smem:$0x3FB0] =	sst s6  }
0xf: {  	[smem:$0x3FB1] =	sst s7  }
0x10: {  	[smem:$0x3FB2] =	sst s8  }
0x11: {  	[smem:$0x3FB3] =	sst s9;
	s0 =	simm.s32 @!p0 $0x0  }
0x12: {  	s1 =	sld [smem:$0x3F99];
	s0 =	simm.s32 @p0 $0x1  }
0x13: {  	[smem:$0x3FB4] =	sst s0;
	s0 =	simm.s32 @!p1 $0x0  }
0x14: {  	s2 =	sld [smem:$0x3F98];
	s0 =	simm.s32 @p1 $0x1  }
0x15: {  	[smem:$0x3FB5] =	sst s0;
	s0 =	simm.s32 @!p2 $0x0  }
0x16: {  	s3 =	sld [smem:$0x3FDB];
	s0 =	simm.s32 @p2 $0x1  }
0x17: {  	s4 =	simm.s32 $0x1BF5;
	[smem:$0x3FB7] =	sst s0  }
0x18: {  	s0 =	sld [smem:$0x3F9A];
	_ =	swait.ge [sflag:s4], $0x0  }
0x19: {  	s7 =	sld [smem:$0x3F9B]  }
0x1a: {  	s8 =	sadd.s32 $0xFFFFE003, lr  }
0x1b: {  	s9 =	sadd.s32 $0xFFFFFEF7, lr;
	s5 =	simm.s32 $0xFFFFFFFF;
	p2 =	slt.u32 s8, $0xFFFFF086  }
0x1c: {  	p1 =	slt.u32 s9, $0xF7A;
	s5 =	simm.s32 @!p2 $0x0  }
0x1d: {  	s5 =	simm.s32 @p1 $0x1;
	p0 =	seq.s32 s7, s2  }
0x1e: {  	s7 =	smul.u32 @!p0 $0xF7A, s2;
	p2 =	seq.s32 @!p0 s5, $0x0  }
0x1f: {  	s9 =	smul.u32 $0xF7A, s1;
	s8 =	simm.s32 @!p0 $0x1BF5;
	p2 =	por !p2, p0  }
0x20: {  	[sflag:s8] =	ssyncset.s32 @!p0 $0xFFFFF086;
	s6 =	sadd.s32 @!p0 s3, s7;
	s7 =	simm.s32 @!p0 $0x108  }
0x21: {  	s3 =	sadd.s32 s3, s9;
	s6 =	sadd.s32 @!p0 $0x88, s6;
	s7 =	simm.s32 @p2 $0x1082  }
0x22: {  	[simem:s7], [sflag:s8] =	dma.local @!p0 [hbm:s6], $0xF7A  }
0x23: {  	s9 =	sor.u32 $0xD0000000, s2;
	s6 =	simm.s32 $0x108;
	_ =	swait.ge @!p0 [sflag:s8], $0x0  }
0x24: {  	s3 =	sadd.s32 $0x88, s3;
	s6 =	simm.s32 @!p1 $0x1082;
	[sflag:s4] =	ssyncset.s32 $0xFFFFF086  }
0x25: {  	[simem:s6], [sflag:s4] =	dma.local [hbm:s3], $0xF7A  }
0x26: {  	[smem:$0x3F9B] =	sst s1;
	(tag) =	ssettag s2;
	_ =	strace s9  }
0x27: {  	s1 =	sld [smem:$0x3FAB]  }
0x28: {  	s2 =	sld [smem:$0x3FAC]  }
0x29: {  	s4 =	sld [smem:$0x3FAE]  }
0x2a: {  	p0 =	seq.s32 s5, $0x0;
	s5 =	sld [smem:$0x3FAF]  }
0x2b: {  	s6 =	sld [smem:$0x3FB0]  }
0x2c: {  	s7 =	sld [smem:$0x3FB1]  }
0x2d: {  	s3 =	simm.s32 $0x108;
	s8 =	sld [smem:$0x3FB2]  }
0x2e: {  	s3 =	simm.s32 @!p0 $0x1082;
	s9 =	sld [smem:$0x3FB3]  }
0x2f: {  	lr =	sadd.s32 s0, s3;
	s0 =	sld [smem:$0x3FAA]  }
0x30: {  	s3 =	sld [smem:$0x3FAD]  }
0x31: {  	[smem:$0x3FB6] =	sst s10  }
0x32: {  	s10 =	sld [smem:$0x3FB4];
	_ =	sdelay $0x3  }
0x33: {  	p0 =	seq.s32 s10, $0x1;
	s10 =	sld [smem:$0x3FB6];
	_ =	sdelay $0x3  }
0x34: {  	[smem:$0x3FB6] =	sst s10  }
0x35: {  	s10 =	sld [smem:$0x3FB5];
	_ =	sdelay $0x3  }
0x36: {  	p1 =	seq.s32 s10, $0x1;
	s10 =	sld [smem:$0x3FB6];
	_ =	sdelay $0x3  }
0x37: {  	[smem:$0x3FB6] =	sst s10  }
0x38: {  	s10 =	sld [smem:$0x3FB7]  }
0x39: {  	_ = 	snop;
	(pc) =	sbr.ind lr, $3  }
0x3a: {  	_ = 	snop  }
0x3b: {  	_ = 	snop  }
0x3c: {  	p2 =	seq.s32 s10, $0x1;
	s10 =	sld [smem:$0x3FB6]  }
0x3d: {  	_ =	shalt  }
0x3e: {  	_ =	shalt  }
0x3f: {  	_ =	shalt  }
0x40: {  	_ =	shalt  }
0x41: {  	_ =	shalt  }
0x42: {  	_ =	shalt  }
0x43: {  	_ =	shalt  }
0x44: {  	_ =	shalt  }
0x45: {  	_ =	shalt  }
0x46: {  	_ =	shalt  }
0x47: {  	_ =	shalt  }
0x48: {  	_ =	shalt  }
0x49: {  	_ =	shalt  }
0x4a: {  	_ =	shalt  }
0x4b: {  	_ =	shalt  }
0x4c: {  	_ =	shalt  }
0x4d: {  	_ =	shalt  }
0x4e: {  	_ =	shalt  }
0x4f: {  	_ =	shalt  }
0x50: {  	_ =	shalt  }
0x51: {  	_ =	shalt  }
0x52: {  	_ =	shalt  }
0x53: {  	_ =	shalt  }
0x54: {  	_ =	shalt  }
0x55: {  	_ =	shalt  }
0x56: {  	_ =	shalt  }
0x57: {  	_ =	shalt  }
0x58: {  	_ =	shalt  }
0x59: {  	_ =	shalt  }
0x5a: {  	_ =	shalt  }
0x5b: {  	_ =	shalt  }
0x5c: {  	_ =	shalt  }
0x5d: {  	_ =	shalt  }
0x5e: {  	_ =	shalt  }
0x5f: {  	_ =	shalt  }
0x60: {  	_ =	shalt  }
0x61: {  	_ =	shalt  }
0x62: {  	_ =	shalt  }
0x63: {  	_ =	shalt  }
0x64: {  	_ =	shalt  }
0x65: {  	_ =	shalt  }
0x66: {  	_ =	shalt  }
0x67: {  	_ =	shalt  }
0x68: {  	_ =	shalt  }
0x69: {  	_ =	shalt  }
0x6a: {  	_ =	shalt  }
0x6b: {  	_ =	shalt  }
0x6c: {  	_ =	shalt  }
0x6d: {  	_ =	shalt  }
0x6e: {  	_ =	shalt  }
0x6f: {  	_ =	shalt  }
0x70: {  	_ =	shalt  }
0x71: {  	_ =	shalt  }
0x72: {  	_ =	shalt  }
0x73: {  	_ =	shalt  }
0x74: {  	_ =	shalt  }
0x75: {  	_ =	shalt  }
0x76: {  	_ =	shalt  }
0x77: {  	_ =	shalt  }
0x78: {  	_ =	shalt  }
0x79: {  	_ =	shalt  }
0x7a: {  	_ =	shalt  }
0x7b: {  	_ =	shalt  }
0x7c: {  	_ =	shalt  }
0x7d: {  	_ =	shalt  }
0x7e: {  	_ =	shalt  }
0x7f: {  	_ =	shalt  }
0x80: {  	_ =	shalt  }
0x81: {  	_ =	shalt  }
0x82: {  	_ =	shalt  }
0x83: {  	_ =	shalt  }
0x84: {  	_ =	shalt  }
0x85: {  	_ =	shalt  }
0x86: {  	_ =	shalt  }
0x87: {  	_ =	shalt  }
.Lfunc_end0:
.L_simem_size_0:
called_computation.1_lowered:
.L_overlay_start_0:
0x88: {  	s2 =	sld [smem:$0x3FD9]  }
0x89: {  	s3 =	sld [smem:$0x3FFE];
	_ =	sdelay $0x1  }
0x8a: {  	s1 =	srdreg.scid  }
0x8b: {  	s0 =	sand.u32 $0x1, s1  }
0x8c: {  	s16 =	sshll.u32 s0, $0xA;
	s2 =	sadd.s32 s3, s2  }
0x8d: {  	s2 =	sadd.s32 s2, s16  }
0x8e: {  	[smem:$0x3FC2] =	sst s2  }
0x8f: {  	_ = 	snop  }
0x90: {  	(tm) =	ssettm $0x1  }
0x91: {  	s17 =	sld [smem:$0x3FFB];
	_ =	sdelay $0x3  }
0x92: {  	_ =	strace s17  }
0x93: {  	s2 =	sld [smem:$0x3FFC];
	_ =	sdelay $0x3  }
0x94: {  	_ =	strace s2  }
0x95: {  	s2 =	sld [smem:$0x3FFD];
	_ =	sdelay $0x3  }
0x96: {  	_ =	strace s2  }
0x97: {  	_ =	strace $0x8FFFFFFF  }
0x98: {  	s18 =	sld [smem:$0x3FDB];
	_ =	sdelay $0x1  }
0x99: {  	s19 =	simm.s32 $_scs_section_size  }
0x9a: {  	s4 =	simm.s32 $_size__tile_overlayer_lowered;
	s5 =	simm.s32 $_tile_overlayer_lowered  }
0x9b: {  	s22 =	simm.s32 $0x1BFF;
	s21 =	sshll.u32 s5, $0x1;
	s2 =	sadd.s32 s19, s18  }
0x9c: {  	s6 =	simm.s32 $0x0;
	s20 =	sshll.u32 s4, $0x1;
	s4 =	sadd.s32 s21, s2  }
0x9d: {  	[timem:s6], [sflag:s22] =	dma.local [hbm:s4], s20  }
0x9e: {  	_ =	swait.ge [sflag:s22], s20  }
0x9f: {  	s3 =	ssub.s32 $0x0, s20;
	[sflag:s22] =	ssyncset.done $0x0  }
0xa0: {  	[sflag:s22] =	ssyncadd.s32 s3;
	_ =	sdelay $0x1  }
0xa1: {  	s23 =	simm.s32 $0x1B8B  }
0xa2: {  	_ =	swait.ge [sflag:s23], $0x1  }
0xa3: {  	[sflag:s23] =	ssyncset.done $0x0  }
0xa4: {  	s25 =	simm.s32 $0x1B8E;
	s24 =	sld [smem:$0x3FFE];
	[sflag:s23] =	ssyncadd.s32 $0xFFFFFFFF  }
0xa5: {  	s26 =	simm.s32 $execute0_lowered;
	[smem:$0x3FD2] =	sst s25  }
0xa6: {  	s4 =	sshll.u32 s26, $0x1;
	_ =	strace $0x80000049;
	[dreg:$0x1] =	wrdreg $0xFFFFFFFF  }
0xa7: {  	s28 =	simm.s32 $_size_execute0_lowered;
	s2 =	sadd.s32 s2, s4;
	[dreg:$0x0] =	wrdreg $0x0  }
0xa8: {  	s4 =	sshll.u32 s28, $0x1;
	[dreg:$0x2] =	wrdreg s2  }
0xa9: {  	[dreg:$0x3] =	wrdreg s4  }
0xaa: {  	[dreg:$0x4] =	wrdreg $0xC0  }
0xab: {  	_ =	task [dreg:s6], $0x5FFFF  }
0xac: {  	[dreg:$0x1] =	wrdreg $0xFFFFFFFF  }
0xad: {  	[dreg:$0x0] =	wrdreg $0x60  }
0xae: {  	[dreg:$0x2] =	wrdreg s24  }
0xaf: {  	[dreg:$0x3] =	wrdreg $0x8D000  }
0xb0: {  	[dreg:$0x4] =	wrdreg $0x1CD000  }
0xb1: {  	[dreg:$0x5] =	wrdreg $0x1CF800  }
0xb2: {  	[dreg:$0x6] =	wrdreg $0x9  }
0xb3: {  	_ =	task.clear_ibuf [dreg:s6], $0x7FFFF;
	_ =	strace $0x90000049  }
0xb4: {  	s29 =	simm.s32 $0x9;
	_ =	strace $0x8000004B  }
0xb5: {  	_ =	swait.ge [sflag:s29], $0x1  }
0xb6: {  	[sflag:s29] =	ssyncadd.s32 $0xFFFFFFFF  }
0xb7: {  	_ =	strace $0x9000004B  }
0xb8: {  	_ =	sfence  }
0xb9: {  	s30 =	sld [smem:$0x0];
	_ =	sdelay $0x2  }
0xba: {  	s31 =	sshll.u32 s1, $0xD;
	s1 =	sshrl.u32 s1, $0x2  }
0xbb: {  	s3 =	sand.u32 $0x4000, s31;
	s1 =	sadd.s32 s1, s30  }
0xbc: {  	s0 =	sor.u32 s3, s0;
	s1 =	sshll.u32 s1, $0x11  }
0xbd: {  	s0 =	sor.u32 s1, s0  }
0xbe: {  	s0 =	sadd.s32 $0x8F2B, s0  }
0xbf: {  	[sflag:s0] =	ssyncadd.remote.s32 $0x1  }
0xc0: {  	_ =	sfence.sel $0xFFFF  }
0xc1: {  	[dreg:$0x0] =	wrdreg $0xFFFFFFFF;
	(pc) =	sbr.abs _section_cstart, $3  }
0xc2: {  	[dreg:$0x1] =	wrdreg $0xFFFFFFFF  }
0xc3: {  	_ =	task.clear_ibuf [dreg:s6], $0x2FFFF;
	_ =	strace $0x9FFFFFFF  }
0xc4: {  	(tm) =	ssettm $0x7FFFFFFF  }
0xc5: {  	_ =	shalt  }
tec
execute0_lowered:
.L_overlay_start_1:
0x0: {  	(tag) =	ssettag $0x1  }
0x1: {  	s0 =	rddreg [dreg:$0x0]  }
0x2: {  	s1 =	rddreg [dreg:$0x1]  }
0x3: {  	s2 =	rddreg [dreg:$0x2]  }
0x4: {  	s3 =	rddreg [dreg:$0x3];
	s4 =	srdreg.scid;
	s5 =	simm.s32 $0x0  }
0x5: {  	s13 =	stileid.u32;
	s28 =	simm.s32 $0x80;
	s29 =	simm.s32 $0x4400  }
0x6: {  	s30 =	simm.s32 $0x8480;
	s31 =	simm.s32 $0x400;
	s8 =	smul.u32 $0x14000, s13  }
0x7: {  	s4 =	sand.u32 $0x1, s4;
	[smem:$0x7FF] =	sst s5;
	s20 =	smul.u32 $0x500, s13  }
0x8: {  	s10 =	sadd.s32 $0x1400, s0;
	s6 =	sadd.s32 $0x15400, s0;
	s12 =	smul.u32 $0x50000, s13  }
0x9: {  	s9 =	sadd.s32 $0x3D400, s0;
	s25 =	smul.u32 $0xA00, s13;
	p0 =	seq.s32 s13, $0x0  }
0xa: {  	s7 =	smul.u32 $0x140000, s4;
	_ =	strace $0x8000004A;
	[dreg:$0x5] =	wrdreg s9  }
0xb: {  	s21 =	sshll.u32 s4, $0x7;
	s11 =	sshll.u32 s4, $0x4;
	s23 =	ssub.s32 $0x2, s4  }
0xc: {  	s4 =	smul.u32 $0x50000, s4;
	s22 =	sor.u32 s13, s11;
	s24 =	sshrl.u32 s23, $0x1  }
0xd: {  	s12 =	sshrl.u32 s12, $0x2;
	s15 =	sshrl.u32 s25, $0x2;
	s11 =	simm.s32 $0x200  }
0xe: {  	s7 =	sadd.s32 s8, s7;
	s8 =	sor.u32 s21, s20;
	s9 =	smul.u32 $0x5000, s22  }
0xf: {  	s16 =	sadd.s32 s15, s2;
	s15 =	simm.s32 $0x6;
	s7 =	sshrl.u32 s7, $0x3  }
0x10: {  	s8 =	sshrl.u32 s8, $0x3;
	s19 =	sadd.s32 $0x80, s16;
	[dreg:$0xa] =	wrdreg s16  }
0x11: {  	s20 =	sadd.s32 $0x100, s16;
	s22 =	sadd.s32 $0x180, s16;
	[dreg:$0xc] =	wrdreg s19  }
0x12: {  	s7 =	sadd.s32 s7, s0;
	s0 =	sadd.s32 s8, s0;
	[dreg:$0xd] =	wrdreg s20  }
0x13: {  	s8 =	ssub.s32 s23, s24;
	s9 =	sshrl.u32 s9, $0x3;
	[dreg:$0xe] =	wrdreg s22  }
0x14: {  	s19 =	simm.s32 $0x4;
	s20 =	simm.s32 $0x0;
	s14 =	sadd.s32 s10, s9  }
0x15: {  	s9 =	sadd.s32 s12, s1;
	s7 =	sadd.s32 $0x3E400, s7;
	[dreg:$0x6] =	wrdreg s14  }
0x16: {  	s0 =	sadd.s32 $0x3DA00, s0;
	s17 =	smax.u32 s8, $0x1;
	[dreg:$0x8] =	wrdreg s7  }
0x17: {  	s12 =	simm.s32 $0x2;
	s8 =	simm.s32 $0x9;
	[dreg:$0x9] =	wrdreg s0  }
0x18: {  	s26 =	sadd.s32 $0x20, s14;
	s14 =	smul.u32 $0x5000, s13;
	[dreg:$0xb] =	wrdreg s17  }
0x19: {  	s7 =	sadd.s32 $0x200, s16;
	s16 =	simm.s32 $0x8;
	s17 =	simm.s32 $0xB  }
0x1a: {  	s13 =	simm.s32 $0x3;
	[dreg:$0x7] =	wrdreg s26;
	s18 =	sadd.s32 s14, s4  }
0x1b: {  	[dreg:$0xf] =	wrdreg s7;
	s21 =	sor.u32 $0x500, s18;
	s23 =	sor.u32 $0x400, s18  }
0x1c: {  	s24 =	sor.u32 $0x300, s18;
	s0 =	sor.u32 $0x200, s18;
	s18 =	simm.s32 $0x300  }
0x1d: {  	s4 =	sshrl.u32 s21, $0x3;
	s7 =	sshrl.u32 s24, $0x3;
	s0 =	sshrl.u32 s0, $0x3  }
0x1e: {  	s24 =	simm.s32 $0x5;
	s21 =	simm.s32 $0x1;
	s25 =	sadd.s32 s4, s10  }
.Ltmp0:
0x1f: {  	s4 =	sshrl.u32 s23, $0x3;
	s26 =	sadd.s32 s7, s10;
	(pc) =	sbr.rel .LBB2_1-.Ltmp0, $4  }
0x20: {  	s0 =	sadd.s32 s0, s10;
	s23 =	simm.s32 $0x8500;
	[dreg:$0x12] =	wrdreg s26  }
0x21: {  	s7 =	simm.s32 $0xA;
	s4 =	sadd.s32 s4, s10;
	[dreg:$0x13] =	wrdreg s0  }
0x22: {  	s26 =	simm.s32 $0x100;
	s0 =	simm.s32 $0x8400;
	[dreg:$0x10] =	wrdreg s25  }
0x23: {  	v0 =	vimm.f32 $0.0e+00;
	s10 =	simm.s32 $0xC;
	[dreg:$0x11] =	wrdreg s4;
	s4 =	simm.s32 $0x7  }
.LBB2_10:
0x24: {  	_ =	swait.ge [sflag:s7], $0x4000  }
0x25: {  	[sflag:s7] =	ssyncset.done $0x0  }
0x26: {  	[sflag:s7] =	ssyncadd.s32 $0xFFFFC000  }
0x27: {  	_ =	swait.ge [sflag:s10], $0x80  }
0x28: {  	s14 =	stileid.u32;
	[sflag:s10] =	ssyncset.done $0x0  }
0x29: {  	s14 =	sshll.u32 s14, $0x6;
	[sflag:s10] =	ssyncadd.s32 $0xFFFFFF80  }
0x2a: {  	s14 =	sor.u32 $0x1C0D, s14;
	[bflag:$0x0] =	sbarrier.arrive $0xFFFF  }
0x2b: {  	[dreg:$0x15] =	wrdreg s14  }
0x2c: {  	s20 =	sshrl.u32 s9, $0x3;
	s26 =	simm.s32 $0xD;
	s22 =	rddreg [dreg:$0x8]  }
0x2d: {  	[hbm:s22], [sflag:s14] =	dma.local [spmem:s20], $0x2800  }
0x2e: {  	_ =	swait.ge [sflag:s26], $0x2800  }
0x2f: {  	[sflag:s26] =	ssyncset.done $0x0;
	s11 =	rddreg [dreg:$0xa]  }
0x30: {  	s25 =	simm.s32 $0x20;
	s14 =	rddreg [dreg:$0x9];
	[sflag:s26] =	ssyncadd.s32 $0xFFFFD800  }
0x31: {  	s20 =	sshrl.u32 s11, $0x3;
	s26 =	simm.s32 $0x10;
	s11 =	rddreg [dreg:$0x15]  }
0x32: {  	[hbm:s14@s25], [sflag:s11] =	dma.strided [spmem:s20@s26], $0x50, s21, $0x10   }
0x33: {  	s25 =	simm.s32 $0xD  }
0x34: {  	_ =	swait.ge [sflag:s25], $0x50  }
0x35: {  	s22 =	rddreg [dreg:$0x14]  }
0x36: {  	[sflag:s25] =	ssyncset.done $0x0;
	s25 =	rddreg [dreg:$0xb];
	s20 =	sadd.s32 $0x1, s22  }
0x37: {  	p1 =	sne.s32 s20, s25  }
.Ltmp1:
0x38: {  	_ = 	snop;
	(pc) =	sbr.rel @!p1 .LBB2_11-.Ltmp1, $3  }
0x39: {  	_ =	sdelay $0x1  }
0x3a: {  	s22 =	simm.s32 $0xD  }
0x3b: {  	s11 =	simm.s32 $0x200;
	s26 =	simm.s32 $0x100;
	[sflag:s22] =	ssyncadd.s32 $0xFFFFFFB0  }
.LBB2_1:
0x3c: {  	[dreg:$0x14] =	wrdreg s20;
	s14 =	simm.s32 $0x0;
	s22 =	simm.s32 $0x0  }
.LBB2_2:
0x3d: {  	p1 =	seq.s32 s22, $0x1FC0  }
.Ltmp2:
0x3e: {  	_ = 	snop;
	(pc) =	sbr.rel @!p1 .LBB2_2-.Ltmp2, $4  }
0x3f: {  	s25 =	sand.u32 $0x1E00, s22  }
0x40: {  	s20 =	sand.u32 $0x70, s14;
	s25 =	sshrl.u32 s25, $0x2  }
0x41: {  	s20 =	sor.u32 s20, s25  }
0x42: {  	s14 =	sadd.s32 $0x10, s14;
	s22 =	sadd.s32 $0x40, s22;
	[tilespmem:s20+$0x8500] =	vst v0  }
0x43: {  	s14 =	sadd.s32 $0x0, s9  }
0x44: {  	[spmem:s14] =	stream.linear.scatter [tilespmem:s23], [sflag:$0x5], $0x800, $0x38;
	[tilespmem:$0x1D200] =	vst v63  }
0x45: {  	s20 =	sadd.s32 $0x800, s14  }
0x46: {  	[spmem:s20] =	stream.linear.scatter [tilespmem:s23], [sflag:$0x5], $0x800, $0x38;
	[tilespmem:$0x1D200] =	vst v63  }
0x47: {  	s25 =	sadd.s32 $0x1000, s14  }
0x48: {  	[spmem:s25] =	stream.linear.scatter [tilespmem:s23], [sflag:$0x5], $0x800, $0x38;
	[tilespmem:$0x1D200] =	vst v63  }
0x49: {  	s22 =	sadd.s32 $0x1800, s14  }
0x4a: {  	[spmem:s22] =	stream.linear.scatter [tilespmem:s23], [sflag:$0x5], $0x800, $0x38;
	[tilespmem:$0x1D200] =	vst v63  }
0x4b: {  	s25 =	sadd.s32 $0x2000, s14  }
0x4c: {  	[spmem:s25] =	stream.linear.scatter [tilespmem:s23], [sflag:$0x5], $0x800, $0x38;
	[tilespmem:$0x1D200] =	vst v63  }
0x4d: {  	s22 =	sadd.s32 $0x2800, s14  }
0x4e: {  	[spmem:s22] =	stream.linear.scatter [tilespmem:s23], [sflag:$0x5], $0x800, $0x38;
	[tilespmem:$0x1D200] =	vst v63  }
0x4f: {  	s25 =	sadd.s32 $0x3000, s14  }
0x50: {  	[spmem:s25] =	stream.linear.scatter [tilespmem:s23], [sflag:$0x5], $0x800, $0x38;
	[tilespmem:$0x1D200] =	vst v63  }
0x51: {  	s14 =	sadd.s32 $0x3800, s14  }
0x52: {  	[spmem:s14] =	stream.linear.scatter [tilespmem:s23], [sflag:$0x5], $0x800, $0x38;
	[tilespmem:$0x1D200] =	vst v63  }
0x53: {  	_ =	swait.ge [sflag:s24], $0x800  }
0x54: {  	[sflag:s24] =	ssyncset.done $0x0  }
0x55: {  	[sflag:s24] =	ssyncadd.s32 $0xFFFFF800  }
0x56: {  	_ =	swait.ge [sflag:s24], $0x800  }
0x57: {  	[sflag:s24] =	ssyncset.done $0x0  }
0x58: {  	[sflag:s24] =	ssyncadd.s32 $0xFFFFF800  }
0x59: {  	_ =	swait.ge [sflag:s24], $0x800  }
0x5a: {  	[sflag:s24] =	ssyncset.done $0x0  }
0x5b: {  	[sflag:s24] =	ssyncadd.s32 $0xFFFFF800  }
0x5c: {  	_ =	swait.ge [sflag:s24], $0x800  }
0x5d: {  	[sflag:s24] =	ssyncset.done $0x0  }
0x5e: {  	[sflag:s24] =	ssyncadd.s32 $0xFFFFF800  }
0x5f: {  	_ =	swait.ge [sflag:s24], $0x800  }
0x60: {  	[sflag:s24] =	ssyncset.done $0x0  }
0x61: {  	[sflag:s24] =	ssyncadd.s32 $0xFFFFF800  }
0x62: {  	_ =	swait.ge [sflag:s24], $0x800  }
0x63: {  	[sflag:s24] =	ssyncset.done $0x0  }
0x64: {  	[sflag:s24] =	ssyncadd.s32 $0xFFFFF800  }
0x65: {  	_ =	swait.ge [sflag:s24], $0x800  }
0x66: {  	[sflag:s24] =	ssyncset.done $0x0  }
0x67: {  	[sflag:s24] =	ssyncadd.s32 $0xFFFFF800  }
0x68: {  	_ =	swait.ge [sflag:s24], $0x800  }
0x69: {  	s22 =	simm.s32 $0x20000;
	s14 =	simm.s32 $0x4000;
	[sflag:s24] =	ssyncset.done $0x0  }
.LBB2_4:
0x6a: {  	s20 =	sadd.s32 s14, s9  }
0x6b: {  	[sflag:s24] =	ssyncadd.s32 $0xFFFFF800;
	s14 =	smov.u32 s22;
	s25 =	sadd.s32 $0x10000, s22  }
0x6c: {  	[spmem:s20] =	stream.linear.scatter [tilespmem:s23], [sflag:$0x5], $0x800, $0x38;
	[tilespmem:$0x1D200] =	vst v63  }
0x6d: {  	p1 =	seq.s32 s22, $0x40000;
	s22 =	sadd.s32 $0x800, s20  }
0x6e: {  	[spmem:s22] =	stream.linear.scatter [tilespmem:s23], [sflag:$0x5], $0x800, $0x38;
	[tilespmem:$0x1D200] =	vst v63  }
0x6f: {  	s22 =	sadd.s32 $0x1000, s20  }
0x70: {  	[spmem:s22] =	stream.linear.scatter [tilespmem:s23], [sflag:$0x5], $0x800, $0x38;
	[tilespmem:$0x1D200] =	vst v63  }
0x71: {  	s22 =	sadd.s32 $0x1800, s20  }
0x72: {  	[spmem:s22] =	stream.linear.scatter [tilespmem:s23], [sflag:$0x5], $0x800, $0x38;
	[tilespmem:$0x1D200] =	vst v63  }
0x73: {  	s22 =	sadd.s32 $0x2000, s20  }
0x74: {  	[spmem:s22] =	stream.linear.scatter [tilespmem:s23], [sflag:$0x5], $0x800, $0x38;
	[tilespmem:$0x1D200] =	vst v63  }
0x75: {  	s22 =	sadd.s32 $0x2800, s20  }
0x76: {  	[spmem:s22] =	stream.linear.scatter [tilespmem:s23], [sflag:$0x5], $0x800, $0x38;
	[tilespmem:$0x1D200] =	vst v63  }
0x77: {  	s22 =	sadd.s32 $0x3000, s20  }
0x78: {  	[spmem:s22] =	stream.linear.scatter [tilespmem:s23], [sflag:$0x5], $0x800, $0x38;
	[tilespmem:$0x1D200] =	vst v63  }
0x79: {  	s20 =	sadd.s32 $0x3800, s20  }
0x7a: {  	[spmem:s20] =	stream.linear.scatter [tilespmem:s23], [sflag:$0x5], $0x800, $0x38;
	[tilespmem:$0x1D200] =	vst v63  }
0x7b: {  	_ =	swait.ge [sflag:s24], $0x800  }
0x7c: {  	[sflag:s24] =	ssyncset.done $0x0  }
0x7d: {  	[sflag:s24] =	ssyncadd.s32 $0xFFFFF800  }
0x7e: {  	_ =	swait.ge [sflag:s24], $0x800  }
0x7f: {  	[sflag:s24] =	ssyncset.done $0x0  }
0x80: {  	[sflag:s24] =	ssyncadd.s32 $0xFFFFF800  }
0x81: {  	_ =	swait.ge [sflag:s24], $0x800  }
0x82: {  	[sflag:s24] =	ssyncset.done $0x0  }
0x83: {  	[sflag:s24] =	ssyncadd.s32 $0xFFFFF800  }
0x84: {  	_ =	swait.ge [sflag:s24], $0x800  }
0x85: {  	[sflag:s24] =	ssyncset.done $0x0  }
0x86: {  	[sflag:s24] =	ssyncadd.s32 $0xFFFFF800  }
0x87: {  	_ =	swait.ge [sflag:s24], $0x800  }
0x88: {  	[sflag:s24] =	ssyncset.done $0x0  }
0x89: {  	[sflag:s24] =	ssyncadd.s32 $0xFFFFF800  }
0x8a: {  	_ =	swait.ge [sflag:s24], $0x800  }
0x8b: {  	[sflag:s24] =	ssyncset.done $0x0  }
0x8c: {  	[sflag:s24] =	ssyncadd.s32 $0xFFFFF800  }
.Ltmp3:
0x8d: {  	_ =	swait.ge [sflag:s24], $0x800;
	(pc) =	sbr.rel @!p1 .LBB2_4-.Ltmp3, $4  }
0x8e: {  	[sflag:s24] =	ssyncset.done $0x0  }
0x8f: {  	[sflag:s24] =	ssyncadd.s32 $0xFFFFF800  }
0x90: {  	_ =	swait.ge [sflag:s24], $0x800  }
0x91: {  	s14 =	sshra.s32 s14, $0x2;
	s22 =	smov.u32 s25;
	[sflag:s24] =	ssyncset.done $0x0  }
0x92: {  	s14 =	sadd.s32 s14, s9;
	[sflag:s24] =	ssyncadd.s32 $0xFFFFF800  }
0x93: {  	[spmem:s14] =	stream.linear.scatter [tilespmem:s23], [sflag:$0x5], $0x800, $0x38;
	[tilespmem:$0x1D200] =	vst v63  }
0x94: {  	s20 =	sadd.s32 $0x800, s14  }
0x95: {  	[spmem:s20] =	stream.linear.scatter [tilespmem:s23], [sflag:$0x5], $0x800, $0x38;
	[tilespmem:$0x1D200] =	vst v63  }
0x96: {  	s25 =	sadd.s32 $0x1000, s14  }
0x97: {  	[spmem:s25] =	stream.linear.scatter [tilespmem:s23], [sflag:$0x5], $0x800, $0x38;
	[tilespmem:$0x1D200] =	vst v63  }
0x98: {  	s22 =	sadd.s32 $0x1800, s14  }
0x99: {  	[spmem:s22] =	stream.linear.scatter [tilespmem:s23], [sflag:$0x5], $0x800, $0x38;
	[tilespmem:$0x1D200] =	vst v63  }
0x9a: {  	s25 =	sadd.s32 $0x2000, s14  }
0x9b: {  	[spmem:s25] =	stream.linear.scatter [tilespmem:s23], [sflag:$0x5], $0x800, $0x38;
	[tilespmem:$0x1D200] =	vst v63  }
0x9c: {  	s22 =	sadd.s32 $0x2800, s14  }
0x9d: {  	[spmem:s22] =	stream.linear.scatter [tilespmem:s23], [sflag:$0x5], $0x800, $0x38;
	[tilespmem:$0x1D200] =	vst v63  }
0x9e: {  	s25 =	sadd.s32 $0x3000, s14  }
0x9f: {  	[spmem:s25] =	stream.linear.scatter [tilespmem:s23], [sflag:$0x5], $0x800, $0x38;
	[tilespmem:$0x1D200] =	vst v63  }
0xa0: {  	s14 =	sadd.s32 $0x3800, s14  }
0xa1: {  	[spmem:s14] =	stream.linear.scatter [tilespmem:s23], [sflag:$0x5], $0x800, $0x38;
	[tilespmem:$0x1D200] =	vst v63  }
0xa2: {  	_ =	swait.ge [sflag:s24], $0x800  }
0xa3: {  	[sflag:s24] =	ssyncset.done $0x0  }
0xa4: {  	[sflag:s24] =	ssyncadd.s32 $0xFFFFF800  }
0xa5: {  	_ =	swait.ge [sflag:s24], $0x800  }
0xa6: {  	[sflag:s24] =	ssyncset.done $0x0  }
0xa7: {  	[sflag:s24] =	ssyncadd.s32 $0xFFFFF800  }
0xa8: {  	_ =	swait.ge [sflag:s24], $0x800  }
0xa9: {  	[sflag:s24] =	ssyncset.done $0x0  }
0xaa: {  	[sflag:s24] =	ssyncadd.s32 $0xFFFFF800  }
0xab: {  	_ =	swait.ge [sflag:s24], $0x800  }
0xac: {  	[sflag:s24] =	ssyncset.done $0x0  }
0xad: {  	[sflag:s24] =	ssyncadd.s32 $0xFFFFF800  }
0xae: {  	_ =	swait.ge [sflag:s24], $0x800  }
0xaf: {  	[sflag:s24] =	ssyncset.done $0x0  }
0xb0: {  	[sflag:s24] =	ssyncadd.s32 $0xFFFFF800  }
0xb1: {  	_ =	swait.ge [sflag:s24], $0x800  }
0xb2: {  	[sflag:s24] =	ssyncset.done $0x0  }
0xb3: {  	[sflag:s24] =	ssyncadd.s32 $0xFFFFF800  }
0xb4: {  	_ =	swait.ge [sflag:s24], $0x800  }
0xb5: {  	[sflag:s24] =	ssyncset.done $0x0  }
0xb6: {  	[sflag:s24] =	ssyncadd.s32 $0xFFFFF800  }
0xb7: {  	_ =	swait.ge [sflag:s24], $0x800  }
0xb8: {  	[sflag:s24] =	ssyncset.done $0x0  }
0xb9: {  	s20 =	rddreg [dreg:$0xa];
	[sflag:s24] =	ssyncadd.s32 $0xFFFFF800  }
0xba: {  	[spmem:s20] =	stream.linear.scatter [tilespmem:s23], [sflag:$0xD], $0x80, $0x38;
	[tilespmem:$0x1D200] =	vst v63  }
0xbb: {  	s20 =	simm.s32 $0xD  }
0xbc: {  	_ =	swait.ge [sflag:s20], $0x80  }
0xbd: {  	[sflag:s20] =	ssyncset.done $0x0  }
0xbe: {  	s22 =	rddreg [dreg:$0xc];
	[sflag:s20] =	ssyncadd.s32 $0xFFFFFF80  }
0xbf: {  	[spmem:s22] =	stream.linear.scatter [tilespmem:s23], [sflag:$0xD], $0x80, $0x38;
	[tilespmem:$0x1D200] =	vst v63  }
0xc0: {  	_ =	swait.ge [sflag:s20], $0x80  }
0xc1: {  	[sflag:s20] =	ssyncset.done $0x0  }
0xc2: {  	s25 =	rddreg [dreg:$0xd];
	[sflag:s20] =	ssyncadd.s32 $0xFFFFFF80  }
0xc3: {  	[spmem:s25] =	stream.linear.scatter [tilespmem:s23], [sflag:$0xD], $0x80, $0x38;
	[tilespmem:$0x1D200] =	vst v63  }
0xc4: {  	_ =	swait.ge [sflag:s20], $0x80  }
0xc5: {  	[sflag:s20] =	ssyncset.done $0x0  }
0xc6: {  	s22 =	rddreg [dreg:$0xe];
	[sflag:s20] =	ssyncadd.s32 $0xFFFFFF80  }
0xc7: {  	[spmem:s22] =	stream.linear.scatter [tilespmem:s23], [sflag:$0xD], $0x80, $0x38;
	[tilespmem:$0x1D200] =	vst v63  }
0xc8: {  	_ =	swait.ge [sflag:s20], $0x80  }
0xc9: {  	[sflag:s20] =	ssyncset.done $0x0  }
0xca: {  	s25 =	rddreg [dreg:$0xf];
	[sflag:s20] =	ssyncadd.s32 $0xFFFFFF80  }
0xcb: {  	[spmem:s25] =	stream.linear.scatter [tilespmem:s23], [sflag:$0xD], $0x80, $0x38;
	[tilespmem:$0x1D200] =	vst v63  }
0xcc: {  	_ =	swait.ge [sflag:s20], $0x80  }
0xcd: {  	s14 =	sshrl.u32 @p0 s3, $0x3;
	[sflag:s20] =	ssyncset.done $0x0  }
0xce: {  	s22 =	rddreg [dreg:$0x5];
	[sflag:s20] =	ssyncadd.s32 $0xFFFFFF80;
	s20 =	simm.s32 @p0 $0x1C0D  }
0xcf: {  	[spmem:s14], [sflag:s20] =	dma.local @p0 [hbm:s22], $0x500  }
0xd0: {  	s14 =	simm.s32 @p0 $0xD  }
0xd1: {  	_ =	swait.ge @p0 [sflag:s14], $0x500  }
0xd2: {  	[sflag:s14] =	ssyncset.done @p0 $0x0  }
0xd3: {  	[sflag:s14] =	ssyncadd.s32 @p0 $0xFFFFFB00;
	s14 =	simm.s32 $0x0  }
0xd4: {  	s22 =	sand.u32 $0xFE00, s14  }
0xd5: {  	s25 =	sand.u32 $0x70, s14;
	s20 =	sshrl.u32 s22, $0x2  }
0xd6: {  	s22 =	simm.s32 $0x40;
	s25 =	sor.u32 s25, s20  }
.LBB2_6:
0xd7: {  	p1 =	sne.s32 s22, $0xFFC0  }
0xd8: {  	[tilespmem:s25+$0x4400] =	vst v0;
	s14 =	sadd.s32 $0x10, s14;
	s20 =	smov.u32 s22;
	s22 =	sadd.s32 $0x40, s22  }
.Ltmp4:
0xd9: {  	(pc) =	sbr.rel @p1 .LBB2_6-.Ltmp4, $4  }
0xda: {  	_ = 	snop  }
0xdb: {  	s20 =	sand.u32 $0xFE00, s20  }
0xdc: {  	s25 =	sand.u32 $0x70, s14;
	s20 =	sshrl.u32 s20, $0x2  }
0xdd: {  	s25 =	sor.u32 s25, s20  }
0xde: {  	[tilespmem:s25+$0x4400] =	vst v0  }
0xdf: {  	[tilespmem:$0x8480] =	vst v0  }
0xe0: {  	[tilespmem:$0x8490] =	vst v0  }
0xe1: {  	[tilespmem:$0x84A0] =	vst v0  }
0xe2: {  	[tilespmem:$0x84B0] =	vst v0  }
0xe3: {  	[tilespmem:$0x84C0] =	vst v0  }
0xe4: {  	[tilespmem:$0x84D0] =	vst v0  }
0xe5: {  	[tilespmem:$0x84E0] =	vst v0  }
0xe6: {  	[tilespmem:$0x84F0] =	vst v0  }
0xe7: {  	[bflag:$0x0] =	sbarrier.arrive $0xFFFF  }
0xe8: {  	s22 =	simm.s32 $0x0;
	s20 =	simm.s32 $0xD;
	s14 =	rddreg [dreg:$0x6]  }
0xe9: {  	[tilespmem:s22], [sflag:$0xD] =	stream.linear.gather [hbm4b:s14+s22], $0x100, $0x38;
	[tilespmem:$0x1D200] =	vst v63  }
0xea: {  	_ =	swait.ge [sflag:s20], $0x100  }
0xeb: {  	[sflag:s20] =	ssyncset.done $0x0  }
0xec: {  	s25 =	rddreg [dreg:$0x7];
	[sflag:s20] =	ssyncadd.s32 $0xFFFFFF00  }
0xed: {  	[tilespmem:s26], [sflag:$0x2] =	stream.linear.gather [hbm4b:s25+s22], $0x100, $0x38;
	[tilespmem:$0x1D200] =	vst v63  }
0xee: {  	_ = 	snop  }
0xef: {  	[spmem:s1] =	stream.indirect.scatter.add.f32 [tilespmem:s29], [sflag:$0xA], $0x80, s28, s28, $0xb8;
	[tilespmem:$0x1D200] =	vst v63  }
0xf0: {  	_ = 	snop  }
0xf1: {  	[spmem:s2] =	stream.indirect.scatter.add.f32 [tilespmem:s30], [sflag:$0xC], $0x1, s22, s28, $0xb8;
	[tilespmem:$0x1D200] =	vst v63  }
0xf2: {  	_ = 	snop  }
0xf3: {  	[tilespmem:s31], [sflag:$0x5] =	stream.indirect.gather [hbm4b:s6+s28], $0x80, s22, s28, $0xb8;
	[tilespmem:$0x1D200] =	vst v63  }
0xf4: {  	s25 =	rddreg [dreg:$0x10]  }
0xf5: {  	[tilespmem:s0], [sflag:$0x7] =	stream.indirect.gather [spmem:s3], $0x1, s28, s28, $0xb8;
	[tilespmem:$0x1D200] =	vst v63  }
.LBB2_8:
0xf6: {  	_ =	swait.ge [sflag:s24], $0x4000  }
0xf7: {  	[sflag:s24] =	ssyncset.done $0x0  }
0xf8: {  	[sflag:s24] =	ssyncadd.s32 $0xFFFFC000  }
0xf9: {  	_ =	swait.ge [sflag:s4], $0x80  }
0xfa: {  	[sflag:s4] =	ssyncset.done $0x0  }
0xfb: {  	[sflag:s4] =	ssyncadd.s32 $0xFFFFFF80  }
0xfc: {  	[spmem:s1] =	stream.indirect.scatter.add.f32 [tilespmem:s31], [sflag:$0x9], $0x80, s28, s28, $0xb8;
	[tilespmem:$0x1D200] =	vst v63  }
0xfd: {  	_ = 	snop  }
0xfe: {  	[spmem:s2] =	stream.indirect.scatter.add.f32 [tilespmem:s0], [sflag:$0xB], $0x1, s5, s28, $0xb8;
	[tilespmem:$0x1D200] =	vst v63  }
0xff: {  	_ =	swait.ge [sflag:s7], $0x4000  }
0x100: {  	[sflag:s7] =	ssyncset.done $0x0  }
0x101: {  	[sflag:s7] =	ssyncadd.s32 $0xFFFFC000  }
0x102: {  	_ =	swait.ge [sflag:s10], $0x80  }
0x103: {  	[sflag:s10] =	ssyncset.done $0x0;
	s14 =	rddreg [dreg:$0x13]  }
0x104: {  	[sflag:s10] =	ssyncadd.s32 $0xFFFFFF80;
	s14 =	sadd.s32 s22, s14  }
0x105: {  	[tilespmem:s11], [sflag:$0x3] =	stream.linear.gather [hbm4b:s14+s5], $0x100, $0x38;
	[tilespmem:$0x1D200] =	vst v63  }
0x106: {  	_ =	swait.ge [sflag:s12], $0x100  }
0x107: {  	[sflag:s12] =	ssyncset.done $0x0  }
0x108: {  	[sflag:s12] =	ssyncadd.s32 $0xFFFFFF00  }
0x109: {  	[tilespmem:s29], [sflag:$0x6] =	stream.indirect.gather [hbm4b:s6+s28], $0x80, s26, s28, $0xb8;
	[tilespmem:$0x1D200] =	vst v63  }
0x10a: {  	s20 =	simm.s32 $0x180  }
0x10b: {  	[tilespmem:s30], [sflag:$0x8] =	stream.indirect.gather [spmem:s3], $0x1, s20, s28, $0xb8;
	[tilespmem:$0x1D200] =	vst v63  }
0x10c: {  	_ =	swait.ge [sflag:s15], $0x4000  }
0x10d: {  	[sflag:s15] =	ssyncset.done $0x0  }
0x10e: {  	[sflag:s15] =	ssyncadd.s32 $0xFFFFC000  }
0x10f: {  	_ =	swait.ge [sflag:s16], $0x80  }
0x110: {  	[sflag:s16] =	ssyncset.done $0x0  }
0x111: {  	[sflag:s16] =	ssyncadd.s32 $0xFFFFFF80  }
0x112: {  	[spmem:s1] =	stream.indirect.scatter.add.f32 [tilespmem:s29], [sflag:$0xA], $0x80, s20, s28, $0xb8;
	[tilespmem:$0x1D200] =	vst v63  }
0x113: {  	_ = 	snop  }
0x114: {  	[spmem:s2] =	stream.indirect.scatter.add.f32 [tilespmem:s30], [sflag:$0xC], $0x1, s26, s28, $0xb8;
	[tilespmem:$0x1D200] =	vst v63  }
0x115: {  	_ =	swait.ge [sflag:s8], $0x4000  }
0x116: {  	[sflag:s8] =	ssyncset.done $0x0  }
0x117: {  	[sflag:s8] =	ssyncadd.s32 $0xFFFFC000  }
0x118: {  	_ =	swait.ge [sflag:s17], $0x80  }
0x119: {  	[sflag:s17] =	ssyncset.done $0x0;
	s20 =	rddreg [dreg:$0x12]  }
0x11a: {  	[sflag:s17] =	ssyncadd.s32 $0xFFFFFF80;
	s14 =	sadd.s32 s22, s20  }
0x11b: {  	[tilespmem:s18], [sflag:$0x4] =	stream.linear.gather [hbm4b:s14+s5], $0x100, $0x38;
	[tilespmem:$0x1D200] =	vst v63  }
0x11c: {  	_ =	swait.ge [sflag:s13], $0x100  }
0x11d: {  	[sflag:s13] =	ssyncset.done $0x0  }
0x11e: {  	[sflag:s13] =	ssyncadd.s32 $0xFFFFFF00  }
0x11f: {  	[tilespmem:s31], [sflag:$0x5] =	stream.indirect.gather [hbm4b:s6+s28], $0x80, s11, s28, $0xb8;
	[tilespmem:$0x1D200] =	vst v63  }
0x120: {  	s20 =	simm.s32 $0x280  }
0x121: {  	[tilespmem:s0], [sflag:$0x7] =	stream.indirect.gather [spmem:s3], $0x1, s20, s28, $0xb8;
	[tilespmem:$0x1D200] =	vst v63  }
0x122: {  	_ =	swait.ge [sflag:s24], $0x4000  }
0x123: {  	[sflag:s24] =	ssyncset.done $0x0  }
0x124: {  	[sflag:s24] =	ssyncadd.s32 $0xFFFFC000  }
0x125: {  	_ =	swait.ge [sflag:s4], $0x80  }
0x126: {  	[sflag:s4] =	ssyncset.done $0x0  }
0x127: {  	[sflag:s4] =	ssyncadd.s32 $0xFFFFFF80  }
0x128: {  	[spmem:s1] =	stream.indirect.scatter.add.f32 [tilespmem:s31], [sflag:$0x9], $0x80, s20, s28, $0xb8;
	[tilespmem:$0x1D200] =	vst v63  }
0x129: {  	_ = 	snop  }
0x12a: {  	[spmem:s2] =	stream.indirect.scatter.add.f32 [tilespmem:s0], [sflag:$0xB], $0x1, s11, s28, $0xb8;
	[tilespmem:$0x1D200] =	vst v63  }
0x12b: {  	_ =	swait.ge [sflag:s7], $0x4000  }
0x12c: {  	[sflag:s7] =	ssyncset.done $0x0  }
0x12d: {  	[sflag:s7] =	ssyncadd.s32 $0xFFFFC000  }
0x12e: {  	_ =	swait.ge [sflag:s10], $0x80  }
0x12f: {  	p1 =	seq.s32 s22, $0x980;
	[sflag:s10] =	ssyncset.done $0x0;
	s14 =	rddreg [dreg:$0x11]  }
0x130: {  	s20 =	simm.s32 @!p1 $0x0;
	[sflag:s10] =	ssyncadd.s32 $0xFFFFFF80;
	s14 =	sadd.s32 @!p1 s22, s14  }
0x131: {  	[tilespmem:s20], [sflag:$0x1] =	stream.linear.gather @!p1 [hbm4b:s14+s20], $0x100, $0x38;
	[tilespmem:$0x1D200] =	vst v63  }
0x132: {  	_ =	swait.ge [sflag:s19], $0x100  }
0x133: {  	[sflag:s19] =	ssyncset.done $0x0  }
0x134: {  	[sflag:s19] =	ssyncadd.s32 $0xFFFFFF00  }
0x135: {  	[tilespmem:s29], [sflag:$0x6] =	stream.indirect.gather [hbm4b:s6+s28], $0x80, s18, s28, $0xb8;
	[tilespmem:$0x1D200] =	vst v63  }
0x136: {  	s20 =	simm.s32 $0x380  }
0x137: {  	[tilespmem:s30], [sflag:$0x8] =	stream.indirect.gather [spmem:s3], $0x1, s20, s28, $0xb8;
	[tilespmem:$0x1D200] =	vst v63  }
0x138: {  	_ =	swait.ge [sflag:s15], $0x4000  }
0x139: {  	[sflag:s15] =	ssyncset.done $0x0  }
0x13a: {  	[sflag:s15] =	ssyncadd.s32 $0xFFFFC000  }
0x13b: {  	_ =	swait.ge [sflag:s16], $0x80  }
0x13c: {  	[sflag:s16] =	ssyncset.done $0x0  }
0x13d: {  	[sflag:s16] =	ssyncadd.s32 $0xFFFFFF80  }
0x13e: {  	[spmem:s1] =	stream.indirect.scatter.add.f32 [tilespmem:s29], [sflag:$0xA], $0x80, s20, s28, $0xb8;
	[tilespmem:$0x1D200] =	vst v63  }
0x13f: {  	_ = 	snop  }
0x140: {  	[spmem:s2] =	stream.indirect.scatter.add.f32 [tilespmem:s30], [sflag:$0xC], $0x1, s18, s28, $0xb8;
	[tilespmem:$0x1D200] =	vst v63  }
0x141: {  	_ =	swait.ge [sflag:s8], $0x4000  }
.Ltmp5:
0x142: {  	[sflag:s8] =	ssyncset.done $0x0;
	(pc) =	sbr.rel @p1 .LBB2_10-.Ltmp5, $4  }
0x143: {  	[sflag:s8] =	ssyncadd.s32 $0xFFFFC000  }
0x144: {  	_ =	swait.ge [sflag:s17], $0x80  }
0x145: {  	[sflag:s17] =	ssyncset.done $0x0  }
0x146: {  	[sflag:s17] =	ssyncadd.s32 $0xFFFFFF80  }
0x147: {  	s14 =	sadd.s32 s22, s25  }
0x148: {  	[tilespmem:s26], [sflag:$0x2] =	stream.linear.gather [hbm4b:s14+s5], $0x100, $0x38;
	[tilespmem:$0x1D200] =	vst v63  }
0x149: {  	_ =	swait.ge [sflag:s21], $0x100  }
.Ltmp6:
0x14a: {  	[sflag:s21] =	ssyncset.done $0x0;
	(pc) =	sbr.rel .LBB2_8-.Ltmp6, $4  }
0x14b: {  	[sflag:s21] =	ssyncadd.s32 $0xFFFFFF00  }
0x14c: {  	[tilespmem:s31], [sflag:$0x5] =	stream.indirect.gather [hbm4b:s6+s28], $0x80, s5, s28, $0xb8;
	[tilespmem:$0x1D200] =	vst v63  }
0x14d: {  	s22 =	sadd.s32 $0x80, s22  }
0x14e: {  	[tilespmem:s0], [sflag:$0x7] =	stream.indirect.gather [spmem:s3], $0x1, s28, s28, $0xb8;
	[tilespmem:$0x1D200] =	vst v63  }
.LBB2_11:
0x14f: {  	_ =	sfence.sel $0x180000  }
0x150: {  	[bflag:$0x0] =	sbarrier.arrive $0xFFFF  }
0x151: {  	_ =	strace $0x9000004A  }
0x152: {  	s0 =	stileid.u32;
	[bflag:$0x2] =	sbarrier.arrive $0xFFFF  }
0x153: {  	p0 =	sne.s32 s0, $0x0;
	s0 =	rddreg [dreg:$0x4]  }
0x154: {  	s0 =	sadd.s32 @!p0 $0x100000, s0  }
0x155: {  	[sflag:s0] =	ssyncadd.tile.s32 @!p0 $0x1;
	_ =	shalt  }
.Lfunc_end2:
_tile_overlayer_lowered:
.L_overlay_start_2:
0x156: {  	(tag) =	ssettag $0x2  }
0x157: {  	s0 =	rddreg [dreg:$0x0];
	s2 =	stileid.u32  }
0x158: {  	s1 =	rddreg [dreg:$0x1];
	p0 =	sne.s32 s2, $0x0  }
0x159: {  	s3 =	rddreg [dreg:$0x2];
	[bflag:$0x3] =	sbarrier.arrive $0xFFFF;
	s2 =	simm.s32 @!p0 $0x1C0D  }
0x15a: {  	[timem:s3], [sflag:s2] =	dma.local @!p0 [hbm:s0], s1  }
0x15b: {  	s0 =	simm.s32 @!p0 $0xD  }
0x15c: {  	_ =	swait.ge @!p0 [sflag:s0], s1  }
0x15d: {  	s1 =	ssub.s32 @!p0 $0x0, s1;
	[sflag:s0] =	ssyncset.done @!p0 $0x0  }
0x15e: {  	[sflag:s0] =	ssyncadd.s32 @!p0 s1  }
0x15f: {  	[bflag:$0x3] =	sbarrier.arrive $0xFFFF  }
0x160: {  	_ =	shalt  }

</sc_bundles>
